<compile_context>
chip_gen: v7x
topology: tpu7x:2x2x1
jax: 0.10.2.dev20260603
libtpu: 0.0.44.dev20260713+nightly
codegen_flags: <defaults>
</compile_context>

<pallas_src>
import functools

import jax
import jax.numpy as jnp
from jax import lax
from jax.experimental import pallas as pl
from jax.experimental.pallas import tpu as pltpu
from jax.experimental.pallas import tpu_sc as plsc

N = 10000
E = 160000
D = 256
DH = 128
DT = 512
NSUB = 16
EPT = E // NSUB
CH = 80
NCH = EPT // CH
NPH = 5
PCH = NCH // NPH
SLAB = 624
SLAB_LAST = N - 15 * SLAB
EPW = E // 32
DCH = 40
DNCH = EPW // DCH

_mesh = plsc.VectorSubcoreMesh(core_axis_name="c", subcore_axis_name="s")


@functools.partial(
    pl.kernel,
    mesh=_mesh,
    out_type=(
        jax.ShapeDtypeStruct((N,), jnp.float32),
        jax.ShapeDtypeStruct((N,), jnp.float32),
    ),
    scratch_types=[
        pltpu.VMEM((DNCH, DCH), jnp.int32),
        pltpu.VMEM((DCH,), jnp.float32),
        pltpu.VMEM_SHARED((N,), jnp.float32),
        pltpu.SemaphoreType.DMA,
    ],
)
def _deg_kernel(edges_hbm, ones_hbm, zeros_hbm, out0_hbm, out1_hbm,
                dst_v, ones_v, acc, sem):
    c = lax.axis_index("c")
    s = lax.axis_index("s")
    wid = c * NSUB + s
    pltpu.sync_copy(edges_hbm.at[1, wid], dst_v)
    pltpu.sync_copy(ones_hbm, ones_v)

    @pl.when(s == 0)
    def _():
        pltpu.sync_copy(zeros_hbm, acc)

    plsc.subcore_barrier()

    def body(k, carry):
        pltpu.async_copy(ones_v, acc.at[dst_v.at[k]], sem, add=True)
        return carry

    lax.fori_loop(0, DNCH, body, 0)

    def drain(k, carry):
        pltpu.make_async_copy(ones_v, acc.at[dst_v.at[k]], sem).wait()
        return carry

    lax.fori_loop(0, DNCH, drain, 0)
    plsc.subcore_barrier()

    @pl.when((s == 0) & (c == 0))
    def _():
        pltpu.sync_copy(acc, out0_hbm)

    @pl.when((s == 0) & (c == 1))
    def _():
        pltpu.sync_copy(acc, out1_hbm)


@functools.partial(
    pl.kernel,
    mesh=_mesh,
    out_type=(
        jax.ShapeDtypeStruct((N, DH), jnp.float32),
        jax.ShapeDtypeStruct((N, DH), jnp.float32),
    ),
    scratch_types=[
        pltpu.VMEM((PCH, CH), jnp.int32),
        pltpu.VMEM((PCH, CH), jnp.int32),
        pltpu.VMEM((CH, DH), jnp.float32),
        pltpu.VMEM((CH, DH), jnp.float32),
        pltpu.VMEM((CH, DH), jnp.float32),
        pltpu.VMEM((CH, DH), jnp.float32),
        pltpu.VMEM_SHARED((N, DH), jnp.float32),
        pltpu.SemaphoreType.DMA,
        pltpu.SemaphoreType.DMA,
        pltpu.SemaphoreType.DMA,
        pltpu.SemaphoreType.DMA,
        pltpu.SemaphoreType.DMA,
        pltpu.SemaphoreType.DMA,
        pltpu.SemaphoreType.DMA,
        pltpu.SemaphoreType.DMA,
    ],
)
def _scatter_kernel(ga_hbm, gb_hbm, edges_hbm,
                    outa_hbm, outb_hbm, src_v, dst_v,
                    gbuf_a, gbuf_b, gbuf_c, gbuf_d, acc,
                    sg_a, sg_b, sg_c, sg_d, ss_a, ss_b, ss_c, ss_d):
    c = lax.axis_index("c")
    s = lax.axis_index("s")

    def init_selfloop():
        @pl.when((c == 0) & (s < 15))
        def _():
            pltpu.sync_copy(ga_hbm.at[pl.ds(s * SLAB, SLAB)],
                            acc.at[pl.ds(s * SLAB, SLAB)])

        @pl.when((c == 0) & (s == 15))
        def _():
            pltpu.sync_copy(ga_hbm.at[pl.ds(15 * SLAB, SLAB_LAST)],
                            acc.at[pl.ds(15 * SLAB, SLAB_LAST)])

        @pl.when((c == 1) & (s < 15))
        def _():
            pltpu.sync_copy(gb_hbm.at[pl.ds(s * SLAB, SLAB)],
                            acc.at[pl.ds(s * SLAB, SLAB)])

        @pl.when((c == 1) & (s == 15))
        def _():
            pltpu.sync_copy(gb_hbm.at[pl.ds(15 * SLAB, SLAB_LAST)],
                            acc.at[pl.ds(15 * SLAB, SLAB_LAST)])

    def gstart(k, buf, sem):
        @pl.when(c == 0)
        def _():
            pltpu.async_copy(ga_hbm.at[src_v.at[k]], buf, sem)

        @pl.when(c == 1)
        def _():
            pltpu.async_copy(gb_hbm.at[src_v.at[k]], buf, sem)

    def gwait(k, buf, sem):
        @pl.when(c == 0)
        def _():
            pltpu.make_async_copy(ga_hbm.at[src_v.at[k]], buf, sem).wait()

        @pl.when(c == 1)
        def _():
            pltpu.make_async_copy(gb_hbm.at[src_v.at[k]], buf, sem).wait()

    def sstart(k, buf, sem):
        pltpu.async_copy(buf, acc.at[dst_v.at[k]], sem, add=True)

    def swait(k, buf, sem):
        pltpu.make_async_copy(buf, acc.at[dst_v.at[k]], sem).wait()

    bufs = ((gbuf_a, sg_a, ss_a), (gbuf_b, sg_b, ss_b),
            (gbuf_c, sg_c, ss_c), (gbuf_d, sg_d, ss_d))
    NBUF = 4

    def phase(p, pcarry):
        pltpu.sync_copy(edges_hbm.at[0, s, p], src_v)
        pltpu.sync_copy(edges_hbm.at[1, s, p], dst_v)
        gstart(0, bufs[0][0], bufs[0][1])
        gstart(1, bufs[1][0], bufs[1][1])
        gstart(2, bufs[2][0], bufs[2][1])

        @pl.when(p == 0)
        def _():
            init_selfloop()
            plsc.subcore_barrier()

        def body(k, carry):
            for r in range(NBUF):
                @pl.when(lax.rem(k, NBUF) == r)
                def _(r=r):
                    b = bufs[r]
                    bprev = bufs[(r + NBUF - 1) % NBUF]
                    bnext3 = bufs[(r + 3) % NBUF]
                    gwait(k, b[0], b[1])

                    @pl.when(k >= 1)
                    def _():
                        swait(k - 1, bprev[0], bprev[2])

                    @pl.when(k + 3 < PCH)
                    def _():
                        gstart(k + 3, bnext3[0], bnext3[1])

                    sstart(k, b[0], b[2])

            return carry

        lax.fori_loop(0, PCH, body, 0)
        blast = bufs[(PCH - 1) % NBUF]
        swait(PCH - 1, blast[0], blast[2])
        return pcarry

    lax.fori_loop(0, NPH, phase, 0)
    plsc.subcore_barrier()

    @pl.when((c == 0) & (s < 15))
    def _():
        pltpu.sync_copy(acc.at[pl.ds(s * SLAB, SLAB)],
                        outa_hbm.at[pl.ds(s * SLAB, SLAB)])

    @pl.when((c == 0) & (s == 15))
    def _():
        pltpu.sync_copy(acc.at[pl.ds(15 * SLAB, SLAB_LAST)],
                        outa_hbm.at[pl.ds(15 * SLAB, SLAB_LAST)])

    @pl.when((c == 1) & (s < 15))
    def _():
        pltpu.sync_copy(acc.at[pl.ds(s * SLAB, SLAB)],
                        outb_hbm.at[pl.ds(s * SLAB, SLAB)])

    @pl.when((c == 1) & (s == 15))
    def _():
        pltpu.sync_copy(acc.at[pl.ds(15 * SLAB, SLAB_LAST)],
                        outb_hbm.at[pl.ds(15 * SLAB, SLAB_LAST)])


RB = 1000
GRID = N // RB


def _mm1_body(p0_ref, p1_ref, x_ref, w1_ref, ga_ref, gb_ref, dinv_ref,
              dinv_scr):
    i = pl.program_id(0)

    @pl.when(i == 0)
    def _():
        deg = 1.0 + p0_ref[...] + p1_ref[...]
        dinv_scr[...] = lax.rsqrt(deg)[:, None]

    @pl.when(i > 0)
    def _():
        r = i - 1
        dinv = dinv_scr[pl.ds(r * RB, RB), :]
        h1 = jnp.dot(x_ref[...], w1_ref[...],
                     preferred_element_type=jnp.float32)
        g1 = h1 * dinv
        ga_ref[...] = g1[:, :DH]
        gb_ref[...] = g1[:, DH:]
        dinv_ref[...] = dinv


def _mm1(p0, p1, x, W1):
    return pl.pallas_call(
        _mm1_body,
        grid=(GRID + 1,),
        in_specs=[
            pl.BlockSpec((N,), lambda i: (0,)),
            pl.BlockSpec((N,), lambda i: (0,)),
            pl.BlockSpec((RB, D), lambda i: (jnp.maximum(i - 1, 0), 0)),
            pl.BlockSpec((D, D), lambda i: (0, 0)),
        ],
        out_specs=[
            pl.BlockSpec((RB, DH), lambda i: (jnp.maximum(i - 1, 0), 0)),
            pl.BlockSpec((RB, DH), lambda i: (jnp.maximum(i - 1, 0), 0)),
            pl.BlockSpec((RB, 1), lambda i: (jnp.maximum(i - 1, 0), 0)),
        ],
        out_shape=[
            jax.ShapeDtypeStruct((N, DH), jnp.float32),
            jax.ShapeDtypeStruct((N, DH), jnp.float32),
            jax.ShapeDtypeStruct((N, 1), jnp.float32),
        ],
        scratch_shapes=[pltpu.VMEM((N, 1), jnp.float32)],
    )(p0, p1, x, W1)


def _mm2_body(s1a_ref, s1b_ref, te_ref, we_ref, be_ref,
              b1_ref, dinv_ref, w2_ref, g2a_ref, g2b_ref):
    s1 = jnp.concatenate([s1a_ref[...], s1b_ref[...]], axis=1)
    dinv = dinv_ref[...]
    tt = jnp.dot(te_ref[...], we_ref[...],
                 preferred_element_type=jnp.float32)
    tt = tt + be_ref[...][None, :]
    t = tt * jax.nn.sigmoid(tt)
    h = dinv * s1 + b1_ref[...][None, :] + t
    g2 = jnp.dot(h, w2_ref[...],
                 preferred_element_type=jnp.float32) * dinv
    g2a_ref[...] = g2[:, :DH]
    g2b_ref[...] = g2[:, DH:]


def _mm2(s1a, s1b, t_emb, We, be, b1, dinv, W2):
    return pl.pallas_call(
        _mm2_body,
        grid=(GRID,),
        in_specs=[
            pl.BlockSpec((RB, DH), lambda i: (i, 0)),
            pl.BlockSpec((RB, DH), lambda i: (i, 0)),
            pl.BlockSpec((RB, DT), lambda i: (i, 0)),
            pl.BlockSpec((DT, D), lambda i: (0, 0)),
            pl.BlockSpec((D,), lambda i: (0,)),
            pl.BlockSpec((D,), lambda i: (0,)),
            pl.BlockSpec((RB, 1), lambda i: (i, 0)),
            pl.BlockSpec((D, D), lambda i: (0, 0)),
        ],
        out_specs=[
            pl.BlockSpec((RB, DH), lambda i: (i, 0)),
            pl.BlockSpec((RB, DH), lambda i: (i, 0)),
        ],
        out_shape=[
            jax.ShapeDtypeStruct((N, DH), jnp.float32),
            jax.ShapeDtypeStruct((N, DH), jnp.float32),
        ],
    )(s1a, s1b, t_emb, We, be, b1, dinv, W2)


def _final_body(x_ref, s2a_ref, s2b_ref, b2_ref, dinv_ref, out_ref):
    s2 = jnp.concatenate([s2a_ref[...], s2b_ref[...]], axis=1)
    pre = dinv_ref[...] * s2 + b2_ref[...][None, :]
    out_ref[...] = x_ref[...] + pre * jax.nn.sigmoid(pre)


def _final(x, s2a, s2b, b2, dinv):
    return pl.pallas_call(
        _final_body,
        grid=(GRID,),
        in_specs=[
            pl.BlockSpec((RB, D), lambda i: (i, 0)),
            pl.BlockSpec((RB, DH), lambda i: (i, 0)),
            pl.BlockSpec((RB, DH), lambda i: (i, 0)),
            pl.BlockSpec((D,), lambda i: (0,)),
            pl.BlockSpec((RB, 1), lambda i: (i, 0)),
        ],
        out_specs=pl.BlockSpec((RB, D), lambda i: (i, 0)),
        out_shape=jax.ShapeDtypeStruct((N, D), jnp.float32),
    )(x, s2a, s2b, b2, dinv)


def kernel(x, edge_index, t_emb, W1, b1, W2, b2, We, be):
    edges_deg = edge_index.reshape(2, 32, DNCH, DCH)
    edges_sc = edge_index.reshape(2, NSUB, NPH, PCH, CH)
    ones_d = jnp.ones((DCH,), jnp.float32)
    zeros_n = jnp.zeros((N,), jnp.float32)

    p0, p1 = _deg_kernel(edges_deg, ones_d, zeros_n)
    ga, gb, dinv = _mm1(p0, p1, x, W1)
    s1a, s1b = _scatter_kernel(ga, gb, edges_sc)
    g2a, g2b = _mm2(s1a, s1b, t_emb, We, be, b1, dinv, W2)
    s2a, s2b = _scatter_kernel(g2a, g2b, edges_sc)
    return _final(x, s2a, s2b, b2, dinv)

# --- scband reference (transcript-rebuilt; emitter-appended) ---
"""Pipeline reference for scband-graph-res-net-block-10840497455824 (READ-ONLY COPY).

The authoritative reference and input builder live on the scoring server;
editing this copy changes nothing except your own understanding.
"""

import jax, jax.numpy as jnp
import numpy as np

N = 10000
E = 160000
D = 256
DT = 512


def setup_inputs(seed: int = 0) -> dict:
    key = jax.random.key(seed)
    ks = jax.random.split(key, 8)
    x = jax.random.normal(ks[0], (N, D), dtype=jnp.float32)
    edge_index = jax.random.randint(ks[1], (2, E), 0, N, dtype=jnp.int32)
    t_emb = jax.random.normal(ks[2], (N, DT), dtype=jnp.float32)
    # GCNConv weights (glorot-ish scale), linear applied before propagation; bias added after aggregation
    W1 = jax.random.normal(ks[3], (D, D), dtype=jnp.float32) * (1.0 / jnp.sqrt(D))
    b1 = jnp.zeros((D,), dtype=jnp.float32)
    W2 = jax.random.normal(ks[4], (D, D), dtype=jnp.float32) * (1.0 / jnp.sqrt(D))
    b2 = jnp.zeros((D,), dtype=jnp.float32)
    # emb_layers: Linear(d_t_emb, out_channels) with bias, then SiLU
    We = jax.random.normal(ks[5], (DT, D), dtype=jnp.float32) * (1.0 / jnp.sqrt(DT))
    be = jnp.zeros((D,), dtype=jnp.float32)
    return {"x": x, "edge_index": edge_index, "t_emb": t_emb,
            "W1": W1, "b1": b1, "W2": W2, "b2": b2, "We": We, "be": be}


def _gcn_conv(x, src, dst, W, b, num_nodes):
    # PyG GCNConv: add self-loops, symmetric normalization D^-1/2 (A+I) D^-1/2 (X W) + b
    h = x @ W
    loop = jnp.arange(num_nodes, dtype=src.dtype)
    s = jnp.concatenate([src, loop])
    d = jnp.concatenate([dst, loop])
    deg = jnp.zeros((num_nodes,), dtype=h.dtype).at[d].add(1.0)
    dinv = jax.lax.rsqrt(deg)  # deg >= 1 due to self-loops
    norm = dinv[s] * dinv[d]
    msg = h[s] * norm[:, None]
    out = jnp.zeros((num_nodes, h.shape[1]), dtype=h.dtype).at[d].add(msg)
    return out + b


def reference(x, edge_index, t_emb, W1, b1, W2, b2, We, be):
    src = edge_index[0]
    dst = edge_index[1]
    n = x.shape[0]
    h = _gcn_conv(x, src, dst, W1, b1, n)
    # emb_layers: SiLU(Linear(t_emb)); h += t
    t = jax.nn.silu(t_emb @ We + be)
    h = h + t
    # out_conv: Dropout(p=0.0) -> GCNConv -> SiLU
    h2 = jax.nn.silu(_gcn_conv(h, src, dst, W2, b2, n))
    # out_channels == channels -> skip_connection is None -> x + h
    return x + h2

if __name__ == "__main__":
    import jax
    _d = setup_inputs()
    print(jax.jit(kernel)(*tuple(_d.values())))

</pallas_src>

<mosaic_0001>
#map = affine_map<(d0, d1) -> (0, 0)>
#map1 = affine_map<(d0, d1) -> (0, 0, 0, 0, 0)>
module attributes {stable_mosaic.version = 14 : i64} {
  func.func @_scatter_kernel(%arg0: i32, %arg1: i32, %arg2: memref<10000x128xf32, #tpu.memory_space<hbm>>, %arg3: memref<10000x128xf32, #tpu.memory_space<hbm>>, %arg4: memref<2x16x5x25x80xi32, #tpu.memory_space<hbm>>, %arg5: memref<10000x128xf32, #tpu.memory_space<hbm>>, %arg6: memref<10000x128xf32, #tpu.memory_space<hbm>>, %arg7: memref<25x80xi32, #tpu.memory_space<vmem>>, %arg8: memref<25x80xi32, #tpu.memory_space<vmem>>, %arg9: memref<80x128xf32, #tpu.memory_space<vmem>>, %arg10: memref<80x128xf32, #tpu.memory_space<vmem>>, %arg11: memref<80x128xf32, #tpu.memory_space<vmem>>, %arg12: memref<80x128xf32, #tpu.memory_space<vmem>>, %arg13: memref<10000x128xf32, #tpu.memory_space<vmem_shared>>, %arg14: memref<!tpu.dma_semaphore, #tpu.memory_space<semaphore_mem>>, %arg15: memref<!tpu.dma_semaphore, #tpu.memory_space<semaphore_mem>>, %arg16: memref<!tpu.dma_semaphore, #tpu.memory_space<semaphore_mem>>, %arg17: memref<!tpu.dma_semaphore, #tpu.memory_space<semaphore_mem>>, %arg18: memref<!tpu.dma_semaphore, #tpu.memory_space<semaphore_mem>>, %arg19: memref<!tpu.dma_semaphore, #tpu.memory_space<semaphore_mem>>, %arg20: memref<!tpu.dma_semaphore, #tpu.memory_space<semaphore_mem>>, %arg21: memref<!tpu.dma_semaphore, #tpu.memory_space<semaphore_mem>>) attributes {dimension_semantics = [#tpu.dimension_semantics<core_parallel>, #tpu.dimension_semantics<subcore_parallel>], iteration_bounds = array<i64: 2, 16>, scalar_prefetch = 0 : i64, scratch_operands = 15 : i64, tpu.core_type = #tpu.core_type<sc_vector_subcore>, window_params = [{transform_indices = #map}, {transform_indices = #map}, {transform_indices = #map1}, {transform_indices = #map}, {transform_indices = #map}]} {
    %scan3A = arith.constant 0 : i32
    %scan3A_0 = arith.constant 0 : i32
    %scan3A_1 = arith.constant 5 : i32
    %scan3A_2 = arith.addi %scan3A_0, %scan3A_1 : i32
    %scan3A_3 = arith.constant 1 : i32
    scf.for %scan3A_32 = %scan3A_0 to %scan3A_2 step %scan3A_3  : i32 {
      %run_scoped3A = arith.constant 0 : i32
      "tpu.region"() ({
        %run_scoped3A_81 = tpu.sem_alloc : memref<!tpu.dma_semaphore, #tpu.memory_space<semaphore_mem>>
        %dma_start3A = arith.constant 0 : i32
        %dma_start3A_82 = arith.constant 0 : i32
        %dma_start3A_83 = tpu.memref_slice %arg4[%run_scoped3A, %arg1, %scan3A_32, %dma_start3A, %dma_start3A_82] : memref<2x16x5x25x80xi32, #tpu.memory_space<hbm>> -> memref<1x1x1x25x80xi32, #tpu.memory_space<hbm>>
        %dma_start3A_84 = tpu.memref_squeeze %dma_start3A_83 : memref<1x1x1x25x80xi32, #tpu.memory_space<hbm>> -> memref<25x80xi32, #tpu.memory_space<hbm>>
        %dma_start3A_85 = arith.constant 0 : i32
        %dma_start3A_86 = arith.constant 0 : i32
        %dma_start3A_87 = tpu.memref_slice %arg4[%run_scoped3A, %arg1, %scan3A_32, %dma_start3A_85, %dma_start3A_86] : memref<2x16x5x25x80xi32, #tpu.memory_space<hbm>> -> memref<1x1x1x25x80xi32, #tpu.memory_space<hbm>>
        %dma_start3A_88 = tpu.memref_squeeze %dma_start3A_87 : memref<1x1x1x25x80xi32, #tpu.memory_space<hbm>> -> memref<25x80xi32, #tpu.memory_space<hbm>>
        tpu.enqueue_dma source(%dma_start3A_88 : memref<25x80xi32, #tpu.memory_space<hbm>>) target(%arg7 : memref<25x80xi32, #tpu.memory_space<vmem>>) target_semaphore(%run_scoped3A_81 : memref<!tpu.dma_semaphore, #tpu.memory_space<semaphore_mem>>)
        %dma_wait3A_89 = arith.constant 0 : i32
        %dma_wait3A_90 = arith.constant 0 : i32
        %dma_wait3A_91 = tpu.memref_slice %arg4[%run_scoped3A, %arg1, %scan3A_32, %dma_wait3A_89, %dma_wait3A_90] : memref<2x16x5x25x80xi32, #tpu.memory_space<hbm>> -> memref<1x1x1x25x80xi32, #tpu.memory_space<hbm>>
        %dma_wait3A_92 = tpu.memref_squeeze %dma_wait3A_91 : memref<1x1x1x25x80xi32, #tpu.memory_space<hbm>> -> memref<25x80xi32, #tpu.memory_space<hbm>>
        %dma_wait3A_93 = arith.constant 0 : i32
        %dma_wait3A_94 = arith.constant 0 : i32
        %dma_wait3A_95 = tpu.memref_slice %arg4[%run_scoped3A, %arg1, %scan3A_32, %dma_wait3A_93, %dma_wait3A_94] : memref<2x16x5x25x80xi32, #tpu.memory_space<hbm>> -> memref<1x1x1x25x80xi32, #tpu.memory_space<hbm>>
        %dma_wait3A_96 = tpu.memref_squeeze %dma_wait3A_95 : memref<1x1x1x25x80xi32, #tpu.memory_space<hbm>> -> memref<25x80xi32, #tpu.memory_space<hbm>>
        tpu.wait_dma2 semaphore(%run_scoped3A_81 : memref<!tpu.dma_semaphore, #tpu.memory_space<semaphore_mem>>) src(%dma_wait3A_96 : memref<25x80xi32, #tpu.memory_space<hbm>>) dst(%arg7 : memref<25x80xi32, #tpu.memory_space<vmem>>)
        tpu.yield
      }) : () -> ()
      %run_scoped3A_33 = arith.constant 1 : i32
      "tpu.region"() ({
        %run_scoped3A_81 = tpu.sem_alloc : memref<!tpu.dma_semaphore, #tpu.memory_space<semaphore_mem>>
        %dma_start3A = arith.constant 0 : i32
        %dma_start3A_82 = arith.constant 0 : i32
        %dma_start3A_83 = tpu.memref_slice %arg4[%run_scoped3A_33, %arg1, %scan3A_32, %dma_start3A, %dma_start3A_82] : memref<2x16x5x25x80xi32, #tpu.memory_space<hbm>> -> memref<1x1x1x25x80xi32, #tpu.memory_space<hbm>>
        %dma_start3A_84 = tpu.memref_squeeze %dma_start3A_83 : memref<1x1x1x25x80xi32, #tpu.memory_space<hbm>> -> memref<25x80xi32, #tpu.memory_space<hbm>>
        %dma_start3A_85 = arith.constant 0 : i32
        %dma_start3A_86 = arith.constant 0 : i32
        %dma_start3A_87 = tpu.memref_slice %arg4[%run_scoped3A_33, %arg1, %scan3A_32, %dma_start3A_85, %dma_start3A_86] : memref<2x16x5x25x80xi32, #tpu.memory_space<hbm>> -> memref<1x1x1x25x80xi32, #tpu.memory_space<hbm>>
        %dma_start3A_88 = tpu.memref_squeeze %dma_start3A_87 : memref<1x1x1x25x80xi32, #tpu.memory_space<hbm>> -> memref<25x80xi32, #tpu.memory_space<hbm>>
        tpu.enqueue_dma source(%dma_start3A_88 : memref<25x80xi32, #tpu.memory_space<hbm>>) target(%arg8 : memref<25x80xi32, #tpu.memory_space<vmem>>) target_semaphore(%run_scoped3A_81 : memref<!tpu.dma_semaphore, #tpu.memory_space<semaphore_mem>>)
        %dma_wait3A_89 = arith.constant 0 : i32
        %dma_wait3A_90 = arith.constant 0 : i32
        %dma_wait3A_91 = tpu.memref_slice %arg4[%run_scoped3A_33, %arg1, %scan3A_32, %dma_wait3A_89, %dma_wait3A_90] : memref<2x16x5x25x80xi32, #tpu.memory_space<hbm>> -> memref<1x1x1x25x80xi32, #tpu.memory_space<hbm>>
        %dma_wait3A_92 = tpu.memref_squeeze %dma_wait3A_91 : memref<1x1x1x25x80xi32, #tpu.memory_space<hbm>> -> memref<25x80xi32, #tpu.memory_space<hbm>>
        %dma_wait3A_93 = arith.constant 0 : i32
        %dma_wait3A_94 = arith.constant 0 : i32
        %dma_wait3A_95 = tpu.memref_slice %arg4[%run_scoped3A_33, %arg1, %scan3A_32, %dma_wait3A_93, %dma_wait3A_94] : memref<2x16x5x25x80xi32, #tpu.memory_space<hbm>> -> memref<1x1x1x25x80xi32, #tpu.memory_space<hbm>>
        %dma_wait3A_96 = tpu.memref_squeeze %dma_wait3A_95 : memref<1x1x1x25x80xi32, #tpu.memory_space<hbm>> -> memref<25x80xi32, #tpu.memory_space<hbm>>
        tpu.wait_dma2 semaphore(%run_scoped3A_81 : memref<!tpu.dma_semaphore, #tpu.memory_space<semaphore_mem>>) src(%dma_wait3A_96 : memref<25x80xi32, #tpu.memory_space<hbm>>) dst(%arg8 : memref<25x80xi32, #tpu.memory_space<vmem>>)
        tpu.yield
      }) : () -> ()
      %eq3A_34 = arith.constant 0 : i32
      %eq3A_35 = arith.cmpi eq, %arg0, %eq3A_34 : i32
      %convert_element_type3A_36 = arith.extui %eq3A_35 : i1 to i32
      %cond3A_37 = arith.constant 0 : i32
      %cond3A_38 = arith.cmpi ne, %convert_element_type3A_36, %cond3A_37 : i32
      scf.if %cond3A_38 {
        %dma_start3A = arith.constant 0 : i32
        %dma_start3A_81 = arith.constant 0 : i32
        %dma_start3A_82 = tpu.memref_slice %arg7[%dma_start3A, %dma_start3A_81] : memref<25x80xi32, #tpu.memory_space<vmem>> -> memref<1x80xi32, #tpu.memory_space<vmem>>
        %dma_start3A_83 = tpu.memref_squeeze %dma_start3A_82 : memref<1x80xi32, #tpu.memory_space<vmem>> -> memref<80xi32, #tpu.memory_space<vmem>>
        %dma_start3A_84 = arith.constant 0 : i32
        %dma_start3A_85 = arith.constant 0 : i32
        %dma_start3A_86 = tpu.memref_slice %arg2[%dma_start3A_84, %dma_start3A_85] : memref<10000x128xf32, #tpu.memory_space<hbm>> -> memref<10000x128xf32, #tpu.memory_space<hbm>>
        tpu.enqueue_indirect_dma source(%dma_start3A_86 : memref<10000x128xf32, #tpu.memory_space<hbm>>) target(%arg9 : memref<80x128xf32, #tpu.memory_space<vmem>>) offsets(%dma_start3A_83 : memref<80xi32, #tpu.memory_space<vmem>>) semaphore(%arg14 : memref<!tpu.dma_semaphore, #tpu.memory_space<semaphore_mem>>)
      } else {
      }
      %eq3A_39 = arith.constant 1 : i32
      %eq3A_40 = arith.cmpi eq, %arg0, %eq3A_39 : i32
      %convert_element_type3A_41 = arith.extui %eq3A_40 : i1 to i32
      %cond3A_42 = arith.constant 0 : i32
      %cond3A_43 = arith.cmpi ne, %convert_element_type3A_41, %cond3A_42 : i32
      scf.if %cond3A_43 {
        %dma_start3A = arith.constant 0 : i32
        %dma_start3A_81 = arith.constant 0 : i32
        %dma_start3A_82 = tpu.memref_slice %arg7[%dma_start3A, %dma_start3A_81] : memref<25x80xi32, #tpu.memory_space<vmem>> -> memref<1x80xi32, #tpu.memory_space<vmem>>
        %dma_start3A_83 = tpu.memref_squeeze %dma_start3A_82 : memref<1x80xi32, #tpu.memory_space<vmem>> -> memref<80xi32, #tpu.memory_space<vmem>>
        %dma_start3A_84 = arith.constant 0 : i32
        %dma_start3A_85 = arith.constant 0 : i32
        %dma_start3A_86 = tpu.memref_slice %arg3[%dma_start3A_84, %dma_start3A_85] : memref<10000x128xf32, #tpu.memory_space<hbm>> -> memref<10000x128xf32, #tpu.memory_space<hbm>>
        tpu.enqueue_indirect_dma source(%dma_start3A_86 : memref<10000x128xf32, #tpu.memory_space<hbm>>) target(%arg9 : memref<80x128xf32, #tpu.memory_space<vmem>>) offsets(%dma_start3A_83 : memref<80xi32, #tpu.memory_space<vmem>>) semaphore(%arg14 : memref<!tpu.dma_semaphore, #tpu.memory_space<semaphore_mem>>)
      } else {
      }
      %eq3A_44 = arith.constant 0 : i32
      %eq3A_45 = arith.cmpi eq, %arg0, %eq3A_44 : i32
      %convert_element_type3A_46 = arith.extui %eq3A_45 : i1 to i32
      %cond3A_47 = arith.constant 0 : i32
      %cond3A_48 = arith.cmpi ne, %convert_element_type3A_46, %cond3A_47 : i32
      scf.if %cond3A_48 {
        %dma_start3A = arith.constant 1 : i32
        %dma_start3A_81 = arith.constant 0 : i32
        %dma_start3A_82 = tpu.memref_slice %arg7[%dma_start3A, %dma_start3A_81] : memref<25x80xi32, #tpu.memory_space<vmem>> -> memref<1x80xi32, #tpu.memory_space<vmem>>
        %dma_start3A_83 = tpu.memref_squeeze %dma_start3A_82 : memref<1x80xi32, #tpu.memory_space<vmem>> -> memref<80xi32, #tpu.memory_space<vmem>>
        %dma_start3A_84 = arith.constant 0 : i32
        %dma_start3A_85 = arith.constant 0 : i32
        %dma_start3A_86 = tpu.memref_slice %arg2[%dma_start3A_84, %dma_start3A_85] : memref<10000x128xf32, #tpu.memory_space<hbm>> -> memref<10000x128xf32, #tpu.memory_space<hbm>>
        tpu.enqueue_indirect_dma source(%dma_start3A_86 : memref<10000x128xf32, #tpu.memory_space<hbm>>) target(%arg10 : memref<80x128xf32, #tpu.memory_space<vmem>>) offsets(%dma_start3A_83 : memref<80xi32, #tpu.memory_space<vmem>>) semaphore(%arg15 : memref<!tpu.dma_semaphore, #tpu.memory_space<semaphore_mem>>)
      } else {
      }
      %eq3A_49 = arith.constant 1 : i32
      %eq3A_50 = arith.cmpi eq, %arg0, %eq3A_49 : i32
      %convert_element_type3A_51 = arith.extui %eq3A_50 : i1 to i32
      %cond3A_52 = arith.constant 0 : i32
      %cond3A_53 = arith.cmpi ne, %convert_element_type3A_51, %cond3A_52 : i32
      scf.if %cond3A_53 {
        %dma_start3A = arith.constant 1 : i32
        %dma_start3A_81 = arith.constant 0 : i32
        %dma_start3A_82 = tpu.memref_slice %arg7[%dma_start3A, %dma_start3A_81] : memref<25x80xi32, #tpu.memory_space<vmem>> -> memref<1x80xi32, #tpu.memory_space<vmem>>
        %dma_start3A_83 = tpu.memref_squeeze %dma_start3A_82 : memref<1x80xi32, #tpu.memory_space<vmem>> -> memref<80xi32, #tpu.memory_space<vmem>>
        %dma_start3A_84 = arith.constant 0 : i32
        %dma_start3A_85 = arith.constant 0 : i32
        %dma_start3A_86 = tpu.memref_slice %arg3[%dma_start3A_84, %dma_start3A_85] : memref<10000x128xf32, #tpu.memory_space<hbm>> -> memref<10000x128xf32, #tpu.memory_space<hbm>>
        tpu.enqueue_indirect_dma source(%dma_start3A_86 : memref<10000x128xf32, #tpu.memory_space<hbm>>) target(%arg10 : memref<80x128xf32, #tpu.memory_space<vmem>>) offsets(%dma_start3A_83 : memref<80xi32, #tpu.memory_space<vmem>>) semaphore(%arg15 : memref<!tpu.dma_semaphore, #tpu.memory_space<semaphore_mem>>)
      } else {
      }
      %eq3A_54 = arith.constant 0 : i32
      %eq3A_55 = arith.cmpi eq, %arg0, %eq3A_54 : i32
      %convert_element_type3A_56 = arith.extui %eq3A_55 : i1 to i32
      %cond3A_57 = arith.constant 0 : i32
      %cond3A_58 = arith.cmpi ne, %convert_element_type3A_56, %cond3A_57 : i32
      scf.if %cond3A_58 {
        %dma_start3A = arith.constant 2 : i32
        %dma_start3A_81 = arith.constant 0 : i32
        %dma_start3A_82 = tpu.memref_slice %arg7[%dma_start3A, %dma_start3A_81] : memref<25x80xi32, #tpu.memory_space<vmem>> -> memref<1x80xi32, #tpu.memory_space<vmem>>
        %dma_start3A_83 = tpu.memref_squeeze %dma_start3A_82 : memref<1x80xi32, #tpu.memory_space<vmem>> -> memref<80xi32, #tpu.memory_space<vmem>>
        %dma_start3A_84 = arith.constant 0 : i32
        %dma_start3A_85 = arith.constant 0 : i32
        %dma_start3A_86 = tpu.memref_slice %arg2[%dma_start3A_84, %dma_start3A_85] : memref<10000x128xf32, #tpu.memory_space<hbm>> -> memref<10000x128xf32, #tpu.memory_space<hbm>>
        tpu.enqueue_indirect_dma source(%dma_start3A_86 : memref<10000x128xf32, #tpu.memory_space<hbm>>) target(%arg11 : memref<80x128xf32, #tpu.memory_space<vmem>>) offsets(%dma_start3A_83 : memref<80xi32, #tpu.memory_space<vmem>>) semaphore(%arg16 : memref<!tpu.dma_semaphore, #tpu.memory_space<semaphore_mem>>)
      } else {
      }
      %eq3A_59 = arith.constant 1 : i32
      %eq3A_60 = arith.cmpi eq, %arg0, %eq3A_59 : i32
      %convert_element_type3A_61 = arith.extui %eq3A_60 : i1 to i32
      %cond3A_62 = arith.constant 0 : i32
      %cond3A_63 = arith.cmpi ne, %convert_element_type3A_61, %cond3A_62 : i32
      scf.if %cond3A_63 {
        %dma_start3A = arith.constant 2 : i32
        %dma_start3A_81 = arith.constant 0 : i32
        %dma_start3A_82 = tpu.memref_slice %arg7[%dma_start3A, %dma_start3A_81] : memref<25x80xi32, #tpu.memory_space<vmem>> -> memref<1x80xi32, #tpu.memory_space<vmem>>
        %dma_start3A_83 = tpu.memref_squeeze %dma_start3A_82 : memref<1x80xi32, #tpu.memory_space<vmem>> -> memref<80xi32, #tpu.memory_space<vmem>>
        %dma_start3A_84 = arith.constant 0 : i32
        %dma_start3A_85 = arith.constant 0 : i32
        %dma_start3A_86 = tpu.memref_slice %arg3[%dma_start3A_84, %dma_start3A_85] : memref<10000x128xf32, #tpu.memory_space<hbm>> -> memref<10000x128xf32, #tpu.memory_space<hbm>>
        tpu.enqueue_indirect_dma source(%dma_start3A_86 : memref<10000x128xf32, #tpu.memory_space<hbm>>) target(%arg11 : memref<80x128xf32, #tpu.memory_space<vmem>>) offsets(%dma_start3A_83 : memref<80xi32, #tpu.memory_space<vmem>>) semaphore(%arg16 : memref<!tpu.dma_semaphore, #tpu.memory_space<semaphore_mem>>)
      } else {
      }
      %eq3A_64 = arith.constant 0 : i32
      %eq3A_65 = arith.cmpi eq, %scan3A_32, %eq3A_64 : i32
      %convert_element_type3A_66 = arith.extui %eq3A_65 : i1 to i32
      %cond3A_67 = arith.constant 0 : i32
      %cond3A_68 = arith.cmpi ne, %convert_element_type3A_66, %cond3A_67 : i32
      scf.if %cond3A_68 {
        %eq3A_81 = arith.constant 0 : i32
        %eq3A_82 = arith.cmpi eq, %arg0, %eq3A_81 : i32
        %lt3A_83 = arith.constant 15 : i32
        %lt3A_84 = arith.cmpi slt, %arg1, %lt3A_83 : i32
        %and3A_85 = arith.andi %eq3A_82, %lt3A_84 : i1
        %convert_element_type3A_86 = arith.extui %and3A_85 : i1 to i32
        %cond3A_87 = arith.constant 0 : i32
        %cond3A_88 = arith.cmpi ne, %convert_element_type3A_86, %cond3A_87 : i32
        scf.if %cond3A_88 {
          %mul3A = arith.constant 624 : i32
          %mul3A_114 = arith.muli %arg1, %mul3A : i32
          %mul3A_115 = arith.constant 624 : i32
          %mul3A_116 = arith.muli %arg1, %mul3A_115 : i32
          "tpu.region"() ({
            %run_scoped3A_117 = tpu.sem_alloc : memref<!tpu.dma_semaphore, #tpu.memory_space<semaphore_mem>>
            %dma_start3A = arith.constant 0 : i32
            %dma_start3A_118 = tpu.memref_slice %arg13[%mul3A_116, %dma_start3A] : memref<10000x128xf32, #tpu.memory_space<vmem_shared>> -> memref<624x128xf32, #tpu.memory_space<vmem_shared>>
            %dma_start3A_119 = arith.constant 0 : i32
            %dma_start3A_120 = tpu.memref_slice %arg2[%mul3A_114, %dma_start3A_119] : memref<10000x128xf32, #tpu.memory_space<hbm>> -> memref<624x128xf32, #tpu.memory_space<hbm>>
            tpu.enqueue_dma source(%dma_start3A_120 : memref<624x128xf32, #tpu.memory_space<hbm>>) target(%dma_start3A_118 : memref<624x128xf32, #tpu.memory_space<vmem_shared>>) target_semaphore(%run_scoped3A_117 : memref<!tpu.dma_semaphore, #tpu.memory_space<semaphore_mem>>)
            %dma_wait3A_121 = arith.constant 0 : i32
            %dma_wait3A_122 = tpu.memref_slice %arg13[%mul3A_116, %dma_wait3A_121] : memref<10000x128xf32, #tpu.memory_space<vmem_shared>> -> memref<624x128xf32, #tpu.memory_space<vmem_shared>>
            %dma_wait3A_123 = arith.constant 0 : i32
            %dma_wait3A_124 = tpu.memref_slice %arg2[%mul3A_114, %dma_wait3A_123] : memref<10000x128xf32, #tpu.memory_space<hbm>> -> memref<624x128xf32, #tpu.memory_space<hbm>>
            tpu.wait_dma2 semaphore(%run_scoped3A_117 : memref<!tpu.dma_semaphore, #tpu.memory_space<semaphore_mem>>) src(%dma_wait3A_124 : memref<624x128xf32, #tpu.memory_space<hbm>>) dst(%dma_wait3A_122 : memref<624x128xf32, #tpu.memory_space<vmem_shared>>)
            tpu.yield
          }) : () -> ()
        } else {
        }
        %eq3A_89 = arith.constant 0 : i32
        %eq3A_90 = arith.cmpi eq, %arg0, %eq3A_89 : i32
        %eq3A_91 = arith.constant 15 : i32
        %eq3A_92 = arith.cmpi eq, %arg1, %eq3A_91 : i32
        %and3A_93 = arith.andi %eq3A_90, %eq3A_92 : i1
        %convert_element_type3A_94 = arith.extui %and3A_93 : i1 to i32
        %cond3A_95 = arith.constant 0 : i32
        %cond3A_96 = arith.cmpi ne, %convert_element_type3A_94, %cond3A_95 : i32
        scf.if %cond3A_96 {
          "tpu.region"() ({
            %run_scoped3A_114 = tpu.sem_alloc : memref<!tpu.dma_semaphore, #tpu.memory_space<semaphore_mem>>
            %dma_start3A = arith.constant 9360 : i32
            %dma_start3A_115 = arith.constant 0 : i32
            %dma_start3A_116 = tpu.memref_slice %arg13[%dma_start3A, %dma_start3A_115] : memref<10000x128xf32, #tpu.memory_space<vmem_shared>> -> memref<640x128xf32, #tpu.memory_space<vmem_shared>>
            %dma_start3A_117 = arith.constant 9360 : i32
            %dma_start3A_118 = arith.constant 0 : i32
            %dma_start3A_119 = tpu.memref_slice %arg2[%dma_start3A_117, %dma_start3A_118] : memref<10000x128xf32, #tpu.memory_space<hbm>> -> memref<640x128xf32, #tpu.memory_space<hbm>>
            tpu.enqueue_dma source(%dma_start3A_119 : memref<640x128xf32, #tpu.memory_space<hbm>>) target(%dma_start3A_116 : memref<640x128xf32, #tpu.memory_space<vmem_shared>>) target_semaphore(%run_scoped3A_114 : memref<!tpu.dma_semaphore, #tpu.memory_space<semaphore_mem>>)
            %dma_wait3A_120 = arith.constant 9360 : i32
            %dma_wait3A_121 = arith.constant 0 : i32
            %dma_wait3A_122 = tpu.memref_slice %arg13[%dma_wait3A_120, %dma_wait3A_121] : memref<10000x128xf32, #tpu.memory_space<vmem_shared>> -> memref<640x128xf32, #tpu.memory_space<vmem_shared>>
            %dma_wait3A_123 = arith.constant 9360 : i32
            %dma_wait3A_124 = arith.constant 0 : i32
            %dma_wait3A_125 = tpu.memref_slice %arg2[%dma_wait3A_123, %dma_wait3A_124] : memref<10000x128xf32, #tpu.memory_space<hbm>> -> memref<640x128xf32, #tpu.memory_space<hbm>>
            tpu.wait_dma2 semaphore(%run_scoped3A_114 : memref<!tpu.dma_semaphore, #tpu.memory_space<semaphore_mem>>) src(%dma_wait3A_125 : memref<640x128xf32, #tpu.memory_space<hbm>>) dst(%dma_wait3A_122 : memref<640x128xf32, #tpu.memory_space<vmem_shared>>)
            tpu.yield
          }) : () -> ()
        } else {
        }
        %eq3A_97 = arith.constant 1 : i32
        %eq3A_98 = arith.cmpi eq, %arg0, %eq3A_97 : i32
        %lt3A_99 = arith.constant 15 : i32
        %lt3A_100 = arith.cmpi slt, %arg1, %lt3A_99 : i32
        %and3A_101 = arith.andi %eq3A_98, %lt3A_100 : i1
        %convert_element_type3A_102 = arith.extui %and3A_101 : i1 to i32
        %cond3A_103 = arith.constant 0 : i32
        %cond3A_104 = arith.cmpi ne, %convert_element_type3A_102, %cond3A_103 : i32
        scf.if %cond3A_104 {
          %mul3A = arith.constant 624 : i32
          %mul3A_114 = arith.muli %arg1, %mul3A : i32
          %mul3A_115 = arith.constant 624 : i32
          %mul3A_116 = arith.muli %arg1, %mul3A_115 : i32
          "tpu.region"() ({
            %run_scoped3A_117 = tpu.sem_alloc : memref<!tpu.dma_semaphore, #tpu.memory_space<semaphore_mem>>
            %dma_start3A = arith.constant 0 : i32
            %dma_start3A_118 = tpu.memref_slice %arg13[%mul3A_116, %dma_start3A] : memref<10000x128xf32, #tpu.memory_space<vmem_shared>> -> memref<624x128xf32, #tpu.memory_space<vmem_shared>>
            %dma_start3A_119 = arith.constant 0 : i32
            %dma_start3A_120 = tpu.memref_slice %arg3[%mul3A_114, %dma_start3A_119] : memref<10000x128xf32, #tpu.memory_space<hbm>> -> memref<624x128xf32, #tpu.memory_space<hbm>>
            tpu.enqueue_dma source(%dma_start3A_120 : memref<624x128xf32, #tpu.memory_space<hbm>>) target(%dma_start3A_118 : memref<624x128xf32, #tpu.memory_space<vmem_shared>>) target_semaphore(%run_scoped3A_117 : memref<!tpu.dma_semaphore, #tpu.memory_space<semaphore_mem>>)
            %dma_wait3A_121 = arith.constant 0 : i32
            %dma_wait3A_122 = tpu.memref_slice %arg13[%mul3A_116, %dma_wait3A_121] : memref<10000x128xf32, #tpu.memory_space<vmem_shared>> -> memref<624x128xf32, #tpu.memory_space<vmem_shared>>
            %dma_wait3A_123 = arith.constant 0 : i32
            %dma_wait3A_124 = tpu.memref_slice %arg3[%mul3A_114, %dma_wait3A_123] : memref<10000x128xf32, #tpu.memory_space<hbm>> -> memref<624x128xf32, #tpu.memory_space<hbm>>
            tpu.wait_dma2 semaphore(%run_scoped3A_117 : memref<!tpu.dma_semaphore, #tpu.memory_space<semaphore_mem>>) src(%dma_wait3A_124 : memref<624x128xf32, #tpu.memory_space<hbm>>) dst(%dma_wait3A_122 : memref<624x128xf32, #tpu.memory_space<vmem_shared>>)
            tpu.yield
          }) : () -> ()
        } else {
        }
        %eq3A_105 = arith.constant 1 : i32
        %eq3A_106 = arith.cmpi eq, %arg0, %eq3A_105 : i32
        %eq3A_107 = arith.constant 15 : i32
        %eq3A_108 = arith.cmpi eq, %arg1, %eq3A_107 : i32
        %and3A_109 = arith.andi %eq3A_106, %eq3A_108 : i1
        %convert_element_type3A_110 = arith.extui %and3A_109 : i1 to i32
        %cond3A_111 = arith.constant 0 : i32
        %cond3A_112 = arith.cmpi ne, %convert_element_type3A_110, %cond3A_111 : i32
        scf.if %cond3A_112 {
          "tpu.region"() ({
            %run_scoped3A_114 = tpu.sem_alloc : memref<!tpu.dma_semaphore, #tpu.memory_space<semaphore_mem>>
            %dma_start3A = arith.constant 9360 : i32
            %dma_start3A_115 = arith.constant 0 : i32
            %dma_start3A_116 = tpu.memref_slice %arg13[%dma_start3A, %dma_start3A_115] : memref<10000x128xf32, #tpu.memory_space<vmem_shared>> -> memref<640x128xf32, #tpu.memory_space<vmem_shared>>
            %dma_start3A_117 = arith.constant 9360 : i32
            %dma_start3A_118 = arith.constant 0 : i32
            %dma_start3A_119 = tpu.memref_slice %arg3[%dma_start3A_117, %dma_start3A_118] : memref<10000x128xf32, #tpu.memory_space<hbm>> -> memref<640x128xf32, #tpu.memory_space<hbm>>
            tpu.enqueue_dma source(%dma_start3A_119 : memref<640x128xf32, #tpu.memory_space<hbm>>) target(%dma_start3A_116 : memref<640x128xf32, #tpu.memory_space<vmem_shared>>) target_semaphore(%run_scoped3A_114 : memref<!tpu.dma_semaphore, #tpu.memory_space<semaphore_mem>>)
            %dma_wait3A_120 = arith.constant 9360 : i32
            %dma_wait3A_121 = arith.constant 0 : i32
            %dma_wait3A_122 = tpu.memref_slice %arg13[%dma_wait3A_120, %dma_wait3A_121] : memref<10000x128xf32, #tpu.memory_space<vmem_shared>> -> memref<640x128xf32, #tpu.memory_space<vmem_shared>>
            %dma_wait3A_123 = arith.constant 9360 : i32
            %dma_wait3A_124 = arith.constant 0 : i32
            %dma_wait3A_125 = tpu.memref_slice %arg3[%dma_wait3A_123, %dma_wait3A_124] : memref<10000x128xf32, #tpu.memory_space<hbm>> -> memref<640x128xf32, #tpu.memory_space<hbm>>
            tpu.wait_dma2 semaphore(%run_scoped3A_114 : memref<!tpu.dma_semaphore, #tpu.memory_space<semaphore_mem>>) src(%dma_wait3A_125 : memref<640x128xf32, #tpu.memory_space<hbm>>) dst(%dma_wait3A_122 : memref<640x128xf32, #tpu.memory_space<vmem_shared>>)
            tpu.yield
          }) : () -> ()
        } else {
        }
        %barrier3A_113 = arith.constant 0 : index
        tpu.barrier barrier_id(%barrier3A_113)
      } else {
      }
      %scan3A_69 = arith.constant 0 : i32
      %scan3A_70 = arith.constant 0 : i32
      %scan3A_71 = arith.constant 25 : i32
      %scan3A_72 = arith.addi %scan3A_70, %scan3A_71 : i32
      %scan3A_73 = arith.constant 1 : i32
      scf.for %scan3A_81 = %scan3A_70 to %scan3A_72 step %scan3A_73  : i32 {
        %rem3A = arith.constant 4 : i32
        %rem3A_82 = arith.remsi %scan3A_81, %rem3A : i32
        %eq3A_83 = arith.constant 0 : i32
        %eq3A_84 = arith.cmpi eq, %rem3A_82, %eq3A_83 : i32
        %convert_element_type3A_85 = arith.extui %eq3A_84 : i1 to i32
        %cond3A_86 = arith.constant 0 : i32
        %cond3A_87 = arith.cmpi ne, %convert_element_type3A_85, %cond3A_86 : i32
        scf.if %cond3A_87 {
          %eq3A_109 = arith.constant 0 : i32
          %eq3A_110 = arith.cmpi eq, %arg0, %eq3A_109 : i32
          %convert_element_type3A_111 = arith.extui %eq3A_110 : i1 to i32
          %cond3A_112 = arith.constant 0 : i32
          %cond3A_113 = arith.cmpi ne, %convert_element_type3A_111, %cond3A_112 : i32
          scf.if %cond3A_113 {
            %dma_wait3A_134 = arith.constant 0 : i32
            %dma_wait3A_135 = tpu.memref_slice %arg7[%scan3A_81, %dma_wait3A_134] : memref<25x80xi32, #tpu.memory_space<vmem>> -> memref<1x80xi32, #tpu.memory_space<vmem>>
            %dma_wait3A_136 = tpu.memref_squeeze %dma_wait3A_135 : memref<1x80xi32, #tpu.memory_space<vmem>> -> memref<80xi32, #tpu.memory_space<vmem>>
            %dma_wait3A_137 = arith.constant 0 : i32
            %dma_wait3A_138 = arith.constant 0 : i32
            %dma_wait3A_139 = tpu.memref_slice %arg2[%dma_wait3A_137, %dma_wait3A_138] : memref<10000x128xf32, #tpu.memory_space<hbm>> -> memref<10000x128xf32, #tpu.memory_space<hbm>>
            tpu.wait_indirect_dma semaphore(%arg14 : memref<!tpu.dma_semaphore, #tpu.memory_space<semaphore_mem>>) src(%dma_wait3A_139 : memref<10000x128xf32, #tpu.memory_space<hbm>>) dst(%arg9 : memref<80x128xf32, #tpu.memory_space<vmem>>)
          } else {
          }
          %eq3A_114 = arith.constant 1 : i32
          %eq3A_115 = arith.cmpi eq, %arg0, %eq3A_114 : i32
          %convert_element_type3A_116 = arith.extui %eq3A_115 : i1 to i32
          %cond3A_117 = arith.constant 0 : i32
          %cond3A_118 = arith.cmpi ne, %convert_element_type3A_116, %cond3A_117 : i32
          scf.if %cond3A_118 {
            %dma_wait3A_134 = arith.constant 0 : i32
            %dma_wait3A_135 = tpu.memref_slice %arg7[%scan3A_81, %dma_wait3A_134] : memref<25x80xi32, #tpu.memory_space<vmem>> -> memref<1x80xi32, #tpu.memory_space<vmem>>
            %dma_wait3A_136 = tpu.memref_squeeze %dma_wait3A_135 : memref<1x80xi32, #tpu.memory_space<vmem>> -> memref<80xi32, #tpu.memory_space<vmem>>
            %dma_wait3A_137 = arith.constant 0 : i32
            %dma_wait3A_138 = arith.constant 0 : i32
            %dma_wait3A_139 = tpu.memref_slice %arg3[%dma_wait3A_137, %dma_wait3A_138] : memref<10000x128xf32, #tpu.memory_space<hbm>> -> memref<10000x128xf32, #tpu.memory_space<hbm>>
            tpu.wait_indirect_dma semaphore(%arg14 : memref<!tpu.dma_semaphore, #tpu.memory_space<semaphore_mem>>) src(%dma_wait3A_139 : memref<10000x128xf32, #tpu.memory_space<hbm>>) dst(%arg9 : memref<80x128xf32, #tpu.memory_space<vmem>>)
          } else {
          }
          %ge3A = arith.constant 1 : i32
          %ge3A_119 = arith.cmpi sge, %scan3A_81, %ge3A : i32
          %convert_element_type3A_120 = arith.extui %ge3A_119 : i1 to i32
          %cond3A_121 = arith.constant 0 : i32
          %cond3A_122 = arith.cmpi ne, %convert_element_type3A_120, %cond3A_121 : i32
          scf.if %cond3A_122 {
            %sub3A = arith.constant 1 : i32
            %sub3A_134 = arith.subi %scan3A_81, %sub3A : i32
            %dma_wait3A_135 = arith.constant 0 : i32
            %dma_wait3A_136 = tpu.memref_slice %arg8[%sub3A_134, %dma_wait3A_135] : memref<25x80xi32, #tpu.memory_space<vmem>> -> memref<1x80xi32, #tpu.memory_space<vmem>>
            %dma_wait3A_137 = tpu.memref_squeeze %dma_wait3A_136 : memref<1x80xi32, #tpu.memory_space<vmem>> -> memref<80xi32, #tpu.memory_space<vmem>>
            %dma_wait3A_138 = arith.constant 0 : i32
            %dma_wait3A_139 = arith.constant 0 : i32
            %dma_wait3A_140 = tpu.memref_slice %arg13[%dma_wait3A_138, %dma_wait3A_139] : memref<10000x128xf32, #tpu.memory_space<vmem_shared>> -> memref<10000x128xf32, #tpu.memory_space<vmem_shared>>
            tpu.wait_indirect_dma semaphore(%arg21 : memref<!tpu.dma_semaphore, #tpu.memory_space<semaphore_mem>>) src(%arg12 : memref<80x128xf32, #tpu.memory_space<vmem>>) dst(%dma_wait3A_140 : memref<10000x128xf32, #tpu.memory_space<vmem_shared>>)
          } else {
          }
          %add3A = arith.constant 3 : i32
          %add3A_123 = arith.addi %scan3A_81, %add3A : i32
          %lt3A_124 = arith.constant 25 : i32
          %lt3A_125 = arith.cmpi slt, %add3A_123, %lt3A_124 : i32
          %convert_element_type3A_126 = arith.extui %lt3A_125 : i1 to i32
          %cond3A_127 = arith.constant 0 : i32
          %cond3A_128 = arith.cmpi ne, %convert_element_type3A_126, %cond3A_127 : i32
          scf.if %cond3A_128 {
            %add3A_134 = arith.constant 3 : i32
            %add3A_135 = arith.addi %scan3A_81, %add3A_134 : i32
            %eq3A_136 = arith.constant 0 : i32
            %eq3A_137 = arith.cmpi eq, %arg0, %eq3A_136 : i32
            %convert_element_type3A_138 = arith.extui %eq3A_137 : i1 to i32
            %cond3A_139 = arith.constant 0 : i32
            %cond3A_140 = arith.cmpi ne, %convert_element_type3A_138, %cond3A_139 : i32
            scf.if %cond3A_140 {
              %dma_start3A_146 = arith.constant 0 : i32
              %dma_start3A_147 = tpu.memref_slice %arg7[%add3A_135, %dma_start3A_146] : memref<25x80xi32, #tpu.memory_space<vmem>> -> memref<1x80xi32, #tpu.memory_space<vmem>>
              %dma_start3A_148 = tpu.memref_squeeze %dma_start3A_147 : memref<1x80xi32, #tpu.memory_space<vmem>> -> memref<80xi32, #tpu.memory_space<vmem>>
              %dma_start3A_149 = arith.constant 0 : i32
              %dma_start3A_150 = arith.constant 0 : i32
              %dma_start3A_151 = tpu.memref_slice %arg2[%dma_start3A_149, %dma_start3A_150] : memref<10000x128xf32, #tpu.memory_space<hbm>> -> memref<10000x128xf32, #tpu.memory_space<hbm>>
              tpu.enqueue_indirect_dma source(%dma_start3A_151 : memref<10000x128xf32, #tpu.memory_space<hbm>>) target(%arg12 : memref<80x128xf32, #tpu.memory_space<vmem>>) offsets(%dma_start3A_148 : memref<80xi32, #tpu.memory_space<vmem>>) semaphore(%arg17 : memref<!tpu.dma_semaphore, #tpu.memory_space<semaphore_mem>>)
            } else {
            }
            %eq3A_141 = arith.constant 1 : i32
            %eq3A_142 = arith.cmpi eq, %arg0, %eq3A_141 : i32
            %convert_element_type3A_143 = arith.extui %eq3A_142 : i1 to i32
            %cond3A_144 = arith.constant 0 : i32
            %cond3A_145 = arith.cmpi ne, %convert_element_type3A_143, %cond3A_144 : i32
            scf.if %cond3A_145 {
              %dma_start3A_146 = arith.constant 0 : i32
              %dma_start3A_147 = tpu.memref_slice %arg7[%add3A_135, %dma_start3A_146] : memref<25x80xi32, #tpu.memory_space<vmem>> -> memref<1x80xi32, #tpu.memory_space<vmem>>
              %dma_start3A_148 = tpu.memref_squeeze %dma_start3A_147 : memref<1x80xi32, #tpu.memory_space<vmem>> -> memref<80xi32, #tpu.memory_space<vmem>>
              %dma_start3A_149 = arith.constant 0 : i32
              %dma_start3A_150 = arith.constant 0 : i32
              %dma_start3A_151 = tpu.memref_slice %arg3[%dma_start3A_149, %dma_start3A_150] : memref<10000x128xf32, #tpu.memory_space<hbm>> -> memref<10000x128xf32, #tpu.memory_space<hbm>>
              tpu.enqueue_indirect_dma source(%dma_start3A_151 : memref<10000x128xf32, #tpu.memory_space<hbm>>) target(%arg12 : memref<80x128xf32, #tpu.memory_space<vmem>>) offsets(%dma_start3A_148 : memref<80xi32, #tpu.memory_space<vmem>>) semaphore(%arg17 : memref<!tpu.dma_semaphore, #tpu.memory_space<semaphore_mem>>)
            } else {
            }
          } else {
          }
          %dma_start3A = arith.constant 0 : i32
          %dma_start3A_129 = tpu.memref_slice %arg8[%scan3A_81, %dma_start3A] : memref<25x80xi32, #tpu.memory_space<vmem>> -> memref<1x80xi32, #tpu.memory_space<vmem>>
          %dma_start3A_130 = tpu.memref_squeeze %dma_start3A_129 : memref<1x80xi32, #tpu.memory_space<vmem>> -> memref<80xi32, #tpu.memory_space<vmem>>
          %dma_start3A_131 = arith.constant 0 : i32
          %dma_start3A_132 = arith.constant 0 : i32
          %dma_start3A_133 = tpu.memref_slice %arg13[%dma_start3A_131, %dma_start3A_132] : memref<10000x128xf32, #tpu.memory_space<vmem_shared>> -> memref<10000x128xf32, #tpu.memory_space<vmem_shared>>
          tpu.enqueue_indirect_dma source(%arg9 : memref<80x128xf32, #tpu.memory_space<vmem>>) target(%dma_start3A_133 : memref<10000x128xf32, #tpu.memory_space<vmem_shared>>) offsets(%dma_start3A_130 : memref<80xi32, #tpu.memory_space<vmem>>) semaphore(%arg18 : memref<!tpu.dma_semaphore, #tpu.memory_space<semaphore_mem>>) {add = true}
        } else {
        }
        %rem3A_88 = arith.constant 4 : i32
        %rem3A_89 = arith.remsi %scan3A_81, %rem3A_88 : i32
        %eq3A_90 = arith.constant 1 : i32
        %eq3A_91 = arith.cmpi eq, %rem3A_89, %eq3A_90 : i32
        %convert_element_type3A_92 = arith.extui %eq3A_91 : i1 to i32
        %cond3A_93 = arith.constant 0 : i32
        %cond3A_94 = arith.cmpi ne, %convert_element_type3A_92, %cond3A_93 : i32
        scf.if %cond3A_94 {
          %eq3A_109 = arith.constant 0 : i32
          %eq3A_110 = arith.cmpi eq, %arg0, %eq3A_109 : i32
          %convert_element_type3A_111 = arith.extui %eq3A_110 : i1 to i32
          %cond3A_112 = arith.constant 0 : i32
          %cond3A_113 = arith.cmpi ne, %convert_element_type3A_111, %cond3A_112 : i32
          scf.if %cond3A_113 {
            %dma_wait3A_134 = arith.constant 0 : i32
            %dma_wait3A_135 = tpu.memref_slice %arg7[%scan3A_81, %dma_wait3A_134] : memref<25x80xi32, #tpu.memory_space<vmem>> -> memref<1x80xi32, #tpu.memory_space<vmem>>
            %dma_wait3A_136 = tpu.memref_squeeze %dma_wait3A_135 : memref<1x80xi32, #tpu.memory_space<vmem>> -> memref<80xi32, #tpu.memory_space<vmem>>
            %dma_wait3A_137 = arith.constant 0 : i32
            %dma_wait3A_138 = arith.constant 0 : i32
            %dma_wait3A_139 = tpu.memref_slice %arg2[%dma_wait3A_137, %dma_wait3A_138] : memref<10000x128xf32, #tpu.memory_space<hbm>> -> memref<10000x128xf32, #tpu.memory_space<hbm>>
            tpu.wait_indirect_dma semaphore(%arg15 : memref<!tpu.dma_semaphore, #tpu.memory_space<semaphore_mem>>) src(%dma_wait3A_139 : memref<10000x128xf32, #tpu.memory_space<hbm>>) dst(%arg10 : memref<80x128xf32, #tpu.memory_space<vmem>>)
          } else {
          }
          %eq3A_114 = arith.constant 1 : i32
          %eq3A_115 = arith.cmpi eq, %arg0, %eq3A_114 : i32
          %convert_element_type3A_116 = arith.extui %eq3A_115 : i1 to i32
          %cond3A_117 = arith.constant 0 : i32
          %cond3A_118 = arith.cmpi ne, %convert_element_type3A_116, %cond3A_117 : i32
          scf.if %cond3A_118 {
            %dma_wait3A_134 = arith.constant 0 : i32
            %dma_wait3A_135 = tpu.memref_slice %arg7[%scan3A_81, %dma_wait3A_134] : memref<25x80xi32, #tpu.memory_space<vmem>> -> memref<1x80xi32, #tpu.memory_space<vmem>>
            %dma_wait3A_136 = tpu.memref_squeeze %dma_wait3A_135 : memref<1x80xi32, #tpu.memory_space<vmem>> -> memref<80xi32, #tpu.memory_space<vmem>>
            %dma_wait3A_137 = arith.constant 0 : i32
            %dma_wait3A_138 = arith.constant 0 : i32
            %dma_wait3A_139 = tpu.memref_slice %arg3[%dma_wait3A_137, %dma_wait3A_138] : memref<10000x128xf32, #tpu.memory_space<hbm>> -> memref<10000x128xf32, #tpu.memory_space<hbm>>
            tpu.wait_indirect_dma semaphore(%arg15 : memref<!tpu.dma_semaphore, #tpu.memory_space<semaphore_mem>>) src(%dma_wait3A_139 : memref<10000x128xf32, #tpu.memory_space<hbm>>) dst(%arg10 : memref<80x128xf32, #tpu.memory_space<vmem>>)
          } else {
          }
          %ge3A = arith.constant 1 : i32
          %ge3A_119 = arith.cmpi sge, %scan3A_81, %ge3A : i32
          %convert_element_type3A_120 = arith.extui %ge3A_119 : i1 to i32
          %cond3A_121 = arith.constant 0 : i32
          %cond3A_122 = arith.cmpi ne, %convert_element_type3A_120, %cond3A_121 : i32
          scf.if %cond3A_122 {
            %sub3A = arith.constant 1 : i32
            %sub3A_134 = arith.subi %scan3A_81, %sub3A : i32
            %dma_wait3A_135 = arith.constant 0 : i32
            %dma_wait3A_136 = tpu.memref_slice %arg8[%sub3A_134, %dma_wait3A_135] : memref<25x80xi32, #tpu.memory_space<vmem>> -> memref<1x80xi32, #tpu.memory_space<vmem>>
            %dma_wait3A_137 = tpu.memref_squeeze %dma_wait3A_136 : memref<1x80xi32, #tpu.memory_space<vmem>> -> memref<80xi32, #tpu.memory_space<vmem>>
            %dma_wait3A_138 = arith.constant 0 : i32
            %dma_wait3A_139 = arith.constant 0 : i32
            %dma_wait3A_140 = tpu.memref_slice %arg13[%dma_wait3A_138, %dma_wait3A_139] : memref<10000x128xf32, #tpu.memory_space<vmem_shared>> -> memref<10000x128xf32, #tpu.memory_space<vmem_shared>>
            tpu.wait_indirect_dma semaphore(%arg18 : memref<!tpu.dma_semaphore, #tpu.memory_space<semaphore_mem>>) src(%arg9 : memref<80x128xf32, #tpu.memory_space<vmem>>) dst(%dma_wait3A_140 : memref<10000x128xf32, #tpu.memory_space<vmem_shared>>)
          } else {
          }
          %add3A = arith.constant 3 : i32
          %add3A_123 = arith.addi %scan3A_81, %add3A : i32
          %lt3A_124 = arith.constant 25 : i32
          %lt3A_125 = arith.cmpi slt, %add3A_123, %lt3A_124 : i32
          %convert_element_type3A_126 = arith.extui %lt3A_125 : i1 to i32
          %cond3A_127 = arith.constant 0 : i32
          %cond3A_128 = arith.cmpi ne, %convert_element_type3A_126, %cond3A_127 : i32
          scf.if %cond3A_128 {
            %add3A_134 = arith.constant 3 : i32
            %add3A_135 = arith.addi %scan3A_81, %add3A_134 : i32
            %eq3A_136 = arith.constant 0 : i32
            %eq3A_137 = arith.cmpi eq, %arg0, %eq3A_136 : i32
            %convert_element_type3A_138 = arith.extui %eq3A_137 : i1 to i32
            %cond3A_139 = arith.constant 0 : i32
            %cond3A_140 = arith.cmpi ne, %convert_element_type3A_138, %cond3A_139 : i32
            scf.if %cond3A_140 {
              %dma_start3A_146 = arith.constant 0 : i32
              %dma_start3A_147 = tpu.memref_slice %arg7[%add3A_135, %dma_start3A_146] : memref<25x80xi32, #tpu.memory_space<vmem>> -> memref<1x80xi32, #tpu.memory_space<vmem>>
              %dma_start3A_148 = tpu.memref_squeeze %dma_start3A_147 : memref<1x80xi32, #tpu.memory_space<vmem>> -> memref<80xi32, #tpu.memory_space<vmem>>
              %dma_start3A_149 = arith.constant 0 : i32
              %dma_start3A_150 = arith.constant 0 : i32
              %dma_start3A_151 = tpu.memref_slice %arg2[%dma_start3A_149, %dma_start3A_150] : memref<10000x128xf32, #tpu.memory_space<hbm>> -> memref<10000x128xf32, #tpu.memory_space<hbm>>
              tpu.enqueue_indirect_dma source(%dma_start3A_151 : memref<10000x128xf32, #tpu.memory_space<hbm>>) target(%arg9 : memref<80x128xf32, #tpu.memory_space<vmem>>) offsets(%dma_start3A_148 : memref<80xi32, #tpu.memory_space<vmem>>) semaphore(%arg14 : memref<!tpu.dma_semaphore, #tpu.memory_space<semaphore_mem>>)
            } else {
            }
            %eq3A_141 = arith.constant 1 : i32
            %eq3A_142 = arith.cmpi eq, %arg0, %eq3A_141 : i32
            %convert_element_type3A_143 = arith.extui %eq3A_142 : i1 to i32
            %cond3A_144 = arith.constant 0 : i32
            %cond3A_145 = arith.cmpi ne, %convert_element_type3A_143, %cond3A_144 : i32
            scf.if %cond3A_145 {
              %dma_start3A_146 = arith.constant 0 : i32
              %dma_start3A_147 = tpu.memref_slice %arg7[%add3A_135, %dma_start3A_146] : memref<25x80xi32, #tpu.memory_space<vmem>> -> memref<1x80xi32, #tpu.memory_space<vmem>>
              %dma_start3A_148 = tpu.memref_squeeze %dma_start3A_147 : memref<1x80xi32, #tpu.memory_space<vmem>> -> memref<80xi32, #tpu.memory_space<vmem>>
              %dma_start3A_149 = arith.constant 0 : i32
              %dma_start3A_150 = arith.constant 0 : i32
              %dma_start3A_151 = tpu.memref_slice %arg3[%dma_start3A_149, %dma_start3A_150] : memref<10000x128xf32, #tpu.memory_space<hbm>> -> memref<10000x128xf32, #tpu.memory_space<hbm>>
              tpu.enqueue_indirect_dma source(%dma_start3A_151 : memref<10000x128xf32, #tpu.memory_space<hbm>>) target(%arg9 : memref<80x128xf32, #tpu.memory_space<vmem>>) offsets(%dma_start3A_148 : memref<80xi32, #tpu.memory_space<vmem>>) semaphore(%arg14 : memref<!tpu.dma_semaphore, #tpu.memory_space<semaphore_mem>>)
            } else {
            }
          } else {
          }
          %dma_start3A = arith.constant 0 : i32
          %dma_start3A_129 = tpu.memref_slice %arg8[%scan3A_81, %dma_start3A] : memref<25x80xi32, #tpu.memory_space<vmem>> -> memref<1x80xi32, #tpu.memory_space<vmem>>
          %dma_start3A_130 = tpu.memref_squeeze %dma_start3A_129 : memref<1x80xi32, #tpu.memory_space<vmem>> -> memref<80xi32, #tpu.memory_space<vmem>>
          %dma_start3A_131 = arith.constant 0 : i32
          %dma_start3A_132 = arith.constant 0 : i32
          %dma_start3A_133 = tpu.memref_slice %arg13[%dma_start3A_131, %dma_start3A_132] : memref<10000x128xf32, #tpu.memory_space<vmem_shared>> -> memref<10000x128xf32, #tpu.memory_space<vmem_shared>>
          tpu.enqueue_indirect_dma source(%arg10 : memref<80x128xf32, #tpu.memory_space<vmem>>) target(%dma_start3A_133 : memref<10000x128xf32, #tpu.memory_space<vmem_shared>>) offsets(%dma_start3A_130 : memref<80xi32, #tpu.memory_space<vmem>>) semaphore(%arg19 : memref<!tpu.dma_semaphore, #tpu.memory_space<semaphore_mem>>) {add = true}
        } else {
        }
        %rem3A_95 = arith.constant 4 : i32
        %rem3A_96 = arith.remsi %scan3A_81, %rem3A_95 : i32
        %eq3A_97 = arith.constant 2 : i32
        %eq3A_98 = arith.cmpi eq, %rem3A_96, %eq3A_97 : i32
        %convert_element_type3A_99 = arith.extui %eq3A_98 : i1 to i32
        %cond3A_100 = arith.constant 0 : i32
        %cond3A_101 = arith.cmpi ne, %convert_element_type3A_99, %cond3A_100 : i32
        scf.if %cond3A_101 {
          %eq3A_109 = arith.constant 0 : i32
          %eq3A_110 = arith.cmpi eq, %arg0, %eq3A_109 : i32
          %convert_element_type3A_111 = arith.extui %eq3A_110 : i1 to i32
          %cond3A_112 = arith.constant 0 : i32
          %cond3A_113 = arith.cmpi ne, %convert_element_type3A_111, %cond3A_112 : i32
          scf.if %cond3A_113 {
            %dma_wait3A_134 = arith.constant 0 : i32
            %dma_wait3A_135 = tpu.memref_slice %arg7[%scan3A_81, %dma_wait3A_134] : memref<25x80xi32, #tpu.memory_space<vmem>> -> memref<1x80xi32, #tpu.memory_space<vmem>>
            %dma_wait3A_136 = tpu.memref_squeeze %dma_wait3A_135 : memref<1x80xi32, #tpu.memory_space<vmem>> -> memref<80xi32, #tpu.memory_space<vmem>>
            %dma_wait3A_137 = arith.constant 0 : i32
            %dma_wait3A_138 = arith.constant 0 : i32
            %dma_wait3A_139 = tpu.memref_slice %arg2[%dma_wait3A_137, %dma_wait3A_138] : memref<10000x128xf32, #tpu.memory_space<hbm>> -> memref<10000x128xf32, #tpu.memory_space<hbm>>
            tpu.wait_indirect_dma semaphore(%arg16 : memref<!tpu.dma_semaphore, #tpu.memory_space<semaphore_mem>>) src(%dma_wait3A_139 : memref<10000x128xf32, #tpu.memory_space<hbm>>) dst(%arg11 : memref<80x128xf32, #tpu.memory_space<vmem>>)
          } else {
          }
          %eq3A_114 = arith.constant 1 : i32
          %eq3A_115 = arith.cmpi eq, %arg0, %eq3A_114 : i32
          %convert_element_type3A_116 = arith.extui %eq3A_115 : i1 to i32
          %cond3A_117 = arith.constant 0 : i32
          %cond3A_118 = arith.cmpi ne, %convert_element_type3A_116, %cond3A_117 : i32
          scf.if %cond3A_118 {
            %dma_wait3A_134 = arith.constant 0 : i32
            %dma_wait3A_135 = tpu.memref_slice %arg7[%scan3A_81, %dma_wait3A_134] : memref<25x80xi32, #tpu.memory_space<vmem>> -> memref<1x80xi32, #tpu.memory_space<vmem>>
            %dma_wait3A_136 = tpu.memref_squeeze %dma_wait3A_135 : memref<1x80xi32, #tpu.memory_space<vmem>> -> memref<80xi32, #tpu.memory_space<vmem>>
            %dma_wait3A_137 = arith.constant 0 : i32
            %dma_wait3A_138 = arith.constant 0 : i32
            %dma_wait3A_139 = tpu.memref_slice %arg3[%dma_wait3A_137, %dma_wait3A_138] : memref<10000x128xf32, #tpu.memory_space<hbm>> -> memref<10000x128xf32, #tpu.memory_space<hbm>>
            tpu.wait_indirect_dma semaphore(%arg16 : memref<!tpu.dma_semaphore, #tpu.memory_space<semaphore_mem>>) src(%dma_wait3A_139 : memref<10000x128xf32, #tpu.memory_space<hbm>>) dst(%arg11 : memref<80x128xf32, #tpu.memory_space<vmem>>)
          } else {
          }
          %ge3A = arith.constant 1 : i32
          %ge3A_119 = arith.cmpi sge, %scan3A_81, %ge3A : i32
          %convert_element_type3A_120 = arith.extui %ge3A_119 : i1 to i32
          %cond3A_121 = arith.constant 0 : i32
          %cond3A_122 = arith.cmpi ne, %convert_element_type3A_120, %cond3A_121 : i32
          scf.if %cond3A_122 {
            %sub3A = arith.constant 1 : i32
            %sub3A_134 = arith.subi %scan3A_81, %sub3A : i32
            %dma_wait3A_135 = arith.constant 0 : i32
            %dma_wait3A_136 = tpu.memref_slice %arg8[%sub3A_134, %dma_wait3A_135] : memref<25x80xi32, #tpu.memory_space<vmem>> -> memref<1x80xi32, #tpu.memory_space<vmem>>
            %dma_wait3A_137 = tpu.memref_squeeze %dma_wait3A_136 : memref<1x80xi32, #tpu.memory_space<vmem>> -> memref<80xi32, #tpu.memory_space<vmem>>
            %dma_wait3A_138 = arith.constant 0 : i32
            %dma_wait3A_139 = arith.constant 0 : i32
            %dma_wait3A_140 = tpu.memref_slice %arg13[%dma_wait3A_138, %dma_wait3A_139] : memref<10000x128xf32, #tpu.memory_space<vmem_shared>> -> memref<10000x128xf32, #tpu.memory_space<vmem_shared>>
            tpu.wait_indirect_dma semaphore(%arg19 : memref<!tpu.dma_semaphore, #tpu.memory_space<semaphore_mem>>) src(%arg10 : memref<80x128xf32, #tpu.memory_space<vmem>>) dst(%dma_wait3A_140 : memref<10000x128xf32, #tpu.memory_space<vmem_shared>>)
          } else {
          }
          %add3A = arith.constant 3 : i32
          %add3A_123 = arith.addi %scan3A_81, %add3A : i32
          %lt3A_124 = arith.constant 25 : i32
          %lt3A_125 = arith.cmpi slt, %add3A_123, %lt3A_124 : i32
          %convert_element_type3A_126 = arith.extui %lt3A_125 : i1 to i32
          %cond3A_127 = arith.constant 0 : i32
          %cond3A_128 = arith.cmpi ne, %convert_element_type3A_126, %cond3A_127 : i32
          scf.if %cond3A_128 {
            %add3A_134 = arith.constant 3 : i32
            %add3A_135 = arith.addi %scan3A_81, %add3A_134 : i32
            %eq3A_136 = arith.constant 0 : i32
            %eq3A_137 = arith.cmpi eq, %arg0, %eq3A_136 : i32
            %convert_element_type3A_138 = arith.extui %eq3A_137 : i1 to i32
            %cond3A_139 = arith.constant 0 : i32
            %cond3A_140 = arith.cmpi ne, %convert_element_type3A_138, %cond3A_139 : i32
            scf.if %cond3A_140 {
              %dma_start3A_146 = arith.constant 0 : i32
              %dma_start3A_147 = tpu.memref_slice %arg7[%add3A_135, %dma_start3A_146] : memref<25x80xi32, #tpu.memory_space<vmem>> -> memref<1x80xi32, #tpu.memory_space<vmem>>
              %dma_start3A_148 = tpu.memref_squeeze %dma_start3A_147 : memref<1x80xi32, #tpu.memory_space<vmem>> -> memref<80xi32, #tpu.memory_space<vmem>>
              %dma_start3A_149 = arith.constant 0 : i32
              %dma_start3A_150 = arith.constant 0 : i32
              %dma_start3A_151 = tpu.memref_slice %arg2[%dma_start3A_149, %dma_start3A_150] : memref<10000x128xf32, #tpu.memory_space<hbm>> -> memref<10000x128xf32, #tpu.memory_space<hbm>>
              tpu.enqueue_indirect_dma source(%dma_start3A_151 : memref<10000x128xf32, #tpu.memory_space<hbm>>) target(%arg10 : memref<80x128xf32, #tpu.memory_space<vmem>>) offsets(%dma_start3A_148 : memref<80xi32, #tpu.memory_space<vmem>>) semaphore(%arg15 : memref<!tpu.dma_semaphore, #tpu.memory_space<semaphore_mem>>)
            } else {
            }
            %eq3A_141 = arith.constant 1 : i32
            %eq3A_142 = arith.cmpi eq, %arg0, %eq3A_141 : i32
            %convert_element_type3A_143 = arith.extui %eq3A_142 : i1 to i32
            %cond3A_144 = arith.constant 0 : i32
            %cond3A_145 = arith.cmpi ne, %convert_element_type3A_143, %cond3A_144 : i32
            scf.if %cond3A_145 {
              %dma_start3A_146 = arith.constant 0 : i32
              %dma_start3A_147 = tpu.memref_slice %arg7[%add3A_135, %dma_start3A_146] : memref<25x80xi32, #tpu.memory_space<vmem>> -> memref<1x80xi32, #tpu.memory_space<vmem>>
              %dma_start3A_148 = tpu.memref_squeeze %dma_start3A_147 : memref<1x80xi32, #tpu.memory_space<vmem>> -> memref<80xi32, #tpu.memory_space<vmem>>
              %dma_start3A_149 = arith.constant 0 : i32
              %dma_start3A_150 = arith.constant 0 : i32
              %dma_start3A_151 = tpu.memref_slice %arg3[%dma_start3A_149, %dma_start3A_150] : memref<10000x128xf32, #tpu.memory_space<hbm>> -> memref<10000x128xf32, #tpu.memory_space<hbm>>
              tpu.enqueue_indirect_dma source(%dma_start3A_151 : memref<10000x128xf32, #tpu.memory_space<hbm>>) target(%arg10 : memref<80x128xf32, #tpu.memory_space<vmem>>) offsets(%dma_start3A_148 : memref<80xi32, #tpu.memory_space<vmem>>) semaphore(%arg15 : memref<!tpu.dma_semaphore, #tpu.memory_space<semaphore_mem>>)
            } else {
            }
          } else {
          }
          %dma_start3A = arith.constant 0 : i32
          %dma_start3A_129 = tpu.memref_slice %arg8[%scan3A_81, %dma_start3A] : memref<25x80xi32, #tpu.memory_space<vmem>> -> memref<1x80xi32, #tpu.memory_space<vmem>>
          %dma_start3A_130 = tpu.memref_squeeze %dma_start3A_129 : memref<1x80xi32, #tpu.memory_space<vmem>> -> memref<80xi32, #tpu.memory_space<vmem>>
          %dma_start3A_131 = arith.constant 0 : i32
          %dma_start3A_132 = arith.constant 0 : i32
          %dma_start3A_133 = tpu.memref_slice %arg13[%dma_start3A_131, %dma_start3A_132] : memref<10000x128xf32, #tpu.memory_space<vmem_shared>> -> memref<10000x128xf32, #tpu.memory_space<vmem_shared>>
          tpu.enqueue_indirect_dma source(%arg11 : memref<80x128xf32, #tpu.memory_space<vmem>>) target(%dma_start3A_133 : memref<10000x128xf32, #tpu.memory_space<vmem_shared>>) offsets(%dma_start3A_130 : memref<80xi32, #tpu.memory_space<vmem>>) semaphore(%arg20 : memref<!tpu.dma_semaphore, #tpu.memory_space<semaphore_mem>>) {add = true}
        } else {
        }
        %rem3A_102 = arith.constant 4 : i32
        %rem3A_103 = arith.remsi %scan3A_81, %rem3A_102 : i32
        %eq3A_104 = arith.constant 3 : i32
        %eq3A_105 = arith.cmpi eq, %rem3A_103, %eq3A_104 : i32
        %convert_element_type3A_106 = arith.extui %eq3A_105 : i1 to i32
        %cond3A_107 = arith.constant 0 : i32
        %cond3A_108 = arith.cmpi ne, %convert_element_type3A_106, %cond3A_107 : i32
        scf.if %cond3A_108 {
          %eq3A_109 = arith.constant 0 : i32
          %eq3A_110 = arith.cmpi eq, %arg0, %eq3A_109 : i32
          %convert_element_type3A_111 = arith.extui %eq3A_110 : i1 to i32
          %cond3A_112 = arith.constant 0 : i32
          %cond3A_113 = arith.cmpi ne, %convert_element_type3A_111, %cond3A_112 : i32
          scf.if %cond3A_113 {
            %dma_wait3A_134 = arith.constant 0 : i32
            %dma_wait3A_135 = tpu.memref_slice %arg7[%scan3A_81, %dma_wait3A_134] : memref<25x80xi32, #tpu.memory_space<vmem>> -> memref<1x80xi32, #tpu.memory_space<vmem>>
            %dma_wait3A_136 = tpu.memref_squeeze %dma_wait3A_135 : memref<1x80xi32, #tpu.memory_space<vmem>> -> memref<80xi32, #tpu.memory_space<vmem>>
            %dma_wait3A_137 = arith.constant 0 : i32
            %dma_wait3A_138 = arith.constant 0 : i32
            %dma_wait3A_139 = tpu.memref_slice %arg2[%dma_wait3A_137, %dma_wait3A_138] : memref<10000x128xf32, #tpu.memory_space<hbm>> -> memref<10000x128xf32, #tpu.memory_space<hbm>>
            tpu.wait_indirect_dma semaphore(%arg17 : memref<!tpu.dma_semaphore, #tpu.memory_space<semaphore_mem>>) src(%dma_wait3A_139 : memref<10000x128xf32, #tpu.memory_space<hbm>>) dst(%arg12 : memref<80x128xf32, #tpu.memory_space<vmem>>)
          } else {
          }
          %eq3A_114 = arith.constant 1 : i32
          %eq3A_115 = arith.cmpi eq, %arg0, %eq3A_114 : i32
          %convert_element_type3A_116 = arith.extui %eq3A_115 : i1 to i32
          %cond3A_117 = arith.constant 0 : i32
          %cond3A_118 = arith.cmpi ne, %convert_element_type3A_116, %cond3A_117 : i32
          scf.if %cond3A_118 {
            %dma_wait3A_134 = arith.constant 0 : i32
            %dma_wait3A_135 = tpu.memref_slice %arg7[%scan3A_81, %dma_wait3A_134] : memref<25x80xi32, #tpu.memory_space<vmem>> -> memref<1x80xi32, #tpu.memory_space<vmem>>
            %dma_wait3A_136 = tpu.memref_squeeze %dma_wait3A_135 : memref<1x80xi32, #tpu.memory_space<vmem>> -> memref<80xi32, #tpu.memory_space<vmem>>
            %dma_wait3A_137 = arith.constant 0 : i32
            %dma_wait3A_138 = arith.constant 0 : i32
            %dma_wait3A_139 = tpu.memref_slice %arg3[%dma_wait3A_137, %dma_wait3A_138] : memref<10000x128xf32, #tpu.memory_space<hbm>> -> memref<10000x128xf32, #tpu.memory_space<hbm>>
            tpu.wait_indirect_dma semaphore(%arg17 : memref<!tpu.dma_semaphore, #tpu.memory_space<semaphore_mem>>) src(%dma_wait3A_139 : memref<10000x128xf32, #tpu.memory_space<hbm>>) dst(%arg12 : memref<80x128xf32, #tpu.memory_space<vmem>>)
          } else {
          }
          %ge3A = arith.constant 1 : i32
          %ge3A_119 = arith.cmpi sge, %scan3A_81, %ge3A : i32
          %convert_element_type3A_120 = arith.extui %ge3A_119 : i1 to i32
          %cond3A_121 = arith.constant 0 : i32
          %cond3A_122 = arith.cmpi ne, %convert_element_type3A_120, %cond3A_121 : i32
          scf.if %cond3A_122 {
            %sub3A = arith.constant 1 : i32
            %sub3A_134 = arith.subi %scan3A_81, %sub3A : i32
            %dma_wait3A_135 = arith.constant 0 : i32
            %dma_wait3A_136 = tpu.memref_slice %arg8[%sub3A_134, %dma_wait3A_135] : memref<25x80xi32, #tpu.memory_space<vmem>> -> memref<1x80xi32, #tpu.memory_space<vmem>>
            %dma_wait3A_137 = tpu.memref_squeeze %dma_wait3A_136 : memref<1x80xi32, #tpu.memory_space<vmem>> -> memref<80xi32, #tpu.memory_space<vmem>>
            %dma_wait3A_138 = arith.constant 0 : i32
            %dma_wait3A_139 = arith.constant 0 : i32
            %dma_wait3A_140 = tpu.memref_slice %arg13[%dma_wait3A_138, %dma_wait3A_139] : memref<10000x128xf32, #tpu.memory_space<vmem_shared>> -> memref<10000x128xf32, #tpu.memory_space<vmem_shared>>
            tpu.wait_indirect_dma semaphore(%arg20 : memref<!tpu.dma_semaphore, #tpu.memory_space<semaphore_mem>>) src(%arg11 : memref<80x128xf32, #tpu.memory_space<vmem>>) dst(%dma_wait3A_140 : memref<10000x128xf32, #tpu.memory_space<vmem_shared>>)
          } else {
          }
          %add3A = arith.constant 3 : i32
          %add3A_123 = arith.addi %scan3A_81, %add3A : i32
          %lt3A_124 = arith.constant 25 : i32
          %lt3A_125 = arith.cmpi slt, %add3A_123, %lt3A_124 : i32
          %convert_element_type3A_126 = arith.extui %lt3A_125 : i1 to i32
          %cond3A_127 = arith.constant 0 : i32
          %cond3A_128 = arith.cmpi ne, %convert_element_type3A_126, %cond3A_127 : i32
          scf.if %cond3A_128 {
            %add3A_134 = arith.constant 3 : i32
            %add3A_135 = arith.addi %scan3A_81, %add3A_134 : i32
            %eq3A_136 = arith.constant 0 : i32
            %eq3A_137 = arith.cmpi eq, %arg0, %eq3A_136 : i32
            %convert_element_type3A_138 = arith.extui %eq3A_137 : i1 to i32
            %cond3A_139 = arith.constant 0 : i32
            %cond3A_140 = arith.cmpi ne, %convert_element_type3A_138, %cond3A_139 : i32
            scf.if %cond3A_140 {
              %dma_start3A_146 = arith.constant 0 : i32
              %dma_start3A_147 = tpu.memref_slice %arg7[%add3A_135, %dma_start3A_146] : memref<25x80xi32, #tpu.memory_space<vmem>> -> memref<1x80xi32, #tpu.memory_space<vmem>>
              %dma_start3A_148 = tpu.memref_squeeze %dma_start3A_147 : memref<1x80xi32, #tpu.memory_space<vmem>> -> memref<80xi32, #tpu.memory_space<vmem>>
              %dma_start3A_149 = arith.constant 0 : i32
              %dma_start3A_150 = arith.constant 0 : i32
              %dma_start3A_151 = tpu.memref_slice %arg2[%dma_start3A_149, %dma_start3A_150] : memref<10000x128xf32, #tpu.memory_space<hbm>> -> memref<10000x128xf32, #tpu.memory_space<hbm>>
              tpu.enqueue_indirect_dma source(%dma_start3A_151 : memref<10000x128xf32, #tpu.memory_space<hbm>>) target(%arg11 : memref<80x128xf32, #tpu.memory_space<vmem>>) offsets(%dma_start3A_148 : memref<80xi32, #tpu.memory_space<vmem>>) semaphore(%arg16 : memref<!tpu.dma_semaphore, #tpu.memory_space<semaphore_mem>>)
            } else {
            }
            %eq3A_141 = arith.constant 1 : i32
            %eq3A_142 = arith.cmpi eq, %arg0, %eq3A_141 : i32
            %convert_element_type3A_143 = arith.extui %eq3A_142 : i1 to i32
            %cond3A_144 = arith.constant 0 : i32
            %cond3A_145 = arith.cmpi ne, %convert_element_type3A_143, %cond3A_144 : i32
            scf.if %cond3A_145 {
              %dma_start3A_146 = arith.constant 0 : i32
              %dma_start3A_147 = tpu.memref_slice %arg7[%add3A_135, %dma_start3A_146] : memref<25x80xi32, #tpu.memory_space<vmem>> -> memref<1x80xi32, #tpu.memory_space<vmem>>
              %dma_start3A_148 = tpu.memref_squeeze %dma_start3A_147 : memref<1x80xi32, #tpu.memory_space<vmem>> -> memref<80xi32, #tpu.memory_space<vmem>>
              %dma_start3A_149 = arith.constant 0 : i32
              %dma_start3A_150 = arith.constant 0 : i32
              %dma_start3A_151 = tpu.memref_slice %arg3[%dma_start3A_149, %dma_start3A_150] : memref<10000x128xf32, #tpu.memory_space<hbm>> -> memref<10000x128xf32, #tpu.memory_space<hbm>>
              tpu.enqueue_indirect_dma source(%dma_start3A_151 : memref<10000x128xf32, #tpu.memory_space<hbm>>) target(%arg11 : memref<80x128xf32, #tpu.memory_space<vmem>>) offsets(%dma_start3A_148 : memref<80xi32, #tpu.memory_space<vmem>>) semaphore(%arg16 : memref<!tpu.dma_semaphore, #tpu.memory_space<semaphore_mem>>)
            } else {
            }
          } else {
          }
          %dma_start3A = arith.constant 0 : i32
          %dma_start3A_129 = tpu.memref_slice %arg8[%scan3A_81, %dma_start3A] : memref<25x80xi32, #tpu.memory_space<vmem>> -> memref<1x80xi32, #tpu.memory_space<vmem>>
          %dma_start3A_130 = tpu.memref_squeeze %dma_start3A_129 : memref<1x80xi32, #tpu.memory_space<vmem>> -> memref<80xi32, #tpu.memory_space<vmem>>
          %dma_start3A_131 = arith.constant 0 : i32
          %dma_start3A_132 = arith.constant 0 : i32
          %dma_start3A_133 = tpu.memref_slice %arg13[%dma_start3A_131, %dma_start3A_132] : memref<10000x128xf32, #tpu.memory_space<vmem_shared>> -> memref<10000x128xf32, #tpu.memory_space<vmem_shared>>
          tpu.enqueue_indirect_dma source(%arg12 : memref<80x128xf32, #tpu.memory_space<vmem>>) target(%dma_start3A_133 : memref<10000x128xf32, #tpu.memory_space<vmem_shared>>) offsets(%dma_start3A_130 : memref<80xi32, #tpu.memory_space<vmem>>) semaphore(%arg21 : memref<!tpu.dma_semaphore, #tpu.memory_space<semaphore_mem>>) {add = true}
        } else {
        }
      }
      %scan3A_74 = arith.constant 25 : i32
      %dma_wait3A = arith.constant 24 : i32
      %dma_wait3A_75 = arith.constant 0 : i32
      %dma_wait3A_76 = tpu.memref_slice %arg8[%dma_wait3A, %dma_wait3A_75] : memref<25x80xi32, #tpu.memory_space<vmem>> -> memref<1x80xi32, #tpu.memory_space<vmem>>
      %dma_wait3A_77 = tpu.memref_squeeze %dma_wait3A_76 : memref<1x80xi32, #tpu.memory_space<vmem>> -> memref<80xi32, #tpu.memory_space<vmem>>
      %dma_wait3A_78 = arith.constant 0 : i32
      %dma_wait3A_79 = arith.constant 0 : i32
      %dma_wait3A_80 = tpu.memref_slice %arg13[%dma_wait3A_78, %dma_wait3A_79] : memref<10000x128xf32, #tpu.memory_space<vmem_shared>> -> memref<10000x128xf32, #tpu.memory_space<vmem_shared>>
      tpu.wait_indirect_dma semaphore(%arg18 : memref<!tpu.dma_semaphore, #tpu.memory_space<semaphore_mem>>) src(%arg9 : memref<80x128xf32, #tpu.memory_space<vmem>>) dst(%dma_wait3A_80 : memref<10000x128xf32, #tpu.memory_space<vmem_shared>>)
    }
    %scan3A_4 = arith.constant 5 : i32
    %barrier3A = arith.constant 0 : index
    tpu.barrier barrier_id(%barrier3A)
    %eq3A = arith.constant 0 : i32
    %eq3A_5 = arith.cmpi eq, %arg0, %eq3A : i32
    %lt3A = arith.constant 15 : i32
    %lt3A_6 = arith.cmpi slt, %arg1, %lt3A : i32
    %and3A = arith.andi %eq3A_5, %lt3A_6 : i1
    %convert_element_type3A = arith.extui %and3A : i1 to i32
    %cond3A = arith.constant 0 : i32
    %cond3A_7 = arith.cmpi ne, %convert_element_type3A, %cond3A : i32
    scf.if %cond3A_7 {
      %mul3A = arith.constant 624 : i32
      %mul3A_32 = arith.muli %arg1, %mul3A : i32
      %mul3A_33 = arith.constant 624 : i32
      %mul3A_34 = arith.muli %arg1, %mul3A_33 : i32
      "tpu.region"() ({
        %run_scoped3A = tpu.sem_alloc : memref<!tpu.dma_semaphore, #tpu.memory_space<semaphore_mem>>
        %dma_start3A = arith.constant 0 : i32
        %dma_start3A_35 = tpu.memref_slice %arg5[%mul3A_34, %dma_start3A] : memref<10000x128xf32, #tpu.memory_space<hbm>> -> memref<624x128xf32, #tpu.memory_space<hbm>>
        %dma_start3A_36 = arith.constant 0 : i32
        %dma_start3A_37 = tpu.memref_slice %arg13[%mul3A_32, %dma_start3A_36] : memref<10000x128xf32, #tpu.memory_space<vmem_shared>> -> memref<624x128xf32, #tpu.memory_space<vmem_shared>>
        tpu.enqueue_dma source(%dma_start3A_37 : memref<624x128xf32, #tpu.memory_space<vmem_shared>>) target(%dma_start3A_35 : memref<624x128xf32, #tpu.memory_space<hbm>>) target_semaphore(%run_scoped3A : memref<!tpu.dma_semaphore, #tpu.memory_space<semaphore_mem>>)
        %dma_wait3A = arith.constant 0 : i32
        %dma_wait3A_38 = tpu.memref_slice %arg5[%mul3A_34, %dma_wait3A] : memref<10000x128xf32, #tpu.memory_space<hbm>> -> memref<624x128xf32, #tpu.memory_space<hbm>>
        %dma_wait3A_39 = arith.constant 0 : i32
        %dma_wait3A_40 = tpu.memref_slice %arg13[%mul3A_32, %dma_wait3A_39] : memref<10000x128xf32, #tpu.memory_space<vmem_shared>> -> memref<624x128xf32, #tpu.memory_space<vmem_shared>>
        tpu.wait_dma2 semaphore(%run_scoped3A : memref<!tpu.dma_semaphore, #tpu.memory_space<semaphore_mem>>) src(%dma_wait3A_40 : memref<624x128xf32, #tpu.memory_space<vmem_shared>>) dst(%dma_wait3A_38 : memref<624x128xf32, #tpu.memory_space<hbm>>)
        tpu.yield
      }) : () -> ()
    } else {
    }
    %eq3A_8 = arith.constant 0 : i32
    %eq3A_9 = arith.cmpi eq, %arg0, %eq3A_8 : i32
    %eq3A_10 = arith.constant 15 : i32
    %eq3A_11 = arith.cmpi eq, %arg1, %eq3A_10 : i32
    %and3A_12 = arith.andi %eq3A_9, %eq3A_11 : i1
    %convert_element_type3A_13 = arith.extui %and3A_12 : i1 to i32
    %cond3A_14 = arith.constant 0 : i32
    %cond3A_15 = arith.cmpi ne, %convert_element_type3A_13, %cond3A_14 : i32
    scf.if %cond3A_15 {
      "tpu.region"() ({
        %run_scoped3A = tpu.sem_alloc : memref<!tpu.dma_semaphore, #tpu.memory_space<semaphore_mem>>
        %dma_start3A = arith.constant 9360 : i32
        %dma_start3A_32 = arith.constant 0 : i32
        %dma_start3A_33 = tpu.memref_slice %arg5[%dma_start3A, %dma_start3A_32] : memref<10000x128xf32, #tpu.memory_space<hbm>> -> memref<640x128xf32, #tpu.memory_space<hbm>>
        %dma_start3A_34 = arith.constant 9360 : i32
        %dma_start3A_35 = arith.constant 0 : i32
        %dma_start3A_36 = tpu.memref_slice %arg13[%dma_start3A_34, %dma_start3A_35] : memref<10000x128xf32, #tpu.memory_space<vmem_shared>> -> memref<640x128xf32, #tpu.memory_space<vmem_shared>>
        tpu.enqueue_dma source(%dma_start3A_36 : memref<640x128xf32, #tpu.memory_space<vmem_shared>>) target(%dma_start3A_33 : memref<640x128xf32, #tpu.memory_space<hbm>>) target_semaphore(%run_scoped3A : memref<!tpu.dma_semaphore, #tpu.memory_space<semaphore_mem>>)
        %dma_wait3A = arith.constant 9360 : i32
        %dma_wait3A_37 = arith.constant 0 : i32
        %dma_wait3A_38 = tpu.memref_slice %arg5[%dma_wait3A, %dma_wait3A_37] : memref<10000x128xf32, #tpu.memory_space<hbm>> -> memref<640x128xf32, #tpu.memory_space<hbm>>
        %dma_wait3A_39 = arith.constant 9360 : i32
        %dma_wait3A_40 = arith.constant 0 : i32
        %dma_wait3A_41 = tpu.memref_slice %arg13[%dma_wait3A_39, %dma_wait3A_40] : memref<10000x128xf32, #tpu.memory_space<vmem_shared>> -> memref<640x128xf32, #tpu.memory_space<vmem_shared>>
        tpu.wait_dma2 semaphore(%run_scoped3A : memref<!tpu.dma_semaphore, #tpu.memory_space<semaphore_mem>>) src(%dma_wait3A_41 : memref<640x128xf32, #tpu.memory_space<vmem_shared>>) dst(%dma_wait3A_38 : memref<640x128xf32, #tpu.memory_space<hbm>>)
        tpu.yield
      }) : () -> ()
    } else {
    }
    %eq3A_16 = arith.constant 1 : i32
    %eq3A_17 = arith.cmpi eq, %arg0, %eq3A_16 : i32
    %lt3A_18 = arith.constant 15 : i32
    %lt3A_19 = arith.cmpi slt, %arg1, %lt3A_18 : i32
    %and3A_20 = arith.andi %eq3A_17, %lt3A_19 : i1
    %convert_element_type3A_21 = arith.extui %and3A_20 : i1 to i32
    %cond3A_22 = arith.constant 0 : i32
    %cond3A_23 = arith.cmpi ne, %convert_element_type3A_21, %cond3A_22 : i32
    scf.if %cond3A_23 {
      %mul3A = arith.constant 624 : i32
      %mul3A_32 = arith.muli %arg1, %mul3A : i32
      %mul3A_33 = arith.constant 624 : i32
      %mul3A_34 = arith.muli %arg1, %mul3A_33 : i32
      "tpu.region"() ({
        %run_scoped3A = tpu.sem_alloc : memref<!tpu.dma_semaphore, #tpu.memory_space<semaphore_mem>>
        %dma_start3A = arith.constant 0 : i32
        %dma_start3A_35 = tpu.memref_slice %arg6[%mul3A_34, %dma_start3A] : memref<10000x128xf32, #tpu.memory_space<hbm>> -> memref<624x128xf32, #tpu.memory_space<hbm>>
        %dma_start3A_36 = arith.constant 0 : i32
        %dma_start3A_37 = tpu.memref_slice %arg13[%mul3A_32, %dma_start3A_36] : memref<10000x128xf32, #tpu.memory_space<vmem_shared>> -> memref<624x128xf32, #tpu.memory_space<vmem_shared>>
        tpu.enqueue_dma source(%dma_start3A_37 : memref<624x128xf32, #tpu.memory_space<vmem_shared>>) target(%dma_start3A_35 : memref<624x128xf32, #tpu.memory_space<hbm>>) target_semaphore(%run_scoped3A : memref<!tpu.dma_semaphore, #tpu.memory_space<semaphore_mem>>)
        %dma_wait3A = arith.constant 0 : i32
        %dma_wait3A_38 = tpu.memref_slice %arg6[%mul3A_34, %dma_wait3A] : memref<10000x128xf32, #tpu.memory_space<hbm>> -> memref<624x128xf32, #tpu.memory_space<hbm>>
        %dma_wait3A_39 = arith.constant 0 : i32
        %dma_wait3A_40 = tpu.memref_slice %arg13[%mul3A_32, %dma_wait3A_39] : memref<10000x128xf32, #tpu.memory_space<vmem_shared>> -> memref<624x128xf32, #tpu.memory_space<vmem_shared>>
        tpu.wait_dma2 semaphore(%run_scoped3A : memref<!tpu.dma_semaphore, #tpu.memory_space<semaphore_mem>>) src(%dma_wait3A_40 : memref<624x128xf32, #tpu.memory_space<vmem_shared>>) dst(%dma_wait3A_38 : memref<624x128xf32, #tpu.memory_space<hbm>>)
        tpu.yield
      }) : () -> ()
    } else {
    }
    %eq3A_24 = arith.constant 1 : i32
    %eq3A_25 = arith.cmpi eq, %arg0, %eq3A_24 : i32
    %eq3A_26 = arith.constant 15 : i32
    %eq3A_27 = arith.cmpi eq, %arg1, %eq3A_26 : i32
    %and3A_28 = arith.andi %eq3A_25, %eq3A_27 : i1
    %convert_element_type3A_29 = arith.extui %and3A_28 : i1 to i32
    %cond3A_30 = arith.constant 0 : i32
    %cond3A_31 = arith.cmpi ne, %convert_element_type3A_29, %cond3A_30 : i32
    scf.if %cond3A_31 {
      "tpu.region"() ({
        %run_scoped3A = tpu.sem_alloc : memref<!tpu.dma_semaphore, #tpu.memory_space<semaphore_mem>>
        %dma_start3A = arith.constant 9360 : i32
        %dma_start3A_32 = arith.constant 0 : i32
        %dma_start3A_33 = tpu.memref_slice %arg6[%dma_start3A, %dma_start3A_32] : memref<10000x128xf32, #tpu.memory_space<hbm>> -> memref<640x128xf32, #tpu.memory_space<hbm>>
        %dma_start3A_34 = arith.constant 9360 : i32
        %dma_start3A_35 = arith.constant 0 : i32
        %dma_start3A_36 = tpu.memref_slice %arg13[%dma_start3A_34, %dma_start3A_35] : memref<10000x128xf32, #tpu.memory_space<vmem_shared>> -> memref<640x128xf32, #tpu.memory_space<vmem_shared>>
        tpu.enqueue_dma source(%dma_start3A_36 : memref<640x128xf32, #tpu.memory_space<vmem_shared>>) target(%dma_start3A_33 : memref<640x128xf32, #tpu.memory_space<hbm>>) target_semaphore(%run_scoped3A : memref<!tpu.dma_semaphore, #tpu.memory_space<semaphore_mem>>)
        %dma_wait3A = arith.constant 9360 : i32
        %dma_wait3A_37 = arith.constant 0 : i32
        %dma_wait3A_38 = tpu.memref_slice %arg6[%dma_wait3A, %dma_wait3A_37] : memref<10000x128xf32, #tpu.memory_space<hbm>> -> memref<640x128xf32, #tpu.memory_space<hbm>>
        %dma_wait3A_39 = arith.constant 9360 : i32
        %dma_wait3A_40 = arith.constant 0 : i32
        %dma_wait3A_41 = tpu.memref_slice %arg13[%dma_wait3A_39, %dma_wait3A_40] : memref<10000x128xf32, #tpu.memory_space<vmem_shared>> -> memref<640x128xf32, #tpu.memory_space<vmem_shared>>
        tpu.wait_dma2 semaphore(%run_scoped3A : memref<!tpu.dma_semaphore, #tpu.memory_space<semaphore_mem>>) src(%dma_wait3A_41 : memref<640x128xf32, #tpu.memory_space<vmem_shared>>) dst(%dma_wait3A_38 : memref<640x128xf32, #tpu.memory_space<hbm>>)
        tpu.yield
      }) : () -> ()
    } else {
    }
    return
  }
}

#map = affine_map<(d0, d1) -> (0, 0, 0, 0)>
#map1 = affine_map<(d0, d1) -> (0)>
module attributes {stable_mosaic.version = 14 : i64} {
  func.func @_deg_kernel(%arg0: i32, %arg1: i32, %arg2: memref<2x32x125x40xi32, #tpu.memory_space<hbm>>, %arg3: memref<40xf32, #tpu.memory_space<hbm>>, %arg4: memref<10000xf32, #tpu.memory_space<hbm>>, %arg5: memref<10000xf32, #tpu.memory_space<hbm>>, %arg6: memref<10000xf32, #tpu.memory_space<hbm>>, %arg7: memref<125x40xi32, #tpu.memory_space<vmem>>, %arg8: memref<40xf32, #tpu.memory_space<vmem>>, %arg9: memref<10000xf32, #tpu.memory_space<vmem_shared>>, %arg10: memref<!tpu.dma_semaphore, #tpu.memory_space<semaphore_mem>>) attributes {dimension_semantics = [#tpu.dimension_semantics<core_parallel>, #tpu.dimension_semantics<subcore_parallel>], iteration_bounds = array<i64: 2, 16>, scalar_prefetch = 0 : i64, scratch_operands = 4 : i64, tpu.core_type = #tpu.core_type<sc_vector_subcore>, window_params = [{transform_indices = #map}, {transform_indices = #map1}, {transform_indices = #map1}, {transform_indices = #map1}, {transform_indices = #map1}]} {
    %mul3A = arith.constant 16 : i32
    %mul3A_0 = arith.muli %arg0, %mul3A : i32
    %add3A = arith.addi %mul3A_0, %arg1 : i32
    %run_scoped3A = arith.constant 1 : i32
    "tpu.region"() ({
      %run_scoped3A_30 = tpu.sem_alloc : memref<!tpu.dma_semaphore, #tpu.memory_space<semaphore_mem>>
      %dma_start3A = arith.constant 0 : i32
      %dma_start3A_31 = arith.constant 0 : i32
      %dma_start3A_32 = tpu.memref_slice %arg2[%run_scoped3A, %add3A, %dma_start3A, %dma_start3A_31] : memref<2x32x125x40xi32, #tpu.memory_space<hbm>> -> memref<1x1x125x40xi32, #tpu.memory_space<hbm>>
      %dma_start3A_33 = tpu.memref_squeeze %dma_start3A_32 : memref<1x1x125x40xi32, #tpu.memory_space<hbm>> -> memref<125x40xi32, #tpu.memory_space<hbm>>
      %dma_start3A_34 = arith.constant 0 : i32
      %dma_start3A_35 = arith.constant 0 : i32
      %dma_start3A_36 = tpu.memref_slice %arg2[%run_scoped3A, %add3A, %dma_start3A_34, %dma_start3A_35] : memref<2x32x125x40xi32, #tpu.memory_space<hbm>> -> memref<1x1x125x40xi32, #tpu.memory_space<hbm>>
      %dma_start3A_37 = tpu.memref_squeeze %dma_start3A_36 : memref<1x1x125x40xi32, #tpu.memory_space<hbm>> -> memref<125x40xi32, #tpu.memory_space<hbm>>
      tpu.enqueue_dma source(%dma_start3A_37 : memref<125x40xi32, #tpu.memory_space<hbm>>) target(%arg7 : memref<125x40xi32, #tpu.memory_space<vmem>>) target_semaphore(%run_scoped3A_30 : memref<!tpu.dma_semaphore, #tpu.memory_space<semaphore_mem>>)
      %dma_wait3A = arith.constant 0 : i32
      %dma_wait3A_38 = arith.constant 0 : i32
      %dma_wait3A_39 = tpu.memref_slice %arg2[%run_scoped3A, %add3A, %dma_wait3A, %dma_wait3A_38] : memref<2x32x125x40xi32, #tpu.memory_space<hbm>> -> memref<1x1x125x40xi32, #tpu.memory_space<hbm>>
      %dma_wait3A_40 = tpu.memref_squeeze %dma_wait3A_39 : memref<1x1x125x40xi32, #tpu.memory_space<hbm>> -> memref<125x40xi32, #tpu.memory_space<hbm>>
      %dma_wait3A_41 = arith.constant 0 : i32
      %dma_wait3A_42 = arith.constant 0 : i32
      %dma_wait3A_43 = tpu.memref_slice %arg2[%run_scoped3A, %add3A, %dma_wait3A_41, %dma_wait3A_42] : memref<2x32x125x40xi32, #tpu.memory_space<hbm>> -> memref<1x1x125x40xi32, #tpu.memory_space<hbm>>
      %dma_wait3A_44 = tpu.memref_squeeze %dma_wait3A_43 : memref<1x1x125x40xi32, #tpu.memory_space<hbm>> -> memref<125x40xi32, #tpu.memory_space<hbm>>
      tpu.wait_dma2 semaphore(%run_scoped3A_30 : memref<!tpu.dma_semaphore, #tpu.memory_space<semaphore_mem>>) src(%dma_wait3A_44 : memref<125x40xi32, #tpu.memory_space<hbm>>) dst(%arg7 : memref<125x40xi32, #tpu.memory_space<vmem>>)
      tpu.yield
    }) : () -> ()
    "tpu.region"() ({
      %run_scoped3A_30 = tpu.sem_alloc : memref<!tpu.dma_semaphore, #tpu.memory_space<semaphore_mem>>
      tpu.enqueue_dma source(%arg3 : memref<40xf32, #tpu.memory_space<hbm>>) target(%arg8 : memref<40xf32, #tpu.memory_space<vmem>>) target_semaphore(%run_scoped3A_30 : memref<!tpu.dma_semaphore, #tpu.memory_space<semaphore_mem>>)
      tpu.wait_dma2 semaphore(%run_scoped3A_30 : memref<!tpu.dma_semaphore, #tpu.memory_space<semaphore_mem>>) src(%arg3 : memref<40xf32, #tpu.memory_space<hbm>>) dst(%arg8 : memref<40xf32, #tpu.memory_space<vmem>>)
      tpu.yield
    }) : () -> ()
    %eq3A = arith.constant 0 : i32
    %eq3A_1 = arith.cmpi eq, %arg1, %eq3A : i32
    %convert_element_type3A = arith.extui %eq3A_1 : i1 to i32
    %cond3A = arith.constant 0 : i32
    %cond3A_2 = arith.cmpi ne, %convert_element_type3A, %cond3A : i32
    scf.if %cond3A_2 {
      "tpu.region"() ({
        %run_scoped3A_30 = tpu.sem_alloc : memref<!tpu.dma_semaphore, #tpu.memory_space<semaphore_mem>>
        tpu.enqueue_dma source(%arg4 : memref<10000xf32, #tpu.memory_space<hbm>>) target(%arg9 : memref<10000xf32, #tpu.memory_space<vmem_shared>>) target_semaphore(%run_scoped3A_30 : memref<!tpu.dma_semaphore, #tpu.memory_space<semaphore_mem>>)
        tpu.wait_dma2 semaphore(%run_scoped3A_30 : memref<!tpu.dma_semaphore, #tpu.memory_space<semaphore_mem>>) src(%arg4 : memref<10000xf32, #tpu.memory_space<hbm>>) dst(%arg9 : memref<10000xf32, #tpu.memory_space<vmem_shared>>)
        tpu.yield
      }) : () -> ()
    } else {
    }
    %barrier3A = arith.constant 0 : index
    tpu.barrier barrier_id(%barrier3A)
    %scan3A = arith.constant 0 : i32
    %scan3A_3 = arith.constant 0 : i32
    %scan3A_4 = arith.constant 125 : i32
    %scan3A_5 = arith.addi %scan3A_3, %scan3A_4 : i32
    %scan3A_6 = arith.constant 1 : i32
    scf.for %scan3A_30 = %scan3A_3 to %scan3A_5 step %scan3A_6  : i32 {
      %dma_start3A = arith.constant 0 : i32
      %dma_start3A_31 = tpu.memref_slice %arg7[%scan3A_30, %dma_start3A] : memref<125x40xi32, #tpu.memory_space<vmem>> -> memref<1x40xi32, #tpu.memory_space<vmem>>
      %dma_start3A_32 = tpu.memref_squeeze %dma_start3A_31 : memref<1x40xi32, #tpu.memory_space<vmem>> -> memref<40xi32, #tpu.memory_space<vmem>>
      %dma_start3A_33 = arith.constant 0 : i32
      %dma_start3A_34 = tpu.memref_slice %arg9[%dma_start3A_33] : memref<10000xf32, #tpu.memory_space<vmem_shared>> -> memref<10000xf32, #tpu.memory_space<vmem_shared>>
      tpu.enqueue_indirect_dma source(%arg8 : memref<40xf32, #tpu.memory_space<vmem>>) target(%dma_start3A_34 : memref<10000xf32, #tpu.memory_space<vmem_shared>>) offsets(%dma_start3A_32 : memref<40xi32, #tpu.memory_space<vmem>>) semaphore(%arg10 : memref<!tpu.dma_semaphore, #tpu.memory_space<semaphore_mem>>) {add = true}
    }
    %scan3A_7 = arith.constant 125 : i32
    %scan3A_8 = arith.constant 0 : i32
    %scan3A_9 = arith.constant 0 : i32
    %scan3A_10 = arith.constant 125 : i32
    %scan3A_11 = arith.addi %scan3A_9, %scan3A_10 : i32
    %scan3A_12 = arith.constant 1 : i32
    scf.for %scan3A_30 = %scan3A_9 to %scan3A_11 step %scan3A_12  : i32 {
      %dma_wait3A = arith.constant 0 : i32
      %dma_wait3A_31 = tpu.memref_slice %arg7[%scan3A_30, %dma_wait3A] : memref<125x40xi32, #tpu.memory_space<vmem>> -> memref<1x40xi32, #tpu.memory_space<vmem>>
      %dma_wait3A_32 = tpu.memref_squeeze %dma_wait3A_31 : memref<1x40xi32, #tpu.memory_space<vmem>> -> memref<40xi32, #tpu.memory_space<vmem>>
      %dma_wait3A_33 = arith.constant 0 : i32
      %dma_wait3A_34 = tpu.memref_slice %arg9[%dma_wait3A_33] : memref<10000xf32, #tpu.memory_space<vmem_shared>> -> memref<10000xf32, #tpu.memory_space<vmem_shared>>
      tpu.wait_indirect_dma semaphore(%arg10 : memref<!tpu.dma_semaphore, #tpu.memory_space<semaphore_mem>>) src(%arg8 : memref<40xf32, #tpu.memory_space<vmem>>) dst(%dma_wait3A_34 : memref<10000xf32, #tpu.memory_space<vmem_shared>>)
    }
    %scan3A_13 = arith.constant 125 : i32
    %barrier3A_14 = arith.constant 0 : index
    tpu.barrier barrier_id(%barrier3A_14)
    %eq3A_15 = arith.constant 0 : i32
    %eq3A_16 = arith.cmpi eq, %arg1, %eq3A_15 : i32
    %eq3A_17 = arith.constant 0 : i32
    %eq3A_18 = arith.cmpi eq, %arg0, %eq3A_17 : i32
    %and3A = arith.andi %eq3A_16, %eq3A_18 : i1
    %convert_element_type3A_19 = arith.extui %and3A : i1 to i32
    %cond3A_20 = arith.constant 0 : i32
    %cond3A_21 = arith.cmpi ne, %convert_element_type3A_19, %cond3A_20 : i32
    scf.if %cond3A_21 {
      "tpu.region"() ({
        %run_scoped3A_30 = tpu.sem_alloc : memref<!tpu.dma_semaphore, #tpu.memory_space<semaphore_mem>>
        tpu.enqueue_dma source(%arg9 : memref<10000xf32, #tpu.memory_space<vmem_shared>>) target(%arg5 : memref<10000xf32, #tpu.memory_space<hbm>>) target_semaphore(%run_scoped3A_30 : memref<!tpu.dma_semaphore, #tpu.memory_space<semaphore_mem>>)
        tpu.wait_dma2 semaphore(%run_scoped3A_30 : memref<!tpu.dma_semaphore, #tpu.memory_space<semaphore_mem>>) src(%arg9 : memref<10000xf32, #tpu.memory_space<vmem_shared>>) dst(%arg5 : memref<10000xf32, #tpu.memory_space<hbm>>)
        tpu.yield
      }) : () -> ()
    } else {
    }
    %eq3A_22 = arith.constant 0 : i32
    %eq3A_23 = arith.cmpi eq, %arg1, %eq3A_22 : i32
    %eq3A_24 = arith.constant 1 : i32
    %eq3A_25 = arith.cmpi eq, %arg0, %eq3A_24 : i32
    %and3A_26 = arith.andi %eq3A_23, %eq3A_25 : i1
    %convert_element_type3A_27 = arith.extui %and3A_26 : i1 to i32
    %cond3A_28 = arith.constant 0 : i32
    %cond3A_29 = arith.cmpi ne, %convert_element_type3A_27, %cond3A_28 : i32
    scf.if %cond3A_29 {
      "tpu.region"() ({
        %run_scoped3A_30 = tpu.sem_alloc : memref<!tpu.dma_semaphore, #tpu.memory_space<semaphore_mem>>
        tpu.enqueue_dma source(%arg9 : memref<10000xf32, #tpu.memory_space<vmem_shared>>) target(%arg6 : memref<10000xf32, #tpu.memory_space<hbm>>) target_semaphore(%run_scoped3A_30 : memref<!tpu.dma_semaphore, #tpu.memory_space<semaphore_mem>>)
        tpu.wait_dma2 semaphore(%run_scoped3A_30 : memref<!tpu.dma_semaphore, #tpu.memory_space<semaphore_mem>>) src(%arg9 : memref<10000xf32, #tpu.memory_space<vmem_shared>>) dst(%arg6 : memref<10000xf32, #tpu.memory_space<hbm>>)
        tpu.yield
      }) : () -> ()
    } else {
    }
    return
  }
}

#map = affine_map<(d0, d1) -> (0, 0)>
#map1 = affine_map<(d0, d1) -> (0, 0, 0, 0, 0)>
module attributes {stable_mosaic.version = 14 : i64} {
  func.func @_scatter_kernel(%arg0: i32, %arg1: i32, %arg2: memref<10000x128xf32, #tpu.memory_space<hbm>>, %arg3: memref<10000x128xf32, #tpu.memory_space<hbm>>, %arg4: memref<2x16x5x25x80xi32, #tpu.memory_space<hbm>>, %arg5: memref<10000x128xf32, #tpu.memory_space<hbm>>, %arg6: memref<10000x128xf32, #tpu.memory_space<hbm>>, %arg7: memref<25x80xi32, #tpu.memory_space<vmem>>, %arg8: memref<25x80xi32, #tpu.memory_space<vmem>>, %arg9: memref<80x128xf32, #tpu.memory_space<vmem>>, %arg10: memref<80x128xf32, #tpu.memory_space<vmem>>, %arg11: memref<80x128xf32, #tpu.memory_space<vmem>>, %arg12: memref<80x128xf32, #tpu.memory_space<vmem>>, %arg13: memref<10000x128xf32, #tpu.memory_space<vmem_shared>>, %arg14: memref<!tpu.dma_semaphore, #tpu.memory_space<semaphore_mem>>, %arg15: memref<!tpu.dma_semaphore, #tpu.memory_space<semaphore_mem>>, %arg16: memref<!tpu.dma_semaphore, #tpu.memory_space<semaphore_mem>>, %arg17: memref<!tpu.dma_semaphore, #tpu.memory_space<semaphore_mem>>, %arg18: memref<!tpu.dma_semaphore, #tpu.memory_space<semaphore_mem>>, %arg19: memref<!tpu.dma_semaphore, #tpu.memory_space<semaphore_mem>>, %arg20: memref<!tpu.dma_semaphore, #tpu.memory_space<semaphore_mem>>, %arg21: memref<!tpu.dma_semaphore, #tpu.memory_space<semaphore_mem>>) attributes {dimension_semantics = [#tpu.dimension_semantics<core_parallel>, #tpu.dimension_semantics<subcore_parallel>], iteration_bounds = array<i64: 2, 16>, scalar_prefetch = 0 : i64, scratch_operands = 15 : i64, tpu.core_type = #tpu.core_type<sc_vector_subcore>, window_params = [{transform_indices = #map}, {transform_indices = #map}, {transform_indices = #map1}, {transform_indices = #map}, {transform_indices = #map}]} {
    %scan3A = arith.constant 0 : i32
    %scan3A_0 = arith.constant 0 : i32
    %scan3A_1 = arith.constant 5 : i32
    %scan3A_2 = arith.addi %scan3A_0, %scan3A_1 : i32
    %scan3A_3 = arith.constant 1 : i32
    scf.for %scan3A_32 = %scan3A_0 to %scan3A_2 step %scan3A_3  : i32 {
      %run_scoped3A = arith.constant 0 : i32
      "tpu.region"() ({
        %run_scoped3A_81 = tpu.sem_alloc : memref<!tpu.dma_semaphore, #tpu.memory_space<semaphore_mem>>
        %dma_start3A = arith.constant 0 : i32
        %dma_start3A_82 = arith.constant 0 : i32
        %dma_start3A_83 = tpu.memref_slice %arg4[%run_scoped3A, %arg1, %scan3A_32, %dma_start3A, %dma_start3A_82] : memref<2x16x5x25x80xi32, #tpu.memory_space<hbm>> -> memref<1x1x1x25x80xi32, #tpu.memory_space<hbm>>
        %dma_start3A_84 = tpu.memref_squeeze %dma_start3A_83 : memref<1x1x1x25x80xi32, #tpu.memory_space<hbm>> -> memref<25x80xi32, #tpu.memory_space<hbm>>
        %dma_start3A_85 = arith.constant 0 : i32
        %dma_start3A_86 = arith.constant 0 : i32
        %dma_start3A_87 = tpu.memref_slice %arg4[%run_scoped3A, %arg1, %scan3A_32, %dma_start3A_85, %dma_start3A_86] : memref<2x16x5x25x80xi32, #tpu.memory_space<hbm>> -> memref<1x1x1x25x80xi32, #tpu.memory_space<hbm>>
        %dma_start3A_88 = tpu.memref_squeeze %dma_start3A_87 : memref<1x1x1x25x80xi32, #tpu.memory_space<hbm>> -> memref<25x80xi32, #tpu.memory_space<hbm>>
        tpu.enqueue_dma source(%dma_start3A_88 : memref<25x80xi32, #tpu.memory_space<hbm>>) target(%arg7 : memref<25x80xi32, #tpu.memory_space<vmem>>) target_semaphore(%run_scoped3A_81 : memref<!tpu.dma_semaphore, #tpu.memory_space<semaphore_mem>>)
        %dma_wait3A_89 = arith.constant 0 : i32
        %dma_wait3A_90 = arith.constant 0 : i32
        %dma_wait3A_91 = tpu.memref_slice %arg4[%run_scoped3A, %arg1, %scan3A_32, %dma_wait3A_89, %dma_wait3A_90] : memref<2x16x5x25x80xi32, #tpu.memory_space<hbm>> -> memref<1x1x1x25x80xi32, #tpu.memory_space<hbm>>
        %dma_wait3A_92 = tpu.memref_squeeze %dma_wait3A_91 : memref<1x1x1x25x80xi32, #tpu.memory_space<hbm>> -> memref<25x80xi32, #tpu.memory_space<hbm>>
        %dma_wait3A_93 = arith.constant 0 : i32
        %dma_wait3A_94 = arith.constant 0 : i32
        %dma_wait3A_95 = tpu.memref_slice %arg4[%run_scoped3A, %arg1, %scan3A_32, %dma_wait3A_93, %dma_wait3A_94] : memref<2x16x5x25x80xi32, #tpu.memory_space<hbm>> -> memref<1x1x1x25x80xi32, #tpu.memory_space<hbm>>
        %dma_wait3A_96 = tpu.memref_squeeze %dma_wait3A_95 : memref<1x1x1x25x80xi32, #tpu.memory_space<hbm>> -> memref<25x80xi32, #tpu.memory_space<hbm>>
        tpu.wait_dma2 semaphore(%run_scoped3A_81 : memref<!tpu.dma_semaphore, #tpu.memory_space<semaphore_mem>>) src(%dma_wait3A_96 : memref<25x80xi32, #tpu.memory_space<hbm>>) dst(%arg7 : memref<25x80xi32, #tpu.memory_space<vmem>>)
        tpu.yield
      }) : () -> ()
      %run_scoped3A_33 = arith.constant 1 : i32
      "tpu.region"() ({
        %run_scoped3A_81 = tpu.sem_alloc : memref<!tpu.dma_semaphore, #tpu.memory_space<semaphore_mem>>
        %dma_start3A = arith.constant 0 : i32
        %dma_start3A_82 = arith.constant 0 : i32
        %dma_start3A_83 = tpu.memref_slice %arg4[%run_scoped3A_33, %arg1, %scan3A_32, %dma_start3A, %dma_start3A_82] : memref<2x16x5x25x80xi32, #tpu.memory_space<hbm>> -> memref<1x1x1x25x80xi32, #tpu.memory_space<hbm>>
        %dma_start3A_84 = tpu.memref_squeeze %dma_start3A_83 : memref<1x1x1x25x80xi32, #tpu.memory_space<hbm>> -> memref<25x80xi32, #tpu.memory_space<hbm>>
        %dma_start3A_85 = arith.constant 0 : i32
        %dma_start3A_86 = arith.constant 0 : i32
        %dma_start3A_87 = tpu.memref_slice %arg4[%run_scoped3A_33, %arg1, %scan3A_32, %dma_start3A_85, %dma_start3A_86] : memref<2x16x5x25x80xi32, #tpu.memory_space<hbm>> -> memref<1x1x1x25x80xi32, #tpu.memory_space<hbm>>
        %dma_start3A_88 = tpu.memref_squeeze %dma_start3A_87 : memref<1x1x1x25x80xi32, #tpu.memory_space<hbm>> -> memref<25x80xi32, #tpu.memory_space<hbm>>
        tpu.enqueue_dma source(%dma_start3A_88 : memref<25x80xi32, #tpu.memory_space<hbm>>) target(%arg8 : memref<25x80xi32, #tpu.memory_space<vmem>>) target_semaphore(%run_scoped3A_81 : memref<!tpu.dma_semaphore, #tpu.memory_space<semaphore_mem>>)
        %dma_wait3A_89 = arith.constant 0 : i32
        %dma_wait3A_90 = arith.constant 0 : i32
        %dma_wait3A_91 = tpu.memref_slice %arg4[%run_scoped3A_33, %arg1, %scan3A_32, %dma_wait3A_89, %dma_wait3A_90] : memref<2x16x5x25x80xi32, #tpu.memory_space<hbm>> -> memref<1x1x1x25x80xi32, #tpu.memory_space<hbm>>
        %dma_wait3A_92 = tpu.memref_squeeze %dma_wait3A_91 : memref<1x1x1x25x80xi32, #tpu.memory_space<hbm>> -> memref<25x80xi32, #tpu.memory_space<hbm>>
        %dma_wait3A_93 = arith.constant 0 : i32
        %dma_wait3A_94 = arith.constant 0 : i32
        %dma_wait3A_95 = tpu.memref_slice %arg4[%run_scoped3A_33, %arg1, %scan3A_32, %dma_wait3A_93, %dma_wait3A_94] : memref<2x16x5x25x80xi32, #tpu.memory_space<hbm>> -> memref<1x1x1x25x80xi32, #tpu.memory_space<hbm>>
        %dma_wait3A_96 = tpu.memref_squeeze %dma_wait3A_95 : memref<1x1x1x25x80xi32, #tpu.memory_space<hbm>> -> memref<25x80xi32, #tpu.memory_space<hbm>>
        tpu.wait_dma2 semaphore(%run_scoped3A_81 : memref<!tpu.dma_semaphore, #tpu.memory_space<semaphore_mem>>) src(%dma_wait3A_96 : memref<25x80xi32, #tpu.memory_space<hbm>>) dst(%arg8 : memref<25x80xi32, #tpu.memory_space<vmem>>)
        tpu.yield
      }) : () -> ()
      %eq3A_34 = arith.constant 0 : i32
      %eq3A_35 = arith.cmpi eq, %arg0, %eq3A_34 : i32
      %convert_element_type3A_36 = arith.extui %eq3A_35 : i1 to i32
      %cond3A_37 = arith.constant 0 : i32
      %cond3A_38 = arith.cmpi ne, %convert_element_type3A_36, %cond3A_37 : i32
      scf.if %cond3A_38 {
        %dma_start3A = arith.constant 0 : i32
        %dma_start3A_81 = arith.constant 0 : i32
        %dma_start3A_82 = tpu.memref_slice %arg7[%dma_start3A, %dma_start3A_81] : memref<25x80xi32, #tpu.memory_space<vmem>> -> memref<1x80xi32, #tpu.memory_space<vmem>>
        %dma_start3A_83 = tpu.memref_squeeze %dma_start3A_82 : memref<1x80xi32, #tpu.memory_space<vmem>> -> memref<80xi32, #tpu.memory_space<vmem>>
        %dma_start3A_84 = arith.constant 0 : i32
        %dma_start3A_85 = arith.constant 0 : i32
        %dma_start3A_86 = tpu.memref_slice %arg2[%dma_start3A_84, %dma_start3A_85] : memref<10000x128xf32, #tpu.memory_space<hbm>> -> memref<10000x128xf32, #tpu.memory_space<hbm>>
        tpu.enqueue_indirect_dma source(%dma_start3A_86 : memref<10000x128xf32, #tpu.memory_space<hbm>>) target(%arg9 : memref<80x128xf32, #tpu.memory_space<vmem>>) offsets(%dma_start3A_83 : memref<80xi32, #tpu.memory_space<vmem>>) semaphore(%arg14 : memref<!tpu.dma_semaphore, #tpu.memory_space<semaphore_mem>>)
      } else {
      }
      %eq3A_39 = arith.constant 1 : i32
      %eq3A_40 = arith.cmpi eq, %arg0, %eq3A_39 : i32
      %convert_element_type3A_41 = arith.extui %eq3A_40 : i1 to i32
      %cond3A_42 = arith.constant 0 : i32
      %cond3A_43 = arith.cmpi ne, %convert_element_type3A_41, %cond3A_42 : i32
      scf.if %cond3A_43 {
        %dma_start3A = arith.constant 0 : i32
        %dma_start3A_81 = arith.constant 0 : i32
        %dma_start3A_82 = tpu.memref_slice %arg7[%dma_start3A, %dma_start3A_81] : memref<25x80xi32, #tpu.memory_space<vmem>> -> memref<1x80xi32, #tpu.memory_space<vmem>>
        %dma_start3A_83 = tpu.memref_squeeze %dma_start3A_82 : memref<1x80xi32, #tpu.memory_space<vmem>> -> memref<80xi32, #tpu.memory_space<vmem>>
        %dma_start3A_84 = arith.constant 0 : i32
        %dma_start3A_85 = arith.constant 0 : i32
        %dma_start3A_86 = tpu.memref_slice %arg3[%dma_start3A_84, %dma_start3A_85] : memref<10000x128xf32, #tpu.memory_space<hbm>> -> memref<10000x128xf32, #tpu.memory_space<hbm>>
        tpu.enqueue_indirect_dma source(%dma_start3A_86 : memref<10000x128xf32, #tpu.memory_space<hbm>>) target(%arg9 : memref<80x128xf32, #tpu.memory_space<vmem>>) offsets(%dma_start3A_83 : memref<80xi32, #tpu.memory_space<vmem>>) semaphore(%arg14 : memref<!tpu.dma_semaphore, #tpu.memory_space<semaphore_mem>>)
      } else {
      }
      %eq3A_44 = arith.constant 0 : i32
      %eq3A_45 = arith.cmpi eq, %arg0, %eq3A_44 : i32
      %convert_element_type3A_46 = arith.extui %eq3A_45 : i1 to i32
      %cond3A_47 = arith.constant 0 : i32
      %cond3A_48 = arith.cmpi ne, %convert_element_type3A_46, %cond3A_47 : i32
      scf.if %cond3A_48 {
        %dma_start3A = arith.constant 1 : i32
        %dma_start3A_81 = arith.constant 0 : i32
        %dma_start3A_82 = tpu.memref_slice %arg7[%dma_start3A, %dma_start3A_81] : memref<25x80xi32, #tpu.memory_space<vmem>> -> memref<1x80xi32, #tpu.memory_space<vmem>>
        %dma_start3A_83 = tpu.memref_squeeze %dma_start3A_82 : memref<1x80xi32, #tpu.memory_space<vmem>> -> memref<80xi32, #tpu.memory_space<vmem>>
        %dma_start3A_84 = arith.constant 0 : i32
        %dma_start3A_85 = arith.constant 0 : i32
        %dma_start3A_86 = tpu.memref_slice %arg2[%dma_start3A_84, %dma_start3A_85] : memref<10000x128xf32, #tpu.memory_space<hbm>> -> memref<10000x128xf32, #tpu.memory_space<hbm>>
        tpu.enqueue_indirect_dma source(%dma_start3A_86 : memref<10000x128xf32, #tpu.memory_space<hbm>>) target(%arg10 : memref<80x128xf32, #tpu.memory_space<vmem>>) offsets(%dma_start3A_83 : memref<80xi32, #tpu.memory_space<vmem>>) semaphore(%arg15 : memref<!tpu.dma_semaphore, #tpu.memory_space<semaphore_mem>>)
      } else {
      }
      %eq3A_49 = arith.constant 1 : i32
      %eq3A_50 = arith.cmpi eq, %arg0, %eq3A_49 : i32
      %convert_element_type3A_51 = arith.extui %eq3A_50 : i1 to i32
      %cond3A_52 = arith.constant 0 : i32
      %cond3A_53 = arith.cmpi ne, %convert_element_type3A_51, %cond3A_52 : i32
      scf.if %cond3A_53 {
        %dma_start3A = arith.constant 1 : i32
        %dma_start3A_81 = arith.constant 0 : i32
        %dma_start3A_82 = tpu.memref_slice %arg7[%dma_start3A, %dma_start3A_81] : memref<25x80xi32, #tpu.memory_space<vmem>> -> memref<1x80xi32, #tpu.memory_space<vmem>>
        %dma_start3A_83 = tpu.memref_squeeze %dma_start3A_82 : memref<1x80xi32, #tpu.memory_space<vmem>> -> memref<80xi32, #tpu.memory_space<vmem>>
        %dma_start3A_84 = arith.constant 0 : i32
        %dma_start3A_85 = arith.constant 0 : i32
        %dma_start3A_86 = tpu.memref_slice %arg3[%dma_start3A_84, %dma_start3A_85] : memref<10000x128xf32, #tpu.memory_space<hbm>> -> memref<10000x128xf32, #tpu.memory_space<hbm>>
        tpu.enqueue_indirect_dma source(%dma_start3A_86 : memref<10000x128xf32, #tpu.memory_space<hbm>>) target(%arg10 : memref<80x128xf32, #tpu.memory_space<vmem>>) offsets(%dma_start3A_83 : memref<80xi32, #tpu.memory_space<vmem>>) semaphore(%arg15 : memref<!tpu.dma_semaphore, #tpu.memory_space<semaphore_mem>>)
      } else {
      }
      %eq3A_54 = arith.constant 0 : i32
      %eq3A_55 = arith.cmpi eq, %arg0, %eq3A_54 : i32
      %convert_element_type3A_56 = arith.extui %eq3A_55 : i1 to i32
      %cond3A_57 = arith.constant 0 : i32
      %cond3A_58 = arith.cmpi ne, %convert_element_type3A_56, %cond3A_57 : i32
      scf.if %cond3A_58 {
        %dma_start3A = arith.constant 2 : i32
        %dma_start3A_81 = arith.constant 0 : i32
        %dma_start3A_82 = tpu.memref_slice %arg7[%dma_start3A, %dma_start3A_81] : memref<25x80xi32, #tpu.memory_space<vmem>> -> memref<1x80xi32, #tpu.memory_space<vmem>>
        %dma_start3A_83 = tpu.memref_squeeze %dma_start3A_82 : memref<1x80xi32, #tpu.memory_space<vmem>> -> memref<80xi32, #tpu.memory_space<vmem>>
        %dma_start3A_84 = arith.constant 0 : i32
        %dma_start3A_85 = arith.constant 0 : i32
        %dma_start3A_86 = tpu.memref_slice %arg2[%dma_start3A_84, %dma_start3A_85] : memref<10000x128xf32, #tpu.memory_space<hbm>> -> memref<10000x128xf32, #tpu.memory_space<hbm>>
        tpu.enqueue_indirect_dma source(%dma_start3A_86 : memref<10000x128xf32, #tpu.memory_space<hbm>>) target(%arg11 : memref<80x128xf32, #tpu.memory_space<vmem>>) offsets(%dma_start3A_83 : memref<80xi32, #tpu.memory_space<vmem>>) semaphore(%arg16 : memref<!tpu.dma_semaphore, #tpu.memory_space<semaphore_mem>>)
      } else {
      }
      %eq3A_59 = arith.constant 1 : i32
      %eq3A_60 = arith.cmpi eq, %arg0, %eq3A_59 : i32
      %convert_element_type3A_61 = arith.extui %eq3A_60 : i1 to i32
      %cond3A_62 = arith.constant 0 : i32
      %cond3A_63 = arith.cmpi ne, %convert_element_type3A_61, %cond3A_62 : i32
      scf.if %cond3A_63 {
        %dma_start3A = arith.constant 2 : i32
        %dma_start3A_81 = arith.constant 0 : i32
        %dma_start3A_82 = tpu.memref_slice %arg7[%dma_start3A, %dma_start3A_81] : memref<25x80xi32, #tpu.memory_space<vmem>> -> memref<1x80xi32, #tpu.memory_space<vmem>>
        %dma_start3A_83 = tpu.memref_squeeze %dma_start3A_82 : memref<1x80xi32, #tpu.memory_space<vmem>> -> memref<80xi32, #tpu.memory_space<vmem>>
        %dma_start3A_84 = arith.constant 0 : i32
        %dma_start3A_85 = arith.constant 0 : i32
        %dma_start3A_86 = tpu.memref_slice %arg3[%dma_start3A_84, %dma_start3A_85] : memref<10000x128xf32, #tpu.memory_space<hbm>> -> memref<10000x128xf32, #tpu.memory_space<hbm>>
        tpu.enqueue_indirect_dma source(%dma_start3A_86 : memref<10000x128xf32, #tpu.memory_space<hbm>>) target(%arg11 : memref<80x128xf32, #tpu.memory_space<vmem>>) offsets(%dma_start3A_83 : memref<80xi32, #tpu.memory_space<vmem>>) semaphore(%arg16 : memref<!tpu.dma_semaphore, #tpu.memory_space<semaphore_mem>>)
      } else {
      }
      %eq3A_64 = arith.constant 0 : i32
      %eq3A_65 = arith.cmpi eq, %scan3A_32, %eq3A_64 : i32
      %convert_element_type3A_66 = arith.extui %eq3A_65 : i1 to i32
      %cond3A_67 = arith.constant 0 : i32
      %cond3A_68 = arith.cmpi ne, %convert_element_type3A_66, %cond3A_67 : i32
      scf.if %cond3A_68 {
        %eq3A_81 = arith.constant 0 : i32
        %eq3A_82 = arith.cmpi eq, %arg0, %eq3A_81 : i32
        %lt3A_83 = arith.constant 15 : i32
        %lt3A_84 = arith.cmpi slt, %arg1, %lt3A_83 : i32
        %and3A_85 = arith.andi %eq3A_82, %lt3A_84 : i1
        %convert_element_type3A_86 = arith.extui %and3A_85 : i1 to i32
        %cond3A_87 = arith.constant 0 : i32
        %cond3A_88 = arith.cmpi ne, %convert_element_type3A_86, %cond3A_87 : i32
        scf.if %cond3A_88 {
          %mul3A = arith.constant 624 : i32
          %mul3A_114 = arith.muli %arg1, %mul3A : i32
          %mul3A_115 = arith.constant 624 : i32
          %mul3A_116 = arith.muli %arg1, %mul3A_115 : i32
          "tpu.region"() ({
            %run_scoped3A_117 = tpu.sem_alloc : memref<!tpu.dma_semaphore, #tpu.memory_space<semaphore_mem>>
            %dma_start3A = arith.constant 0 : i32
            %dma_start3A_118 = tpu.memref_slice %arg13[%mul3A_116, %dma_start3A] : memref<10000x128xf32, #tpu.memory_space<vmem_shared>> -> memref<624x128xf32, #tpu.memory_space<vmem_shared>>
            %dma_start3A_119 = arith.constant 0 : i32
            %dma_start3A_120 = tpu.memref_slice %arg2[%mul3A_114, %dma_start3A_119] : memref<10000x128xf32, #tpu.memory_space<hbm>> -> memref<624x128xf32, #tpu.memory_space<hbm>>
            tpu.enqueue_dma source(%dma_start3A_120 : memref<624x128xf32, #tpu.memory_space<hbm>>) target(%dma_start3A_118 : memref<624x128xf32, #tpu.memory_space<vmem_shared>>) target_semaphore(%run_scoped3A_117 : memref<!tpu.dma_semaphore, #tpu.memory_space<semaphore_mem>>)
            %dma_wait3A_121 = arith.constant 0 : i32
            %dma_wait3A_122 = tpu.memref_slice %arg13[%mul3A_116, %dma_wait3A_121] : memref<10000x128xf32, #tpu.memory_space<vmem_shared>> -> memref<624x128xf32, #tpu.memory_space<vmem_shared>>
            %dma_wait3A_123 = arith.constant 0 : i32
            %dma_wait3A_124 = tpu.memref_slice %arg2[%mul3A_114, %dma_wait3A_123] : memref<10000x128xf32, #tpu.memory_space<hbm>> -> memref<624x128xf32, #tpu.memory_space<hbm>>
            tpu.wait_dma2 semaphore(%run_scoped3A_117 : memref<!tpu.dma_semaphore, #tpu.memory_space<semaphore_mem>>) src(%dma_wait3A_124 : memref<624x128xf32, #tpu.memory_space<hbm>>) dst(%dma_wait3A_122 : memref<624x128xf32, #tpu.memory_space<vmem_shared>>)
            tpu.yield
          }) : () -> ()
        } else {
        }
        %eq3A_89 = arith.constant 0 : i32
        %eq3A_90 = arith.cmpi eq, %arg0, %eq3A_89 : i32
        %eq3A_91 = arith.constant 15 : i32
        %eq3A_92 = arith.cmpi eq, %arg1, %eq3A_91 : i32
        %and3A_93 = arith.andi %eq3A_90, %eq3A_92 : i1
        %convert_element_type3A_94 = arith.extui %and3A_93 : i1 to i32
        %cond3A_95 = arith.constant 0 : i32
        %cond3A_96 = arith.cmpi ne, %convert_element_type3A_94, %cond3A_95 : i32
        scf.if %cond3A_96 {
          "tpu.region"() ({
            %run_scoped3A_114 = tpu.sem_alloc : memref<!tpu.dma_semaphore, #tpu.memory_space<semaphore_mem>>
            %dma_start3A = arith.constant 9360 : i32
            %dma_start3A_115 = arith.constant 0 : i32
            %dma_start3A_116 = tpu.memref_slice %arg13[%dma_start3A, %dma_start3A_115] : memref<10000x128xf32, #tpu.memory_space<vmem_shared>> -> memref<640x128xf32, #tpu.memory_space<vmem_shared>>
            %dma_start3A_117 = arith.constant 9360 : i32
            %dma_start3A_118 = arith.constant 0 : i32
            %dma_start3A_119 = tpu.memref_slice %arg2[%dma_start3A_117, %dma_start3A_118] : memref<10000x128xf32, #tpu.memory_space<hbm>> -> memref<640x128xf32, #tpu.memory_space<hbm>>
            tpu.enqueue_dma source(%dma_start3A_119 : memref<640x128xf32, #tpu.memory_space<hbm>>) target(%dma_start3A_116 : memref<640x128xf32, #tpu.memory_space<vmem_shared>>) target_semaphore(%run_scoped3A_114 : memref<!tpu.dma_semaphore, #tpu.memory_space<semaphore_mem>>)
            %dma_wait3A_120 = arith.constant 9360 : i32
            %dma_wait3A_121 = arith.constant 0 : i32
            %dma_wait3A_122 = tpu.memref_slice %arg13[%dma_wait3A_120, %dma_wait3A_121] : memref<10000x128xf32, #tpu.memory_space<vmem_shared>> -> memref<640x128xf32, #tpu.memory_space<vmem_shared>>
            %dma_wait3A_123 = arith.constant 9360 : i32
            %dma_wait3A_124 = arith.constant 0 : i32
            %dma_wait3A_125 = tpu.memref_slice %arg2[%dma_wait3A_123, %dma_wait3A_124] : memref<10000x128xf32, #tpu.memory_space<hbm>> -> memref<640x128xf32, #tpu.memory_space<hbm>>
            tpu.wait_dma2 semaphore(%run_scoped3A_114 : memref<!tpu.dma_semaphore, #tpu.memory_space<semaphore_mem>>) src(%dma_wait3A_125 : memref<640x128xf32, #tpu.memory_space<hbm>>) dst(%dma_wait3A_122 : memref<640x128xf32, #tpu.memory_space<vmem_shared>>)
            tpu.yield
          }) : () -> ()
        } else {
        }
        %eq3A_97 = arith.constant 1 : i32
        %eq3A_98 = arith.cmpi eq, %arg0, %eq3A_97 : i32
        %lt3A_99 = arith.constant 15 : i32
        %lt3A_100 = arith.cmpi slt, %arg1, %lt3A_99 : i32
        %and3A_101 = arith.andi %eq3A_98, %lt3A_100 : i1
        %convert_element_type3A_102 = arith.extui %and3A_101 : i1 to i32
        %cond3A_103 = arith.constant 0 : i32
        %cond3A_104 = arith.cmpi ne, %convert_element_type3A_102, %cond3A_103 : i32
        scf.if %cond3A_104 {
          %mul3A = arith.constant 624 : i32
          %mul3A_114 = arith.muli %arg1, %mul3A : i32
          %mul3A_115 = arith.constant 624 : i32
          %mul3A_116 = arith.muli %arg1, %mul3A_115 : i32
          "tpu.region"() ({
            %run_scoped3A_117 = tpu.sem_alloc : memref<!tpu.dma_semaphore, #tpu.memory_space<semaphore_mem>>
            %dma_start3A = arith.constant 0 : i32
            %dma_start3A_118 = tpu.memref_slice %arg13[%mul3A_116, %dma_start3A] : memref<10000x128xf32, #tpu.memory_space<vmem_shared>> -> memref<624x128xf32, #tpu.memory_space<vmem_shared>>
            %dma_start3A_119 = arith.constant 0 : i32
            %dma_start3A_120 = tpu.memref_slice %arg3[%mul3A_114, %dma_start3A_119] : memref<10000x128xf32, #tpu.memory_space<hbm>> -> memref<624x128xf32, #tpu.memory_space<hbm>>
            tpu.enqueue_dma source(%dma_start3A_120 : memref<624x128xf32, #tpu.memory_space<hbm>>) target(%dma_start3A_118 : memref<624x128xf32, #tpu.memory_space<vmem_shared>>) target_semaphore(%run_scoped3A_117 : memref<!tpu.dma_semaphore, #tpu.memory_space<semaphore_mem>>)
            %dma_wait3A_121 = arith.constant 0 : i32
            %dma_wait3A_122 = tpu.memref_slice %arg13[%mul3A_116, %dma_wait3A_121] : memref<10000x128xf32, #tpu.memory_space<vmem_shared>> -> memref<624x128xf32, #tpu.memory_space<vmem_shared>>
            %dma_wait3A_123 = arith.constant 0 : i32
            %dma_wait3A_124 = tpu.memref_slice %arg3[%mul3A_114, %dma_wait3A_123] : memref<10000x128xf32, #tpu.memory_space<hbm>> -> memref<624x128xf32, #tpu.memory_space<hbm>>
            tpu.wait_dma2 semaphore(%run_scoped3A_117 : memref<!tpu.dma_semaphore, #tpu.memory_space<semaphore_mem>>) src(%dma_wait3A_124 : memref<624x128xf32, #tpu.memory_space<hbm>>) dst(%dma_wait3A_122 : memref<624x128xf32, #tpu.memory_space<vmem_shared>>)
            tpu.yield
          }) : () -> ()
        } else {
        }
        %eq3A_105 = arith.constant 1 : i32
        %eq3A_106 = arith.cmpi eq, %arg0, %eq3A_105 : i32
        %eq3A_107 = arith.constant 15 : i32
        %eq3A_108 = arith.cmpi eq, %arg1, %eq3A_107 : i32
        %and3A_109 = arith.andi %eq3A_106, %eq3A_108 : i1
        %convert_element_type3A_110 = arith.extui %and3A_109 : i1 to i32
        %cond3A_111 = arith.constant 0 : i32
        %cond3A_112 = arith.cmpi ne, %convert_element_type3A_110, %cond3A_111 : i32
        scf.if %cond3A_112 {
          "tpu.region"() ({
            %run_scoped3A_114 = tpu.sem_alloc : memref<!tpu.dma_semaphore, #tpu.memory_space<semaphore_mem>>
            %dma_start3A = arith.constant 9360 : i32
            %dma_start3A_115 = arith.constant 0 : i32
            %dma_start3A_116 = tpu.memref_slice %arg13[%dma_start3A, %dma_start3A_115] : memref<10000x128xf32, #tpu.memory_space<vmem_shared>> -> memref<640x128xf32, #tpu.memory_space<vmem_shared>>
            %dma_start3A_117 = arith.constant 9360 : i32
            %dma_start3A_118 = arith.constant 0 : i32
            %dma_start3A_119 = tpu.memref_slice %arg3[%dma_start3A_117, %dma_start3A_118] : memref<10000x128xf32, #tpu.memory_space<hbm>> -> memref<640x128xf32, #tpu.memory_space<hbm>>
            tpu.enqueue_dma source(%dma_start3A_119 : memref<640x128xf32, #tpu.memory_space<hbm>>) target(%dma_start3A_116 : memref<640x128xf32, #tpu.memory_space<vmem_shared>>) target_semaphore(%run_scoped3A_114 : memref<!tpu.dma_semaphore, #tpu.memory_space<semaphore_mem>>)
            %dma_wait3A_120 = arith.constant 9360 : i32
            %dma_wait3A_121 = arith.constant 0 : i32
            %dma_wait3A_122 = tpu.memref_slice %arg13[%dma_wait3A_120, %dma_wait3A_121] : memref<10000x128xf32, #tpu.memory_space<vmem_shared>> -> memref<640x128xf32, #tpu.memory_space<vmem_shared>>
            %dma_wait3A_123 = arith.constant 9360 : i32
            %dma_wait3A_124 = arith.constant 0 : i32
            %dma_wait3A_125 = tpu.memref_slice %arg3[%dma_wait3A_123, %dma_wait3A_124] : memref<10000x128xf32, #tpu.memory_space<hbm>> -> memref<640x128xf32, #tpu.memory_space<hbm>>
            tpu.wait_dma2 semaphore(%run_scoped3A_114 : memref<!tpu.dma_semaphore, #tpu.memory_space<semaphore_mem>>) src(%dma_wait3A_125 : memref<640x128xf32, #tpu.memory_space<hbm>>) dst(%dma_wait3A_122 : memref<640x128xf32, #tpu.memory_space<vmem_shared>>)
            tpu.yield
          }) : () -> ()
        } else {
        }
        %barrier3A_113 = arith.constant 0 : index
        tpu.barrier barrier_id(%barrier3A_113)
      } else {
      }
      %scan3A_69 = arith.constant 0 : i32
      %scan3A_70 = arith.constant 0 : i32
      %scan3A_71 = arith.constant 25 : i32
      %scan3A_72 = arith.addi %scan3A_70, %scan3A_71 : i32
      %scan3A_73 = arith.constant 1 : i32
      scf.for %scan3A_81 = %scan3A_70 to %scan3A_72 step %scan3A_73  : i32 {
        %rem3A = arith.constant 4 : i32
        %rem3A_82 = arith.remsi %scan3A_81, %rem3A : i32
        %eq3A_83 = arith.constant 0 : i32
        %eq3A_84 = arith.cmpi eq, %rem3A_82, %eq3A_83 : i32
        %convert_element_type3A_85 = arith.extui %eq3A_84 : i1 to i32
        %cond3A_86 = arith.constant 0 : i32
        %cond3A_87 = arith.cmpi ne, %convert_element_type3A_85, %cond3A_86 : i32
        scf.if %cond3A_87 {
          %eq3A_109 = arith.constant 0 : i32
          %eq3A_110 = arith.cmpi eq, %arg0, %eq3A_109 : i32
          %convert_element_type3A_111 = arith.extui %eq3A_110 : i1 to i32
          %cond3A_112 = arith.constant 0 : i32
          %cond3A_113 = arith.cmpi ne, %convert_element_type3A_111, %cond3A_112 : i32
          scf.if %cond3A_113 {
            %dma_wait3A_134 = arith.constant 0 : i32
            %dma_wait3A_135 = tpu.memref_slice %arg7[%scan3A_81, %dma_wait3A_134] : memref<25x80xi32, #tpu.memory_space<vmem>> -> memref<1x80xi32, #tpu.memory_space<vmem>>
            %dma_wait3A_136 = tpu.memref_squeeze %dma_wait3A_135 : memref<1x80xi32, #tpu.memory_space<vmem>> -> memref<80xi32, #tpu.memory_space<vmem>>
            %dma_wait3A_137 = arith.constant 0 : i32
            %dma_wait3A_138 = arith.constant 0 : i32
            %dma_wait3A_139 = tpu.memref_slice %arg2[%dma_wait3A_137, %dma_wait3A_138] : memref<10000x128xf32, #tpu.memory_space<hbm>> -> memref<10000x128xf32, #tpu.memory_space<hbm>>
            tpu.wait_indirect_dma semaphore(%arg14 : memref<!tpu.dma_semaphore, #tpu.memory_space<semaphore_mem>>) src(%dma_wait3A_139 : memref<10000x128xf32, #tpu.memory_space<hbm>>) dst(%arg9 : memref<80x128xf32, #tpu.memory_space<vmem>>)
          } else {
          }
          %eq3A_114 = arith.constant 1 : i32
          %eq3A_115 = arith.cmpi eq, %arg0, %eq3A_114 : i32
          %convert_element_type3A_116 = arith.extui %eq3A_115 : i1 to i32
          %cond3A_117 = arith.constant 0 : i32
          %cond3A_118 = arith.cmpi ne, %convert_element_type3A_116, %cond3A_117 : i32
          scf.if %cond3A_118 {
            %dma_wait3A_134 = arith.constant 0 : i32
            %dma_wait3A_135 = tpu.memref_slice %arg7[%scan3A_81, %dma_wait3A_134] : memref<25x80xi32, #tpu.memory_space<vmem>> -> memref<1x80xi32, #tpu.memory_space<vmem>>
            %dma_wait3A_136 = tpu.memref_squeeze %dma_wait3A_135 : memref<1x80xi32, #tpu.memory_space<vmem>> -> memref<80xi32, #tpu.memory_space<vmem>>
            %dma_wait3A_137 = arith.constant 0 : i32
            %dma_wait3A_138 = arith.constant 0 : i32
            %dma_wait3A_139 = tpu.memref_slice %arg3[%dma_wait3A_137, %dma_wait3A_138] : memref<10000x128xf32, #tpu.memory_space<hbm>> -> memref<10000x128xf32, #tpu.memory_space<hbm>>
            tpu.wait_indirect_dma semaphore(%arg14 : memref<!tpu.dma_semaphore, #tpu.memory_space<semaphore_mem>>) src(%dma_wait3A_139 : memref<10000x128xf32, #tpu.memory_space<hbm>>) dst(%arg9 : memref<80x128xf32, #tpu.memory_space<vmem>>)
          } else {
          }
          %ge3A = arith.constant 1 : i32
          %ge3A_119 = arith.cmpi sge, %scan3A_81, %ge3A : i32
          %convert_element_type3A_120 = arith.extui %ge3A_119 : i1 to i32
          %cond3A_121 = arith.constant 0 : i32
          %cond3A_122 = arith.cmpi ne, %convert_element_type3A_120, %cond3A_121 : i32
          scf.if %cond3A_122 {
            %sub3A = arith.constant 1 : i32
            %sub3A_134 = arith.subi %scan3A_81, %sub3A : i32
            %dma_wait3A_135 = arith.constant 0 : i32
            %dma_wait3A_136 = tpu.memref_slice %arg8[%sub3A_134, %dma_wait3A_135] : memref<25x80xi32, #tpu.memory_space<vmem>> -> memref<1x80xi32, #tpu.memory_space<vmem>>
            %dma_wait3A_137 = tpu.memref_squeeze %dma_wait3A_136 : memref<1x80xi32, #tpu.memory_space<vmem>> -> memref<80xi32, #tpu.memory_space<vmem>>
            %dma_wait3A_138 = arith.constant 0 : i32
            %dma_wait3A_139 = arith.constant 0 : i32
            %dma_wait3A_140 = tpu.memref_slice %arg13[%dma_wait3A_138, %dma_wait3A_139] : memref<10000x128xf32, #tpu.memory_space<vmem_shared>> -> memref<10000x128xf32, #tpu.memory_space<vmem_shared>>
            tpu.wait_indirect_dma semaphore(%arg21 : memref<!tpu.dma_semaphore, #tpu.memory_space<semaphore_mem>>) src(%arg12 : memref<80x128xf32, #tpu.memory_space<vmem>>) dst(%dma_wait3A_140 : memref<10000x128xf32, #tpu.memory_space<vmem_shared>>)
          } else {
          }
          %add3A = arith.constant 3 : i32
          %add3A_123 = arith.addi %scan3A_81, %add3A : i32
          %lt3A_124 = arith.constant 25 : i32
          %lt3A_125 = arith.cmpi slt, %add3A_123, %lt3A_124 : i32
          %convert_element_type3A_126 = arith.extui %lt3A_125 : i1 to i32
          %cond3A_127 = arith.constant 0 : i32
          %cond3A_128 = arith.cmpi ne, %convert_element_type3A_126, %cond3A_127 : i32
          scf.if %cond3A_128 {
            %add3A_134 = arith.constant 3 : i32
            %add3A_135 = arith.addi %scan3A_81, %add3A_134 : i32
            %eq3A_136 = arith.constant 0 : i32
            %eq3A_137 = arith.cmpi eq, %arg0, %eq3A_136 : i32
            %convert_element_type3A_138 = arith.extui %eq3A_137 : i1 to i32
            %cond3A_139 = arith.constant 0 : i32
            %cond3A_140 = arith.cmpi ne, %convert_element_type3A_138, %cond3A_139 : i32
            scf.if %cond3A_140 {
              %dma_start3A_146 = arith.constant 0 : i32
              %dma_start3A_147 = tpu.memref_slice %arg7[%add3A_135, %dma_start3A_146] : memref<25x80xi32, #tpu.memory_space<vmem>> -> memref<1x80xi32, #tpu.memory_space<vmem>>
              %dma_start3A_148 = tpu.memref_squeeze %dma_start3A_147 : memref<1x80xi32, #tpu.memory_space<vmem>> -> memref<80xi32, #tpu.memory_space<vmem>>
              %dma_start3A_149 = arith.constant 0 : i32
              %dma_start3A_150 = arith.constant 0 : i32
              %dma_start3A_151 = tpu.memref_slice %arg2[%dma_start3A_149, %dma_start3A_150] : memref<10000x128xf32, #tpu.memory_space<hbm>> -> memref<10000x128xf32, #tpu.memory_space<hbm>>
              tpu.enqueue_indirect_dma source(%dma_start3A_151 : memref<10000x128xf32, #tpu.memory_space<hbm>>) target(%arg12 : memref<80x128xf32, #tpu.memory_space<vmem>>) offsets(%dma_start3A_148 : memref<80xi32, #tpu.memory_space<vmem>>) semaphore(%arg17 : memref<!tpu.dma_semaphore, #tpu.memory_space<semaphore_mem>>)
            } else {
            }
            %eq3A_141 = arith.constant 1 : i32
            %eq3A_142 = arith.cmpi eq, %arg0, %eq3A_141 : i32
            %convert_element_type3A_143 = arith.extui %eq3A_142 : i1 to i32
            %cond3A_144 = arith.constant 0 : i32
            %cond3A_145 = arith.cmpi ne, %convert_element_type3A_143, %cond3A_144 : i32
            scf.if %cond3A_145 {
              %dma_start3A_146 = arith.constant 0 : i32
              %dma_start3A_147 = tpu.memref_slice %arg7[%add3A_135, %dma_start3A_146] : memref<25x80xi32, #tpu.memory_space<vmem>> -> memref<1x80xi32, #tpu.memory_space<vmem>>
              %dma_start3A_148 = tpu.memref_squeeze %dma_start3A_147 : memref<1x80xi32, #tpu.memory_space<vmem>> -> memref<80xi32, #tpu.memory_space<vmem>>
              %dma_start3A_149 = arith.constant 0 : i32
              %dma_start3A_150 = arith.constant 0 : i32
              %dma_start3A_151 = tpu.memref_slice %arg3[%dma_start3A_149, %dma_start3A_150] : memref<10000x128xf32, #tpu.memory_space<hbm>> -> memref<10000x128xf32, #tpu.memory_space<hbm>>
              tpu.enqueue_indirect_dma source(%dma_start3A_151 : memref<10000x128xf32, #tpu.memory_space<hbm>>) target(%arg12 : memref<80x128xf32, #tpu.memory_space<vmem>>) offsets(%dma_start3A_148 : memref<80xi32, #tpu.memory_space<vmem>>) semaphore(%arg17 : memref<!tpu.dma_semaphore, #tpu.memory_space<semaphore_mem>>)
            } else {
            }
          } else {
          }
          %dma_start3A = arith.constant 0 : i32
          %dma_start3A_129 = tpu.memref_slice %arg8[%scan3A_81, %dma_start3A] : memref<25x80xi32, #tpu.memory_space<vmem>> -> memref<1x80xi32, #tpu.memory_space<vmem>>
          %dma_start3A_130 = tpu.memref_squeeze %dma_start3A_129 : memref<1x80xi32, #tpu.memory_space<vmem>> -> memref<80xi32, #tpu.memory_space<vmem>>
          %dma_start3A_131 = arith.constant 0 : i32
          %dma_start3A_132 = arith.constant 0 : i32
          %dma_start3A_133 = tpu.memref_slice %arg13[%dma_start3A_131, %dma_start3A_132] : memref<10000x128xf32, #tpu.memory_space<vmem_shared>> -> memref<10000x128xf32, #tpu.memory_space<vmem_shared>>
          tpu.enqueue_indirect_dma source(%arg9 : memref<80x128xf32, #tpu.memory_space<vmem>>) target(%dma_start3A_133 : memref<10000x128xf32, #tpu.memory_space<vmem_shared>>) offsets(%dma_start3A_130 : memref<80xi32, #tpu.memory_space<vmem>>) semaphore(%arg18 : memref<!tpu.dma_semaphore, #tpu.memory_space<semaphore_mem>>) {add = true}
        } else {
        }
        %rem3A_88 = arith.constant 4 : i32
        %rem3A_89 = arith.remsi %scan3A_81, %rem3A_88 : i32
        %eq3A_90 = arith.constant 1 : i32
        %eq3A_91 = arith.cmpi eq, %rem3A_89, %eq3A_90 : i32
        %convert_element_type3A_92 = arith.extui %eq3A_91 : i1 to i32
        %cond3A_93 = arith.constant 0 : i32
        %cond3A_94 = arith.cmpi ne, %convert_element_type3A_92, %cond3A_93 : i32
        scf.if %cond3A_94 {
          %eq3A_109 = arith.constant 0 : i32
          %eq3A_110 = arith.cmpi eq, %arg0, %eq3A_109 : i32
          %convert_element_type3A_111 = arith.extui %eq3A_110 : i1 to i32
          %cond3A_112 = arith.constant 0 : i32
          %cond3A_113 = arith.cmpi ne, %convert_element_type3A_111, %cond3A_112 : i32
          scf.if %cond3A_113 {
            %dma_wait3A_134 = arith.constant 0 : i32
            %dma_wait3A_135 = tpu.memref_slice %arg7[%scan3A_81, %dma_wait3A_134] : memref<25x80xi32, #tpu.memory_space<vmem>> -> memref<1x80xi32, #tpu.memory_space<vmem>>
            %dma_wait3A_136 = tpu.memref_squeeze %dma_wait3A_135 : memref<1x80xi32, #tpu.memory_space<vmem>> -> memref<80xi32, #tpu.memory_space<vmem>>
            %dma_wait3A_137 = arith.constant 0 : i32
            %dma_wait3A_138 = arith.constant 0 : i32
            %dma_wait3A_139 = tpu.memref_slice %arg2[%dma_wait3A_137, %dma_wait3A_138] : memref<10000x128xf32, #tpu.memory_space<hbm>> -> memref<10000x128xf32, #tpu.memory_space<hbm>>
            tpu.wait_indirect_dma semaphore(%arg15 : memref<!tpu.dma_semaphore, #tpu.memory_space<semaphore_mem>>) src(%dma_wait3A_139 : memref<10000x128xf32, #tpu.memory_space<hbm>>) dst(%arg10 : memref<80x128xf32, #tpu.memory_space<vmem>>)
          } else {
          }
          %eq3A_114 = arith.constant 1 : i32
          %eq3A_115 = arith.cmpi eq, %arg0, %eq3A_114 : i32
          %convert_element_type3A_116 = arith.extui %eq3A_115 : i1 to i32
          %cond3A_117 = arith.constant 0 : i32
          %cond3A_118 = arith.cmpi ne, %convert_element_type3A_116, %cond3A_117 : i32
          scf.if %cond3A_118 {
            %dma_wait3A_134 = arith.constant 0 : i32
            %dma_wait3A_135 = tpu.memref_slice %arg7[%scan3A_81, %dma_wait3A_134] : memref<25x80xi32, #tpu.memory_space<vmem>> -> memref<1x80xi32, #tpu.memory_space<vmem>>
            %dma_wait3A_136 = tpu.memref_squeeze %dma_wait3A_135 : memref<1x80xi32, #tpu.memory_space<vmem>> -> memref<80xi32, #tpu.memory_space<vmem>>
            %dma_wait3A_137 = arith.constant 0 : i32
            %dma_wait3A_138 = arith.constant 0 : i32
            %dma_wait3A_139 = tpu.memref_slice %arg3[%dma_wait3A_137, %dma_wait3A_138] : memref<10000x128xf32, #tpu.memory_space<hbm>> -> memref<10000x128xf32, #tpu.memory_space<hbm>>
            tpu.wait_indirect_dma semaphore(%arg15 : memref<!tpu.dma_semaphore, #tpu.memory_space<semaphore_mem>>) src(%dma_wait3A_139 : memref<10000x128xf32, #tpu.memory_space<hbm>>) dst(%arg10 : memref<80x128xf32, #tpu.memory_space<vmem>>)
          } else {
          }
          %ge3A = arith.constant 1 : i32
          %ge3A_119 = arith.cmpi sge, %scan3A_81, %ge3A : i32
          %convert_element_type3A_120 = arith.extui %ge3A_119 : i1 to i32
          %cond3A_121 = arith.constant 0 : i32
          %cond3A_122 = arith.cmpi ne, %convert_element_type3A_120, %cond3A_121 : i32
          scf.if %cond3A_122 {
            %sub3A = arith.constant 1 : i32
            %sub3A_134 = arith.subi %scan3A_81, %sub3A : i32
            %dma_wait3A_135 = arith.constant 0 : i32
            %dma_wait3A_136 = tpu.memref_slice %arg8[%sub3A_134, %dma_wait3A_135] : memref<25x80xi32, #tpu.memory_space<vmem>> -> memref<1x80xi32, #tpu.memory_space<vmem>>
            %dma_wait3A_137 = tpu.memref_squeeze %dma_wait3A_136 : memref<1x80xi32, #tpu.memory_space<vmem>> -> memref<80xi32, #tpu.memory_space<vmem>>
            %dma_wait3A_138 = arith.constant 0 : i32
            %dma_wait3A_139 = arith.constant 0 : i32
            %dma_wait3A_140 = tpu.memref_slice %arg13[%dma_wait3A_138, %dma_wait3A_139] : memref<10000x128xf32, #tpu.memory_space<vmem_shared>> -> memref<10000x128xf32, #tpu.memory_space<vmem_shared>>
            tpu.wait_indirect_dma semaphore(%arg18 : memref<!tpu.dma_semaphore, #tpu.memory_space<semaphore_mem>>) src(%arg9 : memref<80x128xf32, #tpu.memory_space<vmem>>) dst(%dma_wait3A_140 : memref<10000x128xf32, #tpu.memory_space<vmem_shared>>)
          } else {
          }
          %add3A = arith.constant 3 : i32
          %add3A_123 = arith.addi %scan3A_81, %add3A : i32
          %lt3A_124 = arith.constant 25 : i32
          %lt3A_125 = arith.cmpi slt, %add3A_123, %lt3A_124 : i32
          %convert_element_type3A_126 = arith.extui %lt3A_125 : i1 to i32
          %cond3A_127 = arith.constant 0 : i32
          %cond3A_128 = arith.cmpi ne, %convert_element_type3A_126, %cond3A_127 : i32
          scf.if %cond3A_128 {
            %add3A_134 = arith.constant 3 : i32
            %add3A_135 = arith.addi %scan3A_81, %add3A_134 : i32
            %eq3A_136 = arith.constant 0 : i32
            %eq3A_137 = arith.cmpi eq, %arg0, %eq3A_136 : i32
            %convert_element_type3A_138 = arith.extui %eq3A_137 : i1 to i32
            %cond3A_139 = arith.constant 0 : i32
            %cond3A_140 = arith.cmpi ne, %convert_element_type3A_138, %cond3A_139 : i32
            scf.if %cond3A_140 {
              %dma_start3A_146 = arith.constant 0 : i32
              %dma_start3A_147 = tpu.memref_slice %arg7[%add3A_135, %dma_start3A_146] : memref<25x80xi32, #tpu.memory_space<vmem>> -> memref<1x80xi32, #tpu.memory_space<vmem>>
              %dma_start3A_148 = tpu.memref_squeeze %dma_start3A_147 : memref<1x80xi32, #tpu.memory_space<vmem>> -> memref<80xi32, #tpu.memory_space<vmem>>
              %dma_start3A_149 = arith.constant 0 : i32
              %dma_start3A_150 = arith.constant 0 : i32
              %dma_start3A_151 = tpu.memref_slice %arg2[%dma_start3A_149, %dma_start3A_150] : memref<10000x128xf32, #tpu.memory_space<hbm>> -> memref<10000x128xf32, #tpu.memory_space<hbm>>
              tpu.enqueue_indirect_dma source(%dma_start3A_151 : memref<10000x128xf32, #tpu.memory_space<hbm>>) target(%arg9 : memref<80x128xf32, #tpu.memory_space<vmem>>) offsets(%dma_start3A_148 : memref<80xi32, #tpu.memory_space<vmem>>) semaphore(%arg14 : memref<!tpu.dma_semaphore, #tpu.memory_space<semaphore_mem>>)
            } else {
            }
            %eq3A_141 = arith.constant 1 : i32
            %eq3A_142 = arith.cmpi eq, %arg0, %eq3A_141 : i32
            %convert_element_type3A_143 = arith.extui %eq3A_142 : i1 to i32
            %cond3A_144 = arith.constant 0 : i32
            %cond3A_145 = arith.cmpi ne, %convert_element_type3A_143, %cond3A_144 : i32
            scf.if %cond3A_145 {
              %dma_start3A_146 = arith.constant 0 : i32
              %dma_start3A_147 = tpu.memref_slice %arg7[%add3A_135, %dma_start3A_146] : memref<25x80xi32, #tpu.memory_space<vmem>> -> memref<1x80xi32, #tpu.memory_space<vmem>>
              %dma_start3A_148 = tpu.memref_squeeze %dma_start3A_147 : memref<1x80xi32, #tpu.memory_space<vmem>> -> memref<80xi32, #tpu.memory_space<vmem>>
              %dma_start3A_149 = arith.constant 0 : i32
              %dma_start3A_150 = arith.constant 0 : i32
              %dma_start3A_151 = tpu.memref_slice %arg3[%dma_start3A_149, %dma_start3A_150] : memref<10000x128xf32, #tpu.memory_space<hbm>> -> memref<10000x128xf32, #tpu.memory_space<hbm>>
              tpu.enqueue_indirect_dma source(%dma_start3A_151 : memref<10000x128xf32, #tpu.memory_space<hbm>>) target(%arg9 : memref<80x128xf32, #tpu.memory_space<vmem>>) offsets(%dma_start3A_148 : memref<80xi32, #tpu.memory_space<vmem>>) semaphore(%arg14 : memref<!tpu.dma_semaphore, #tpu.memory_space<semaphore_mem>>)
            } else {
            }
          } else {
          }
          %dma_start3A = arith.constant 0 : i32
          %dma_start3A_129 = tpu.memref_slice %arg8[%scan3A_81, %dma_start3A] : memref<25x80xi32, #tpu.memory_space<vmem>> -> memref<1x80xi32, #tpu.memory_space<vmem>>
          %dma_start3A_130 = tpu.memref_squeeze %dma_start3A_129 : memref<1x80xi32, #tpu.memory_space<vmem>> -> memref<80xi32, #tpu.memory_space<vmem>>
          %dma_start3A_131 = arith.constant 0 : i32
          %dma_start3A_132 = arith.constant 0 : i32
          %dma_start3A_133 = tpu.memref_slice %arg13[%dma_start3A_131, %dma_start3A_132] : memref<10000x128xf32, #tpu.memory_space<vmem_shared>> -> memref<10000x128xf32, #tpu.memory_space<vmem_shared>>
          tpu.enqueue_indirect_dma source(%arg10 : memref<80x128xf32, #tpu.memory_space<vmem>>) target(%dma_start3A_133 : memref<10000x128xf32, #tpu.memory_space<vmem_shared>>) offsets(%dma_start3A_130 : memref<80xi32, #tpu.memory_space<vmem>>) semaphore(%arg19 : memref<!tpu.dma_semaphore, #tpu.memory_space<semaphore_mem>>) {add = true}
        } else {
        }
        %rem3A_95 = arith.constant 4 : i32
        %rem3A_96 = arith.remsi %scan3A_81, %rem3A_95 : i32
        %eq3A_97 = arith.constant 2 : i32
        %eq3A_98 = arith.cmpi eq, %rem3A_96, %eq3A_97 : i32
        %convert_element_type3A_99 = arith.extui %eq3A_98 : i1 to i32
        %cond3A_100 = arith.constant 0 : i32
        %cond3A_101 = arith.cmpi ne, %convert_element_type3A_99, %cond3A_100 : i32
        scf.if %cond3A_101 {
          %eq3A_109 = arith.constant 0 : i32
          %eq3A_110 = arith.cmpi eq, %arg0, %eq3A_109 : i32
          %convert_element_type3A_111 = arith.extui %eq3A_110 : i1 to i32
          %cond3A_112 = arith.constant 0 : i32
          %cond3A_113 = arith.cmpi ne, %convert_element_type3A_111, %cond3A_112 : i32
          scf.if %cond3A_113 {
            %dma_wait3A_134 = arith.constant 0 : i32
            %dma_wait3A_135 = tpu.memref_slice %arg7[%scan3A_81, %dma_wait3A_134] : memref<25x80xi32, #tpu.memory_space<vmem>> -> memref<1x80xi32, #tpu.memory_space<vmem>>
            %dma_wait3A_136 = tpu.memref_squeeze %dma_wait3A_135 : memref<1x80xi32, #tpu.memory_space<vmem>> -> memref<80xi32, #tpu.memory_space<vmem>>
            %dma_wait3A_137 = arith.constant 0 : i32
            %dma_wait3A_138 = arith.constant 0 : i32
            %dma_wait3A_139 = tpu.memref_slice %arg2[%dma_wait3A_137, %dma_wait3A_138] : memref<10000x128xf32, #tpu.memory_space<hbm>> -> memref<10000x128xf32, #tpu.memory_space<hbm>>
            tpu.wait_indirect_dma semaphore(%arg16 : memref<!tpu.dma_semaphore, #tpu.memory_space<semaphore_mem>>) src(%dma_wait3A_139 : memref<10000x128xf32, #tpu.memory_space<hbm>>) dst(%arg11 : memref<80x128xf32, #tpu.memory_space<vmem>>)
          } else {
          }
          %eq3A_114 = arith.constant 1 : i32
          %eq3A_115 = arith.cmpi eq, %arg0, %eq3A_114 : i32
          %convert_element_type3A_116 = arith.extui %eq3A_115 : i1 to i32
          %cond3A_117 = arith.constant 0 : i32
          %cond3A_118 = arith.cmpi ne, %convert_element_type3A_116, %cond3A_117 : i32
          scf.if %cond3A_118 {
            %dma_wait3A_134 = arith.constant 0 : i32
            %dma_wait3A_135 = tpu.memref_slice %arg7[%scan3A_81, %dma_wait3A_134] : memref<25x80xi32, #tpu.memory_space<vmem>> -> memref<1x80xi32, #tpu.memory_space<vmem>>
            %dma_wait3A_136 = tpu.memref_squeeze %dma_wait3A_135 : memref<1x80xi32, #tpu.memory_space<vmem>> -> memref<80xi32, #tpu.memory_space<vmem>>
            %dma_wait3A_137 = arith.constant 0 : i32
            %dma_wait3A_138 = arith.constant 0 : i32
            %dma_wait3A_139 = tpu.memref_slice %arg3[%dma_wait3A_137, %dma_wait3A_138] : memref<10000x128xf32, #tpu.memory_space<hbm>> -> memref<10000x128xf32, #tpu.memory_space<hbm>>
            tpu.wait_indirect_dma semaphore(%arg16 : memref<!tpu.dma_semaphore, #tpu.memory_space<semaphore_mem>>) src(%dma_wait3A_139 : memref<10000x128xf32, #tpu.memory_space<hbm>>) dst(%arg11 : memref<80x128xf32, #tpu.memory_space<vmem>>)
          } else {
          }
          %ge3A = arith.constant 1 : i32
          %ge3A_119 = arith.cmpi sge, %scan3A_81, %ge3A : i32
          %convert_element_type3A_120 = arith.extui %ge3A_119 : i1 to i32
          %cond3A_121 = arith.constant 0 : i32
          %cond3A_122 = arith.cmpi ne, %convert_element_type3A_120, %cond3A_121 : i32
          scf.if %cond3A_122 {
            %sub3A = arith.constant 1 : i32
            %sub3A_134 = arith.subi %scan3A_81, %sub3A : i32
            %dma_wait3A_135 = arith.constant 0 : i32
            %dma_wait3A_136 = tpu.memref_slice %arg8[%sub3A_134, %dma_wait3A_135] : memref<25x80xi32, #tpu.memory_space<vmem>> -> memref<1x80xi32, #tpu.memory_space<vmem>>
            %dma_wait3A_137 = tpu.memref_squeeze %dma_wait3A_136 : memref<1x80xi32, #tpu.memory_space<vmem>> -> memref<80xi32, #tpu.memory_space<vmem>>
            %dma_wait3A_138 = arith.constant 0 : i32
            %dma_wait3A_139 = arith.constant 0 : i32
            %dma_wait3A_140 = tpu.memref_slice %arg13[%dma_wait3A_138, %dma_wait3A_139] : memref<10000x128xf32, #tpu.memory_space<vmem_shared>> -> memref<10000x128xf32, #tpu.memory_space<vmem_shared>>
            tpu.wait_indirect_dma semaphore(%arg19 : memref<!tpu.dma_semaphore, #tpu.memory_space<semaphore_mem>>) src(%arg10 : memref<80x128xf32, #tpu.memory_space<vmem>>) dst(%dma_wait3A_140 : memref<10000x128xf32, #tpu.memory_space<vmem_shared>>)
          } else {
          }
          %add3A = arith.constant 3 : i32
          %add3A_123 = arith.addi %scan3A_81, %add3A : i32
          %lt3A_124 = arith.constant 25 : i32
          %lt3A_125 = arith.cmpi slt, %add3A_123, %lt3A_124 : i32
          %convert_element_type3A_126 = arith.extui %lt3A_125 : i1 to i32
          %cond3A_127 = arith.constant 0 : i32
          %cond3A_128 = arith.cmpi ne, %convert_element_type3A_126, %cond3A_127 : i32
          scf.if %cond3A_128 {
            %add3A_134 = arith.constant 3 : i32
            %add3A_135 = arith.addi %scan3A_81, %add3A_134 : i32
            %eq3A_136 = arith.constant 0 : i32
            %eq3A_137 = arith.cmpi eq, %arg0, %eq3A_136 : i32
            %convert_element_type3A_138 = arith.extui %eq3A_137 : i1 to i32
            %cond3A_139 = arith.constant 0 : i32
            %cond3A_140 = arith.cmpi ne, %convert_element_type3A_138, %cond3A_139 : i32
            scf.if %cond3A_140 {
              %dma_start3A_146 = arith.constant 0 : i32
              %dma_start3A_147 = tpu.memref_slice %arg7[%add3A_135, %dma_start3A_146] : memref<25x80xi32, #tpu.memory_space<vmem>> -> memref<1x80xi32, #tpu.memory_space<vmem>>
              %dma_start3A_148 = tpu.memref_squeeze %dma_start3A_147 : memref<1x80xi32, #tpu.memory_space<vmem>> -> memref<80xi32, #tpu.memory_space<vmem>>
              %dma_start3A_149 = arith.constant 0 : i32
              %dma_start3A_150 = arith.constant 0 : i32
              %dma_start3A_151 = tpu.memref_slice %arg2[%dma_start3A_149, %dma_start3A_150] : memref<10000x128xf32, #tpu.memory_space<hbm>> -> memref<10000x128xf32, #tpu.memory_space<hbm>>
              tpu.enqueue_indirect_dma source(%dma_start3A_151 : memref<10000x128xf32, #tpu.memory_space<hbm>>) target(%arg10 : memref<80x128xf32, #tpu.memory_space<vmem>>) offsets(%dma_start3A_148 : memref<80xi32, #tpu.memory_space<vmem>>) semaphore(%arg15 : memref<!tpu.dma_semaphore, #tpu.memory_space<semaphore_mem>>)
            } else {
            }
            %eq3A_141 = arith.constant 1 : i32
            %eq3A_142 = arith.cmpi eq, %arg0, %eq3A_141 : i32
            %convert_element_type3A_143 = arith.extui %eq3A_142 : i1 to i32
            %cond3A_144 = arith.constant 0 : i32
            %cond3A_145 = arith.cmpi ne, %convert_element_type3A_143, %cond3A_144 : i32
            scf.if %cond3A_145 {
              %dma_start3A_146 = arith.constant 0 : i32
              %dma_start3A_147 = tpu.memref_slice %arg7[%add3A_135, %dma_start3A_146] : memref<25x80xi32, #tpu.memory_space<vmem>> -> memref<1x80xi32, #tpu.memory_space<vmem>>
              %dma_start3A_148 = tpu.memref_squeeze %dma_start3A_147 : memref<1x80xi32, #tpu.memory_space<vmem>> -> memref<80xi32, #tpu.memory_space<vmem>>
              %dma_start3A_149 = arith.constant 0 : i32
              %dma_start3A_150 = arith.constant 0 : i32
              %dma_start3A_151 = tpu.memref_slice %arg3[%dma_start3A_149, %dma_start3A_150] : memref<10000x128xf32, #tpu.memory_space<hbm>> -> memref<10000x128xf32, #tpu.memory_space<hbm>>
              tpu.enqueue_indirect_dma source(%dma_start3A_151 : memref<10000x128xf32, #tpu.memory_space<hbm>>) target(%arg10 : memref<80x128xf32, #tpu.memory_space<vmem>>) offsets(%dma_start3A_148 : memref<80xi32, #tpu.memory_space<vmem>>) semaphore(%arg15 : memref<!tpu.dma_semaphore, #tpu.memory_space<semaphore_mem>>)
            } else {
            }
          } else {
          }
          %dma_start3A = arith.constant 0 : i32
          %dma_start3A_129 = tpu.memref_slice %arg8[%scan3A_81, %dma_start3A] : memref<25x80xi32, #tpu.memory_space<vmem>> -> memref<1x80xi32, #tpu.memory_space<vmem>>
          %dma_start3A_130 = tpu.memref_squeeze %dma_start3A_129 : memref<1x80xi32, #tpu.memory_space<vmem>> -> memref<80xi32, #tpu.memory_space<vmem>>
          %dma_start3A_131 = arith.constant 0 : i32
          %dma_start3A_132 = arith.constant 0 : i32
          %dma_start3A_133 = tpu.memref_slice %arg13[%dma_start3A_131, %dma_start3A_132] : memref<10000x128xf32, #tpu.memory_space<vmem_shared>> -> memref<10000x128xf32, #tpu.memory_space<vmem_shared>>
          tpu.enqueue_indirect_dma source(%arg11 : memref<80x128xf32, #tpu.memory_space<vmem>>) target(%dma_start3A_133 : memref<10000x128xf32, #tpu.memory_space<vmem_shared>>) offsets(%dma_start3A_130 : memref<80xi32, #tpu.memory_space<vmem>>) semaphore(%arg20 : memref<!tpu.dma_semaphore, #tpu.memory_space<semaphore_mem>>) {add = true}
        } else {
        }
        %rem3A_102 = arith.constant 4 : i32
        %rem3A_103 = arith.remsi %scan3A_81, %rem3A_102 : i32
        %eq3A_104 = arith.constant 3 : i32
        %eq3A_105 = arith.cmpi eq, %rem3A_103, %eq3A_104 : i32
        %convert_element_type3A_106 = arith.extui %eq3A_105 : i1 to i32
        %cond3A_107 = arith.constant 0 : i32
        %cond3A_108 = arith.cmpi ne, %convert_element_type3A_106, %cond3A_107 : i32
        scf.if %cond3A_108 {
          %eq3A_109 = arith.constant 0 : i32
          %eq3A_110 = arith.cmpi eq, %arg0, %eq3A_109 : i32
          %convert_element_type3A_111 = arith.extui %eq3A_110 : i1 to i32
          %cond3A_112 = arith.constant 0 : i32
          %cond3A_113 = arith.cmpi ne, %convert_element_type3A_111, %cond3A_112 : i32
          scf.if %cond3A_113 {
            %dma_wait3A_134 = arith.constant 0 : i32
            %dma_wait3A_135 = tpu.memref_slice %arg7[%scan3A_81, %dma_wait3A_134] : memref<25x80xi32, #tpu.memory_space<vmem>> -> memref<1x80xi32, #tpu.memory_space<vmem>>
            %dma_wait3A_136 = tpu.memref_squeeze %dma_wait3A_135 : memref<1x80xi32, #tpu.memory_space<vmem>> -> memref<80xi32, #tpu.memory_space<vmem>>
            %dma_wait3A_137 = arith.constant 0 : i32
            %dma_wait3A_138 = arith.constant 0 : i32
            %dma_wait3A_139 = tpu.memref_slice %arg2[%dma_wait3A_137, %dma_wait3A_138] : memref<10000x128xf32, #tpu.memory_space<hbm>> -> memref<10000x128xf32, #tpu.memory_space<hbm>>
            tpu.wait_indirect_dma semaphore(%arg17 : memref<!tpu.dma_semaphore, #tpu.memory_space<semaphore_mem>>) src(%dma_wait3A_139 : memref<10000x128xf32, #tpu.memory_space<hbm>>) dst(%arg12 : memref<80x128xf32, #tpu.memory_space<vmem>>)
          } else {
          }
          %eq3A_114 = arith.constant 1 : i32
          %eq3A_115 = arith.cmpi eq, %arg0, %eq3A_114 : i32
          %convert_element_type3A_116 = arith.extui %eq3A_115 : i1 to i32
          %cond3A_117 = arith.constant 0 : i32
          %cond3A_118 = arith.cmpi ne, %convert_element_type3A_116, %cond3A_117 : i32
          scf.if %cond3A_118 {
            %dma_wait3A_134 = arith.constant 0 : i32
            %dma_wait3A_135 = tpu.memref_slice %arg7[%scan3A_81, %dma_wait3A_134] : memref<25x80xi32, #tpu.memory_space<vmem>> -> memref<1x80xi32, #tpu.memory_space<vmem>>
            %dma_wait3A_136 = tpu.memref_squeeze %dma_wait3A_135 : memref<1x80xi32, #tpu.memory_space<vmem>> -> memref<80xi32, #tpu.memory_space<vmem>>
            %dma_wait3A_137 = arith.constant 0 : i32
            %dma_wait3A_138 = arith.constant 0 : i32
            %dma_wait3A_139 = tpu.memref_slice %arg3[%dma_wait3A_137, %dma_wait3A_138] : memref<10000x128xf32, #tpu.memory_space<hbm>> -> memref<10000x128xf32, #tpu.memory_space<hbm>>
            tpu.wait_indirect_dma semaphore(%arg17 : memref<!tpu.dma_semaphore, #tpu.memory_space<semaphore_mem>>) src(%dma_wait3A_139 : memref<10000x128xf32, #tpu.memory_space<hbm>>) dst(%arg12 : memref<80x128xf32, #tpu.memory_space<vmem>>)
          } else {
          }
          %ge3A = arith.constant 1 : i32
          %ge3A_119 = arith.cmpi sge, %scan3A_81, %ge3A : i32
          %convert_element_type3A_120 = arith.extui %ge3A_119 : i1 to i32
          %cond3A_121 = arith.constant 0 : i32
          %cond3A_122 = arith.cmpi ne, %convert_element_type3A_120, %cond3A_121 : i32
          scf.if %cond3A_122 {
            %sub3A = arith.constant 1 : i32
            %sub3A_134 = arith.subi %scan3A_81, %sub3A : i32
            %dma_wait3A_135 = arith.constant 0 : i32
            %dma_wait3A_136 = tpu.memref_slice %arg8[%sub3A_134, %dma_wait3A_135] : memref<25x80xi32, #tpu.memory_space<vmem>> -> memref<1x80xi32, #tpu.memory_space<vmem>>
            %dma_wait3A_137 = tpu.memref_squeeze %dma_wait3A_136 : memref<1x80xi32, #tpu.memory_space<vmem>> -> memref<80xi32, #tpu.memory_space<vmem>>
            %dma_wait3A_138 = arith.constant 0 : i32
            %dma_wait3A_139 = arith.constant 0 : i32
            %dma_wait3A_140 = tpu.memref_slice %arg13[%dma_wait3A_138, %dma_wait3A_139] : memref<10000x128xf32, #tpu.memory_space<vmem_shared>> -> memref<10000x128xf32, #tpu.memory_space<vmem_shared>>
            tpu.wait_indirect_dma semaphore(%arg20 : memref<!tpu.dma_semaphore, #tpu.memory_space<semaphore_mem>>) src(%arg11 : memref<80x128xf32, #tpu.memory_space<vmem>>) dst(%dma_wait3A_140 : memref<10000x128xf32, #tpu.memory_space<vmem_shared>>)
          } else {
          }
          %add3A = arith.constant 3 : i32
          %add3A_123 = arith.addi %scan3A_81, %add3A : i32
          %lt3A_124 = arith.constant 25 : i32
          %lt3A_125 = arith.cmpi slt, %add3A_123, %lt3A_124 : i32
          %convert_element_type3A_126 = arith.extui %lt3A_125 : i1 to i32
          %cond3A_127 = arith.constant 0 : i32
          %cond3A_128 = arith.cmpi ne, %convert_element_type3A_126, %cond3A_127 : i32
          scf.if %cond3A_128 {
            %add3A_134 = arith.constant 3 : i32
            %add3A_135 = arith.addi %scan3A_81, %add3A_134 : i32
            %eq3A_136 = arith.constant 0 : i32
            %eq3A_137 = arith.cmpi eq, %arg0, %eq3A_136 : i32
            %convert_element_type3A_138 = arith.extui %eq3A_137 : i1 to i32
            %cond3A_139 = arith.constant 0 : i32
            %cond3A_140 = arith.cmpi ne, %convert_element_type3A_138, %cond3A_139 : i32
            scf.if %cond3A_140 {
              %dma_start3A_146 = arith.constant 0 : i32
              %dma_start3A_147 = tpu.memref_slice %arg7[%add3A_135, %dma_start3A_146] : memref<25x80xi32, #tpu.memory_space<vmem>> -> memref<1x80xi32, #tpu.memory_space<vmem>>
              %dma_start3A_148 = tpu.memref_squeeze %dma_start3A_147 : memref<1x80xi32, #tpu.memory_space<vmem>> -> memref<80xi32, #tpu.memory_space<vmem>>
              %dma_start3A_149 = arith.constant 0 : i32
              %dma_start3A_150 = arith.constant 0 : i32
              %dma_start3A_151 = tpu.memref_slice %arg2[%dma_start3A_149, %dma_start3A_150] : memref<10000x128xf32, #tpu.memory_space<hbm>> -> memref<10000x128xf32, #tpu.memory_space<hbm>>
              tpu.enqueue_indirect_dma source(%dma_start3A_151 : memref<10000x128xf32, #tpu.memory_space<hbm>>) target(%arg11 : memref<80x128xf32, #tpu.memory_space<vmem>>) offsets(%dma_start3A_148 : memref<80xi32, #tpu.memory_space<vmem>>) semaphore(%arg16 : memref<!tpu.dma_semaphore, #tpu.memory_space<semaphore_mem>>)
            } else {
            }
            %eq3A_141 = arith.constant 1 : i32
            %eq3A_142 = arith.cmpi eq, %arg0, %eq3A_141 : i32
            %convert_element_type3A_143 = arith.extui %eq3A_142 : i1 to i32
            %cond3A_144 = arith.constant 0 : i32
            %cond3A_145 = arith.cmpi ne, %convert_element_type3A_143, %cond3A_144 : i32
            scf.if %cond3A_145 {
              %dma_start3A_146 = arith.constant 0 : i32
              %dma_start3A_147 = tpu.memref_slice %arg7[%add3A_135, %dma_start3A_146] : memref<25x80xi32, #tpu.memory_space<vmem>> -> memref<1x80xi32, #tpu.memory_space<vmem>>
              %dma_start3A_148 = tpu.memref_squeeze %dma_start3A_147 : memref<1x80xi32, #tpu.memory_space<vmem>> -> memref<80xi32, #tpu.memory_space<vmem>>
              %dma_start3A_149 = arith.constant 0 : i32
              %dma_start3A_150 = arith.constant 0 : i32
              %dma_start3A_151 = tpu.memref_slice %arg3[%dma_start3A_149, %dma_start3A_150] : memref<10000x128xf32, #tpu.memory_space<hbm>> -> memref<10000x128xf32, #tpu.memory_space<hbm>>
              tpu.enqueue_indirect_dma source(%dma_start3A_151 : memref<10000x128xf32, #tpu.memory_space<hbm>>) target(%arg11 : memref<80x128xf32, #tpu.memory_space<vmem>>) offsets(%dma_start3A_148 : memref<80xi32, #tpu.memory_space<vmem>>) semaphore(%arg16 : memref<!tpu.dma_semaphore, #tpu.memory_space<semaphore_mem>>)
            } else {
            }
          } else {
          }
          %dma_start3A = arith.constant 0 : i32
          %dma_start3A_129 = tpu.memref_slice %arg8[%scan3A_81, %dma_start3A] : memref<25x80xi32, #tpu.memory_space<vmem>> -> memref<1x80xi32, #tpu.memory_space<vmem>>
          %dma_start3A_130 = tpu.memref_squeeze %dma_start3A_129 : memref<1x80xi32, #tpu.memory_space<vmem>> -> memref<80xi32, #tpu.memory_space<vmem>>
          %dma_start3A_131 = arith.constant 0 : i32
          %dma_start3A_132 = arith.constant 0 : i32
          %dma_start3A_133 = tpu.memref_slice %arg13[%dma_start3A_131, %dma_start3A_132] : memref<10000x128xf32, #tpu.memory_space<vmem_shared>> -> memref<10000x128xf32, #tpu.memory_space<vmem_shared>>
          tpu.enqueue_indirect_dma source(%arg12 : memref<80x128xf32, #tpu.memory_space<vmem>>) target(%dma_start3A_133 : memref<10000x128xf32, #tpu.memory_space<vmem_shared>>) offsets(%dma_start3A_130 : memref<80xi32, #tpu.memory_space<vmem>>) semaphore(%arg21 : memref<!tpu.dma_semaphore, #tpu.memory_space<semaphore_mem>>) {add = true}
        } else {
        }
      }
      %scan3A_74 = arith.constant 25 : i32
      %dma_wait3A = arith.constant 24 : i32
      %dma_wait3A_75 = arith.constant 0 : i32
      %dma_wait3A_76 = tpu.memref_slice %arg8[%dma_wait3A, %dma_wait3A_75] : memref<25x80xi32, #tpu.memory_space<vmem>> -> memref<1x80xi32, #tpu.memory_space<vmem>>
      %dma_wait3A_77 = tpu.memref_squeeze %dma_wait3A_76 : memref<1x80xi32, #tpu.memory_space<vmem>> -> memref<80xi32, #tpu.memory_space<vmem>>
      %dma_wait3A_78 = arith.constant 0 : i32
      %dma_wait3A_79 = arith.constant 0 : i32
      %dma_wait3A_80 = tpu.memref_slice %arg13[%dma_wait3A_78, %dma_wait3A_79] : memref<10000x128xf32, #tpu.memory_space<vmem_shared>> -> memref<10000x128xf32, #tpu.memory_space<vmem_shared>>
      tpu.wait_indirect_dma semaphore(%arg18 : memref<!tpu.dma_semaphore, #tpu.memory_space<semaphore_mem>>) src(%arg9 : memref<80x128xf32, #tpu.memory_space<vmem>>) dst(%dma_wait3A_80 : memref<10000x128xf32, #tpu.memory_space<vmem_shared>>)
    }
    %scan3A_4 = arith.constant 5 : i32
    %barrier3A = arith.constant 0 : index
    tpu.barrier barrier_id(%barrier3A)
    %eq3A = arith.constant 0 : i32
    %eq3A_5 = arith.cmpi eq, %arg0, %eq3A : i32
    %lt3A = arith.constant 15 : i32
    %lt3A_6 = arith.cmpi slt, %arg1, %lt3A : i32
    %and3A = arith.andi %eq3A_5, %lt3A_6 : i1
    %convert_element_type3A = arith.extui %and3A : i1 to i32
    %cond3A = arith.constant 0 : i32
    %cond3A_7 = arith.cmpi ne, %convert_element_type3A, %cond3A : i32
    scf.if %cond3A_7 {
      %mul3A = arith.constant 624 : i32
      %mul3A_32 = arith.muli %arg1, %mul3A : i32
      %mul3A_33 = arith.constant 624 : i32
      %mul3A_34 = arith.muli %arg1, %mul3A_33 : i32
      "tpu.region"() ({
        %run_scoped3A = tpu.sem_alloc : memref<!tpu.dma_semaphore, #tpu.memory_space<semaphore_mem>>
        %dma_start3A = arith.constant 0 : i32
        %dma_start3A_35 = tpu.memref_slice %arg5[%mul3A_34, %dma_start3A] : memref<10000x128xf32, #tpu.memory_space<hbm>> -> memref<624x128xf32, #tpu.memory_space<hbm>>
        %dma_start3A_36 = arith.constant 0 : i32
        %dma_start3A_37 = tpu.memref_slice %arg13[%mul3A_32, %dma_start3A_36] : memref<10000x128xf32, #tpu.memory_space<vmem_shared>> -> memref<624x128xf32, #tpu.memory_space<vmem_shared>>
        tpu.enqueue_dma source(%dma_start3A_37 : memref<624x128xf32, #tpu.memory_space<vmem_shared>>) target(%dma_start3A_35 : memref<624x128xf32, #tpu.memory_space<hbm>>) target_semaphore(%run_scoped3A : memref<!tpu.dma_semaphore, #tpu.memory_space<semaphore_mem>>)
        %dma_wait3A = arith.constant 0 : i32
        %dma_wait3A_38 = tpu.memref_slice %arg5[%mul3A_34, %dma_wait3A] : memref<10000x128xf32, #tpu.memory_space<hbm>> -> memref<624x128xf32, #tpu.memory_space<hbm>>
        %dma_wait3A_39 = arith.constant 0 : i32
        %dma_wait3A_40 = tpu.memref_slice %arg13[%mul3A_32, %dma_wait3A_39] : memref<10000x128xf32, #tpu.memory_space<vmem_shared>> -> memref<624x128xf32, #tpu.memory_space<vmem_shared>>
        tpu.wait_dma2 semaphore(%run_scoped3A : memref<!tpu.dma_semaphore, #tpu.memory_space<semaphore_mem>>) src(%dma_wait3A_40 : memref<624x128xf32, #tpu.memory_space<vmem_shared>>) dst(%dma_wait3A_38 : memref<624x128xf32, #tpu.memory_space<hbm>>)
        tpu.yield
      }) : () -> ()
    } else {
    }
    %eq3A_8 = arith.constant 0 : i32
    %eq3A_9 = arith.cmpi eq, %arg0, %eq3A_8 : i32
    %eq3A_10 = arith.constant 15 : i32
    %eq3A_11 = arith.cmpi eq, %arg1, %eq3A_10 : i32
    %and3A_12 = arith.andi %eq3A_9, %eq3A_11 : i1
    %convert_element_type3A_13 = arith.extui %and3A_12 : i1 to i32
    %cond3A_14 = arith.constant 0 : i32
    %cond3A_15 = arith.cmpi ne, %convert_element_type3A_13, %cond3A_14 : i32
    scf.if %cond3A_15 {
      "tpu.region"() ({
        %run_scoped3A = tpu.sem_alloc : memref<!tpu.dma_semaphore, #tpu.memory_space<semaphore_mem>>
        %dma_start3A = arith.constant 9360 : i32
        %dma_start3A_32 = arith.constant 0 : i32
        %dma_start3A_33 = tpu.memref_slice %arg5[%dma_start3A, %dma_start3A_32] : memref<10000x128xf32, #tpu.memory_space<hbm>> -> memref<640x128xf32, #tpu.memory_space<hbm>>
        %dma_start3A_34 = arith.constant 9360 : i32
        %dma_start3A_35 = arith.constant 0 : i32
        %dma_start3A_36 = tpu.memref_slice %arg13[%dma_start3A_34, %dma_start3A_35] : memref<10000x128xf32, #tpu.memory_space<vmem_shared>> -> memref<640x128xf32, #tpu.memory_space<vmem_shared>>
        tpu.enqueue_dma source(%dma_start3A_36 : memref<640x128xf32, #tpu.memory_space<vmem_shared>>) target(%dma_start3A_33 : memref<640x128xf32, #tpu.memory_space<hbm>>) target_semaphore(%run_scoped3A : memref<!tpu.dma_semaphore, #tpu.memory_space<semaphore_mem>>)
        %dma_wait3A = arith.constant 9360 : i32
        %dma_wait3A_37 = arith.constant 0 : i32
        %dma_wait3A_38 = tpu.memref_slice %arg5[%dma_wait3A, %dma_wait3A_37] : memref<10000x128xf32, #tpu.memory_space<hbm>> -> memref<640x128xf32, #tpu.memory_space<hbm>>
        %dma_wait3A_39 = arith.constant 9360 : i32
        %dma_wait3A_40 = arith.constant 0 : i32
        %dma_wait3A_41 = tpu.memref_slice %arg13[%dma_wait3A_39, %dma_wait3A_40] : memref<10000x128xf32, #tpu.memory_space<vmem_shared>> -> memref<640x128xf32, #tpu.memory_space<vmem_shared>>
        tpu.wait_dma2 semaphore(%run_scoped3A : memref<!tpu.dma_semaphore, #tpu.memory_space<semaphore_mem>>) src(%dma_wait3A_41 : memref<640x128xf32, #tpu.memory_space<vmem_shared>>) dst(%dma_wait3A_38 : memref<640x128xf32, #tpu.memory_space<hbm>>)
        tpu.yield
      }) : () -> ()
    } else {
    }
    %eq3A_16 = arith.constant 1 : i32
    %eq3A_17 = arith.cmpi eq, %arg0, %eq3A_16 : i32
    %lt3A_18 = arith.constant 15 : i32
    %lt3A_19 = arith.cmpi slt, %arg1, %lt3A_18 : i32
    %and3A_20 = arith.andi %eq3A_17, %lt3A_19 : i1
    %convert_element_type3A_21 = arith.extui %and3A_20 : i1 to i32
    %cond3A_22 = arith.constant 0 : i32
    %cond3A_23 = arith.cmpi ne, %convert_element_type3A_21, %cond3A_22 : i32
    scf.if %cond3A_23 {
      %mul3A = arith.constant 624 : i32
      %mul3A_32 = arith.muli %arg1, %mul3A : i32
      %mul3A_33 = arith.constant 624 : i32
      %mul3A_34 = arith.muli %arg1, %mul3A_33 : i32
      "tpu.region"() ({
        %run_scoped3A = tpu.sem_alloc : memref<!tpu.dma_semaphore, #tpu.memory_space<semaphore_mem>>
        %dma_start3A = arith.constant 0 : i32
        %dma_start3A_35 = tpu.memref_slice %arg6[%mul3A_34, %dma_start3A] : memref<10000x128xf32, #tpu.memory_space<hbm>> -> memref<624x128xf32, #tpu.memory_space<hbm>>
        %dma_start3A_36 = arith.constant 0 : i32
        %dma_start3A_37 = tpu.memref_slice %arg13[%mul3A_32, %dma_start3A_36] : memref<10000x128xf32, #tpu.memory_space<vmem_shared>> -> memref<624x128xf32, #tpu.memory_space<vmem_shared>>
        tpu.enqueue_dma source(%dma_start3A_37 : memref<624x128xf32, #tpu.memory_space<vmem_shared>>) target(%dma_start3A_35 : memref<624x128xf32, #tpu.memory_space<hbm>>) target_semaphore(%run_scoped3A : memref<!tpu.dma_semaphore, #tpu.memory_space<semaphore_mem>>)
        %dma_wait3A = arith.constant 0 : i32
        %dma_wait3A_38 = tpu.memref_slice %arg6[%mul3A_34, %dma_wait3A] : memref<10000x128xf32, #tpu.memory_space<hbm>> -> memref<624x128xf32, #tpu.memory_space<hbm>>
        %dma_wait3A_39 = arith.constant 0 : i32
        %dma_wait3A_40 = tpu.memref_slice %arg13[%mul3A_32, %dma_wait3A_39] : memref<10000x128xf32, #tpu.memory_space<vmem_shared>> -> memref<624x128xf32, #tpu.memory_space<vmem_shared>>
        tpu.wait_dma2 semaphore(%run_scoped3A : memref<!tpu.dma_semaphore, #tpu.memory_space<semaphore_mem>>) src(%dma_wait3A_40 : memref<624x128xf32, #tpu.memory_space<vmem_shared>>) dst(%dma_wait3A_38 : memref<624x128xf32, #tpu.memory_space<hbm>>)
        tpu.yield
      }) : () -> ()
    } else {
    }
    %eq3A_24 = arith.constant 1 : i32
    %eq3A_25 = arith.cmpi eq, %arg0, %eq3A_24 : i32
    %eq3A_26 = arith.constant 15 : i32
    %eq3A_27 = arith.cmpi eq, %arg1, %eq3A_26 : i32
    %and3A_28 = arith.andi %eq3A_25, %eq3A_27 : i1
    %convert_element_type3A_29 = arith.extui %and3A_28 : i1 to i32
    %cond3A_30 = arith.constant 0 : i32
    %cond3A_31 = arith.cmpi ne, %convert_element_type3A_29, %cond3A_30 : i32
    scf.if %cond3A_31 {
      "tpu.region"() ({
        %run_scoped3A = tpu.sem_alloc : memref<!tpu.dma_semaphore, #tpu.memory_space<semaphore_mem>>
        %dma_start3A = arith.constant 9360 : i32
        %dma_start3A_32 = arith.constant 0 : i32
        %dma_start3A_33 = tpu.memref_slice %arg6[%dma_start3A, %dma_start3A_32] : memref<10000x128xf32, #tpu.memory_space<hbm>> -> memref<640x128xf32, #tpu.memory_space<hbm>>
        %dma_start3A_34 = arith.constant 9360 : i32
        %dma_start3A_35 = arith.constant 0 : i32
        %dma_start3A_36 = tpu.memref_slice %arg13[%dma_start3A_34, %dma_start3A_35] : memref<10000x128xf32, #tpu.memory_space<vmem_shared>> -> memref<640x128xf32, #tpu.memory_space<vmem_shared>>
        tpu.enqueue_dma source(%dma_start3A_36 : memref<640x128xf32, #tpu.memory_space<vmem_shared>>) target(%dma_start3A_33 : memref<640x128xf32, #tpu.memory_space<hbm>>) target_semaphore(%run_scoped3A : memref<!tpu.dma_semaphore, #tpu.memory_space<semaphore_mem>>)
        %dma_wait3A = arith.constant 9360 : i32
        %dma_wait3A_37 = arith.constant 0 : i32
        %dma_wait3A_38 = tpu.memref_slice %arg6[%dma_wait3A, %dma_wait3A_37] : memref<10000x128xf32, #tpu.memory_space<hbm>> -> memref<640x128xf32, #tpu.memory_space<hbm>>
        %dma_wait3A_39 = arith.constant 9360 : i32
        %dma_wait3A_40 = arith.constant 0 : i32
        %dma_wait3A_41 = tpu.memref_slice %arg13[%dma_wait3A_39, %dma_wait3A_40] : memref<10000x128xf32, #tpu.memory_space<vmem_shared>> -> memref<640x128xf32, #tpu.memory_space<vmem_shared>>
        tpu.wait_dma2 semaphore(%run_scoped3A : memref<!tpu.dma_semaphore, #tpu.memory_space<semaphore_mem>>) src(%dma_wait3A_41 : memref<640x128xf32, #tpu.memory_space<vmem_shared>>) dst(%dma_wait3A_38 : memref<640x128xf32, #tpu.memory_space<hbm>>)
        tpu.yield
      }) : () -> ()
    } else {
    }
    return
  }
}

module attributes {stable_mosaic.version = 14 : i64} {
  func.func @_mm1_body(%arg0: i32, %arg1: memref<10000xf32, #tpu.memory_space<vmem>>, %arg2: memref<10000xf32, #tpu.memory_space<vmem>>, %arg3: memref<1000x256xf32, #tpu.memory_space<vmem>>, %arg4: memref<256x256xf32, #tpu.memory_space<vmem>>, %arg5: memref<1000x128xf32, #tpu.memory_space<vmem>>, %arg6: memref<1000x128xf32, #tpu.memory_space<vmem>>, %arg7: memref<1000x1xf32, #tpu.memory_space<vmem>>, %arg8: memref<10000x1xf32, #tpu.memory_space<vmem>>) attributes {dimension_semantics = [#tpu.dimension_semantics<arbitrary>], iteration_bounds = array<i64: 11>, scalar_prefetch = 0 : i64, scratch_operands = 1 : i64, tpu.core_type = #tpu.core_type<tc>, window_params = [{pipeline_mode = #tpu.pipeline_mode<synchronous>, transform_indices = @transform_0, window_bounds = array<i64: 10000>}, {pipeline_mode = #tpu.pipeline_mode<synchronous>, transform_indices = @transform_1, window_bounds = array<i64: 10000>}, {transform_indices = @transform_2, window_bounds = array<i64: 1000, 256>}, {pipeline_mode = #tpu.pipeline_mode<synchronous>, transform_indices = @transform_3, window_bounds = array<i64: 256, 256>}, {transform_indices = @transform_4, window_bounds = array<i64: 1000, 128>}, {transform_indices = @transform_5, window_bounds = array<i64: 1000, 128>}, {transform_indices = @transform_6, window_bounds = array<i64: 1000, 1>}]} {
    %eq3A = arith.constant 0 : i32
    %eq3A_0 = arith.cmpi eq, %arg0, %eq3A : i32
    %convert_element_type3A = arith.extui %eq3A_0 : i1 to i32
    %cond3A = arith.constant 0 : i32
    %cond3A_1 = arith.cmpi ne, %convert_element_type3A, %cond3A : i32
    scf.if %cond3A_1 {
      %get3A = arith.constant 0 : index
      %get3A_6 = vector.load %arg1[%get3A] : memref<10000xf32, #tpu.memory_space<vmem>>, vector<10000xf32>
      %add3A = arith.constant 1.000000e+00 : f32
      %add3A_7 = vector.broadcast %add3A : f32 to vector<10000xf32>
      %add3A_8 = arith.addf %add3A_7, %get3A_6 : vector<10000xf32>
      %get3A_9 = arith.constant 0 : index
      %get3A_10 = vector.load %arg2[%get3A_9] : memref<10000xf32, #tpu.memory_space<vmem>>, vector<10000xf32>
      %add3A_11 = arith.addf %add3A_8, %get3A_10 : vector<10000xf32>
      %rsqrt3A = math.rsqrt %add3A_11 : vector<10000xf32>
      %broadcast_in_dim3A = vector.shape_cast %rsqrt3A : vector<10000xf32> to vector<10000x1xf32>
      %swap3A = arith.constant 0 : index
      %swap3A_12 = arith.constant 0 : index
      %swap3A_13 = vector.load %arg8[%swap3A, %swap3A_12] : memref<10000x1xf32, #tpu.memory_space<vmem>>, vector<10000x1xf32>
      tpu.vector_store %arg8[%swap3A, %swap3A_12], %broadcast_in_dim3A {strides = array<i32>} : memref<10000x1xf32, #tpu.memory_space<vmem>>, vector<10000x1xf32>,
    } else {
    }
    %gt3A = arith.constant 0 : i32
    %gt3A_2 = arith.cmpi sgt, %arg0, %gt3A : i32
    %convert_element_type3A_3 = arith.extui %gt3A_2 : i1 to i32
    %cond3A_4 = arith.constant 0 : i32
    %cond3A_5 = arith.cmpi ne, %convert_element_type3A_3, %cond3A_4 : i32
    scf.if %cond3A_5 {
      %sub3A = arith.constant 1 : i32
      %sub3A_6 = arith.subi %arg0, %sub3A : i32
      %mul3A = arith.constant 1000 : i32
      %mul3A_7 = arith.muli %sub3A_6, %mul3A : i32
      %get3A = arith.index_cast %mul3A_7 : i32 to index
      %get3A_8 = arith.constant 0 : index
      %get3A_9 = vector.load %arg8[%get3A, %get3A_8] : memref<10000x1xf32, #tpu.memory_space<vmem>>, vector<1000x1xf32>
      %get3A_10 = arith.constant 0 : index
      %get3A_11 = arith.constant 0 : index
      %get3A_12 = vector.load %arg3[%get3A_10, %get3A_11] : memref<1000x256xf32, #tpu.memory_space<vmem>>, vector<1000x256xf32>
      %get3A_13 = arith.constant 0 : index
      %get3A_14 = arith.constant 0 : index
      %get3A_15 = vector.load %arg4[%get3A_13, %get3A_14] : memref<256x256xf32, #tpu.memory_space<vmem>>, vector<256x256xf32>
      %dot_general3A = arith.constant dense<0.000000e+00> : vector<1000x256xf32>
      %dot_general3A_16 = tpu.matmul %get3A_12, %get3A_15, %dot_general3A {dimension_numbers = #tpu.dot_dimension_numbers<[1], [0], [0], [1], [0, 0, 1, 1], [], []>, transpose_lhs_hint = false} : vector<1000x256xf32>, vector<256x256xf32>, vector<1000x256xf32> -> vector<1000x256xf32>
      %mul3A_17 = vector.broadcast %get3A_9 : vector<1000x1xf32> to vector<1000x256xf32>
      %mul3A_18 = arith.mulf %dot_general3A_16, %mul3A_17 : vector<1000x256xf32>
      %slice3A = vector.extract_strided_slice %mul3A_18 {offsets = [0, 0], sizes = [1000, 128], strides = [1, 1]} : vector<1000x256xf32> to vector<1000x128xf32>
      %swap3A = arith.constant 0 : index
      %swap3A_19 = arith.constant 0 : index
      %swap3A_20 = vector.load %arg5[%swap3A, %swap3A_19] : memref<1000x128xf32, #tpu.memory_space<vmem>>, vector<1000x128xf32>
      tpu.vector_store %arg5[%swap3A, %swap3A_19], %slice3A {strides = array<i32>} : memref<1000x128xf32, #tpu.memory_space<vmem>>, vector<1000x128xf32>,
      %slice3A_21 = vector.extract_strided_slice %mul3A_18 {offsets = [0, 128], sizes = [1000, 128], strides = [1, 1]} : vector<1000x256xf32> to vector<1000x128xf32>
      %swap3A_22 = arith.constant 0 : index
      %swap3A_23 = arith.constant 0 : index
      %swap3A_24 = vector.load %arg6[%swap3A_22, %swap3A_23] : memref<1000x128xf32, #tpu.memory_space<vmem>>, vector<1000x128xf32>
      tpu.vector_store %arg6[%swap3A_22, %swap3A_23], %slice3A_21 {strides = array<i32>} : memref<1000x128xf32, #tpu.memory_space<vmem>>, vector<1000x128xf32>,
      %swap3A_25 = arith.constant 0 : index
      %swap3A_26 = arith.constant 0 : index
      %swap3A_27 = vector.load %arg7[%swap3A_25, %swap3A_26] : memref<1000x1xf32, #tpu.memory_space<vmem>>, vector<1000x1xf32>
      tpu.vector_store %arg7[%swap3A_25, %swap3A_26], %get3A_9 {strides = array<i32>} : memref<1000x1xf32, #tpu.memory_space<vmem>>, vector<1000x1xf32>,
    } else {
    }
    return
  }
  func.func @transform_0(%arg0: i32) -> i32 {
    %c0_i32 = arith.constant 0 : i32
    %c0_i32_0 = arith.constant 0 : i32
    return %c0_i32 : i32
  }
  func.func @transform_1(%arg0: i32) -> i32 {
    %c0_i32 = arith.constant 0 : i32
    %c0_i32_0 = arith.constant 0 : i32
    return %c0_i32 : i32
  }
  func.func @transform_2(%arg0: i32) -> (i32, i32) {
    %sub3A = arith.constant 1 : i32
    %sub3A_0 = arith.subi %arg0, %sub3A : i32
    %max3A = arith.constant 0 : i32
    %max3A_1 = arith.maxsi %sub3A_0, %max3A : i32
    %c0_i32 = arith.constant 0 : i32
    %c0_i32_2 = arith.constant 0 : i32
    return %max3A_1, %c0_i32 : i32, i32
  }
  func.func @transform_3(%arg0: i32) -> (i32, i32) {
    %c0_i32 = arith.constant 0 : i32
    %c0_i32_0 = arith.constant 0 : i32
    %c0_i32_1 = arith.constant 0 : i32
    return %c0_i32, %c0_i32_0 : i32, i32
  }
  func.func @transform_4(%arg0: i32) -> (i32, i32) {
    %sub3A = arith.constant 1 : i32
    %sub3A_0 = arith.subi %arg0, %sub3A : i32
    %max3A = arith.constant 0 : i32
    %max3A_1 = arith.maxsi %sub3A_0, %max3A : i32
    %c0_i32 = arith.constant 0 : i32
    %c0_i32_2 = arith.constant 0 : i32
    return %max3A_1, %c0_i32 : i32, i32
  }
  func.func @transform_5(%arg0: i32) -> (i32, i32) {
    %sub3A = arith.constant 1 : i32
    %sub3A_0 = arith.subi %arg0, %sub3A : i32
    %max3A = arith.constant 0 : i32
    %max3A_1 = arith.maxsi %sub3A_0, %max3A : i32
    %c0_i32 = arith.constant 0 : i32
    %c0_i32_2 = arith.constant 0 : i32
    return %max3A_1, %c0_i32 : i32, i32
  }
  func.func @transform_6(%arg0: i32) -> (i32, i32) {
    %sub3A = arith.constant 1 : i32
    %sub3A_0 = arith.subi %arg0, %sub3A : i32
    %max3A = arith.constant 0 : i32
    %max3A_1 = arith.maxsi %sub3A_0, %max3A : i32
    %c0_i32 = arith.constant 0 : i32
    %c0_i32_2 = arith.constant 0 : i32
    return %max3A_1, %c0_i32 : i32, i32
  }
}

module attributes {stable_mosaic.version = 14 : i64} {
  func.func @_mm2_body(%arg0: i32, %arg1: memref<1000x128xf32, #tpu.memory_space<vmem>>, %arg2: memref<1000x128xf32, #tpu.memory_space<vmem>>, %arg3: memref<1000x512xf32, #tpu.memory_space<vmem>>, %arg4: memref<512x256xf32, #tpu.memory_space<vmem>>, %arg5: memref<256xf32, #tpu.memory_space<vmem>>, %arg6: memref<256xf32, #tpu.memory_space<vmem>>, %arg7: memref<1000x1xf32, #tpu.memory_space<vmem>>, %arg8: memref<256x256xf32, #tpu.memory_space<vmem>>, %arg9: memref<1000x128xf32, #tpu.memory_space<vmem>>, %arg10: memref<1000x128xf32, #tpu.memory_space<vmem>>) attributes {dimension_semantics = [#tpu.dimension_semantics<arbitrary>], iteration_bounds = array<i64: 10>, scalar_prefetch = 0 : i64, scratch_operands = 0 : i64, tpu.core_type = #tpu.core_type<tc>, window_params = [{transform_indices = @transform_0, window_bounds = array<i64: 1000, 128>}, {transform_indices = @transform_1, window_bounds = array<i64: 1000, 128>}, {transform_indices = @transform_2, window_bounds = array<i64: 1000, 512>}, {pipeline_mode = #tpu.pipeline_mode<synchronous>, transform_indices = @transform_3, window_bounds = array<i64: 512, 256>}, {pipeline_mode = #tpu.pipeline_mode<synchronous>, transform_indices = @transform_4, window_bounds = array<i64: 256>}, {pipeline_mode = #tpu.pipeline_mode<synchronous>, transform_indices = @transform_5, window_bounds = array<i64: 256>}, {transform_indices = @transform_6, window_bounds = array<i64: 1000, 1>}, {pipeline_mode = #tpu.pipeline_mode<synchronous>, transform_indices = @transform_7, window_bounds = array<i64: 256, 256>}, {transform_indices = @transform_8, window_bounds = array<i64: 1000, 128>}, {transform_indices = @transform_9, window_bounds = array<i64: 1000, 128>}]} {
    %get3A = arith.constant 0 : index
    %get3A_0 = arith.constant 0 : index
    %get3A_1 = vector.load %arg1[%get3A, %get3A_0] : memref<1000x128xf32, #tpu.memory_space<vmem>>, vector<1000x128xf32>
    %get3A_2 = arith.constant 0 : index
    %get3A_3 = arith.constant 0 : index
    %get3A_4 = vector.load %arg2[%get3A_2, %get3A_3] : memref<1000x128xf32, #tpu.memory_space<vmem>>, vector<1000x128xf32>
    %concatenate3A = tpu.concatenate %get3A_1, %get3A_4 in 1 : vector<1000x128xf32>, vector<1000x128xf32> -> vector<1000x256xf32>
    %get3A_5 = arith.constant 0 : index
    %get3A_6 = arith.constant 0 : index
    %get3A_7 = vector.load %arg7[%get3A_5, %get3A_6] : memref<1000x1xf32, #tpu.memory_space<vmem>>, vector<1000x1xf32>
    %get3A_8 = arith.constant 0 : index
    %get3A_9 = arith.constant 0 : index
    %get3A_10 = vector.load %arg3[%get3A_8, %get3A_9] : memref<1000x512xf32, #tpu.memory_space<vmem>>, vector<1000x512xf32>
    %get3A_11 = arith.constant 0 : index
    %get3A_12 = arith.constant 0 : index
    %get3A_13 = vector.load %arg4[%get3A_11, %get3A_12] : memref<512x256xf32, #tpu.memory_space<vmem>>, vector<512x256xf32>
    %dot_general3A = arith.constant dense<0.000000e+00> : vector<1000x256xf32>
    %dot_general3A_14 = tpu.matmul %get3A_10, %get3A_13, %dot_general3A {dimension_numbers = #tpu.dot_dimension_numbers<[1], [0], [0], [1], [0, 0, 1, 1], [], []>, transpose_lhs_hint = false} : vector<1000x512xf32>, vector<512x256xf32>, vector<1000x256xf32> -> vector<1000x256xf32>
    %get3A_15 = arith.constant 0 : index
    %get3A_16 = vector.load %arg5[%get3A_15] : memref<256xf32, #tpu.memory_space<vmem>>, vector<256xf32>
    %broadcast_in_dim3A = vector.shape_cast %get3A_16 : vector<256xf32> to vector<1x256xf32>
    %add3A = vector.broadcast %broadcast_in_dim3A : vector<1x256xf32> to vector<1000x256xf32>
    %add3A_17 = arith.addf %dot_general3A_14, %add3A : vector<1000x256xf32>
    %logistic3A = arith.negf %add3A_17 : vector<1000x256xf32>
    %logistic3A_18 = math.exp %logistic3A : vector<1000x256xf32>
    %logistic3A_19 = arith.constant 1.000000e+00 : f32
    %logistic3A_20 = vector.broadcast %logistic3A_19 : f32 to vector<1000x256xf32>
    %logistic3A_21 = arith.addf %logistic3A_20, %logistic3A_18 : vector<1000x256xf32>
    %logistic3A_22 = arith.divf %logistic3A_20, %logistic3A_21 : vector<1000x256xf32>
    %mul3A = arith.mulf %add3A_17, %logistic3A_22 : vector<1000x256xf32>
    %mul3A_23 = vector.broadcast %get3A_7 : vector<1000x1xf32> to vector<1000x256xf32>
    %mul3A_24 = arith.mulf %mul3A_23, %concatenate3A : vector<1000x256xf32>
    %get3A_25 = arith.constant 0 : index
    %get3A_26 = vector.load %arg6[%get3A_25] : memref<256xf32, #tpu.memory_space<vmem>>, vector<256xf32>
    %broadcast_in_dim3A_27 = vector.shape_cast %get3A_26 : vector<256xf32> to vector<1x256xf32>
    %add3A_28 = vector.broadcast %broadcast_in_dim3A_27 : vector<1x256xf32> to vector<1000x256xf32>
    %add3A_29 = arith.addf %mul3A_24, %add3A_28 : vector<1000x256xf32>
    %add3A_30 = arith.addf %add3A_29, %mul3A : vector<1000x256xf32>
    %get3A_31 = arith.constant 0 : index
    %get3A_32 = arith.constant 0 : index
    %get3A_33 = vector.load %arg8[%get3A_31, %get3A_32] : memref<256x256xf32, #tpu.memory_space<vmem>>, vector<256x256xf32>
    %dot_general3A_34 = arith.constant dense<0.000000e+00> : vector<1000x256xf32>
    %dot_general3A_35 = tpu.matmul %add3A_30, %get3A_33, %dot_general3A_34 {dimension_numbers = #tpu.dot_dimension_numbers<[1], [0], [0], [1], [0, 0, 1, 1], [], []>, transpose_lhs_hint = false} : vector<1000x256xf32>, vector<256x256xf32>, vector<1000x256xf32> -> vector<1000x256xf32>
    %mul3A_36 = vector.broadcast %get3A_7 : vector<1000x1xf32> to vector<1000x256xf32>
    %mul3A_37 = arith.mulf %dot_general3A_35, %mul3A_36 : vector<1000x256xf32>
    %slice3A = vector.extract_strided_slice %mul3A_37 {offsets = [0, 0], sizes = [1000, 128], strides = [1, 1]} : vector<1000x256xf32> to vector<1000x128xf32>
    %swap3A = arith.constant 0 : index
    %swap3A_38 = arith.constant 0 : index
    %swap3A_39 = vector.load %arg9[%swap3A, %swap3A_38] : memref<1000x128xf32, #tpu.memory_space<vmem>>, vector<1000x128xf32>
    tpu.vector_store %arg9[%swap3A, %swap3A_38], %slice3A {strides = array<i32>} : memref<1000x128xf32, #tpu.memory_space<vmem>>, vector<1000x128xf32>,
    %slice3A_40 = vector.extract_strided_slice %mul3A_37 {offsets = [0, 128], sizes = [1000, 128], strides = [1, 1]} : vector<1000x256xf32> to vector<1000x128xf32>
    %swap3A_41 = arith.constant 0 : index
    %swap3A_42 = arith.constant 0 : index
    %swap3A_43 = vector.load %arg10[%swap3A_41, %swap3A_42] : memref<1000x128xf32, #tpu.memory_space<vmem>>, vector<1000x128xf32>
    tpu.vector_store %arg10[%swap3A_41, %swap3A_42], %slice3A_40 {strides = array<i32>} : memref<1000x128xf32, #tpu.memory_space<vmem>>, vector<1000x128xf32>,
    return
  }
  func.func @transform_0(%arg0: i32) -> (i32, i32) {
    %c0_i32 = arith.constant 0 : i32
    %c0_i32_0 = arith.constant 0 : i32
    return %arg0, %c0_i32 : i32, i32
  }
  func.func @transform_1(%arg0: i32) -> (i32, i32) {
    %c0_i32 = arith.constant 0 : i32
    %c0_i32_0 = arith.constant 0 : i32
    return %arg0, %c0_i32 : i32, i32
  }
  func.func @transform_2(%arg0: i32) -> (i32, i32) {
    %c0_i32 = arith.constant 0 : i32
    %c0_i32_0 = arith.constant 0 : i32
    return %arg0, %c0_i32 : i32, i32
  }
  func.func @transform_3(%arg0: i32) -> (i32, i32) {
    %c0_i32 = arith.constant 0 : i32
    %c0_i32_0 = arith.constant 0 : i32
    %c0_i32_1 = arith.constant 0 : i32
    return %c0_i32, %c0_i32_0 : i32, i32
  }
  func.func @transform_4(%arg0: i32) -> i32 {
    %c0_i32 = arith.constant 0 : i32
    %c0_i32_0 = arith.constant 0 : i32
    return %c0_i32 : i32
  }
  func.func @transform_5(%arg0: i32) -> i32 {
    %c0_i32 = arith.constant 0 : i32
    %c0_i32_0 = arith.constant 0 : i32
    return %c0_i32 : i32
  }
  func.func @transform_6(%arg0: i32) -> (i32, i32) {
    %c0_i32 = arith.constant 0 : i32
    %c0_i32_0 = arith.constant 0 : i32
    return %arg0, %c0_i32 : i32, i32
  }
  func.func @transform_7(%arg0: i32) -> (i32, i32) {
    %c0_i32 = arith.constant 0 : i32
    %c0_i32_0 = arith.constant 0 : i32
    %c0_i32_1 = arith.constant 0 : i32
    return %c0_i32, %c0_i32_0 : i32, i32
  }
  func.func @transform_8(%arg0: i32) -> (i32, i32) {
    %c0_i32 = arith.constant 0 : i32
    %c0_i32_0 = arith.constant 0 : i32
    return %arg0, %c0_i32 : i32, i32
  }
  func.func @transform_9(%arg0: i32) -> (i32, i32) {
    %c0_i32 = arith.constant 0 : i32
    %c0_i32_0 = arith.constant 0 : i32
    return %arg0, %c0_i32 : i32, i32
  }
}

module attributes {stable_mosaic.version = 14 : i64} {
  func.func @_final_body(%arg0: i32, %arg1: memref<1000x256xf32, #tpu.memory_space<vmem>>, %arg2: memref<1000x128xf32, #tpu.memory_space<vmem>>, %arg3: memref<1000x128xf32, #tpu.memory_space<vmem>>, %arg4: memref<256xf32, #tpu.memory_space<vmem>>, %arg5: memref<1000x1xf32, #tpu.memory_space<vmem>>, %arg6: memref<1000x256xf32, #tpu.memory_space<vmem>>) attributes {dimension_semantics = [#tpu.dimension_semantics<arbitrary>], iteration_bounds = array<i64: 10>, scalar_prefetch = 0 : i64, scratch_operands = 0 : i64, tpu.core_type = #tpu.core_type<tc>, window_params = [{transform_indices = @transform_0, window_bounds = array<i64: 1000, 256>}, {transform_indices = @transform_1, window_bounds = array<i64: 1000, 128>}, {transform_indices = @transform_2, window_bounds = array<i64: 1000, 128>}, {pipeline_mode = #tpu.pipeline_mode<synchronous>, transform_indices = @transform_3, window_bounds = array<i64: 256>}, {transform_indices = @transform_4, window_bounds = array<i64: 1000, 1>}, {transform_indices = @transform_5, window_bounds = array<i64: 1000, 256>}]} {
    %get3A = arith.constant 0 : index
    %get3A_0 = arith.constant 0 : index
    %get3A_1 = vector.load %arg2[%get3A, %get3A_0] : memref<1000x128xf32, #tpu.memory_space<vmem>>, vector<1000x128xf32>
    %get3A_2 = arith.constant 0 : index
    %get3A_3 = arith.constant 0 : index
    %get3A_4 = vector.load %arg3[%get3A_2, %get3A_3] : memref<1000x128xf32, #tpu.memory_space<vmem>>, vector<1000x128xf32>
    %concatenate3A = tpu.concatenate %get3A_1, %get3A_4 in 1 : vector<1000x128xf32>, vector<1000x128xf32> -> vector<1000x256xf32>
    %get3A_5 = arith.constant 0 : index
    %get3A_6 = arith.constant 0 : index
    %get3A_7 = vector.load %arg5[%get3A_5, %get3A_6] : memref<1000x1xf32, #tpu.memory_space<vmem>>, vector<1000x1xf32>
    %mul3A = vector.broadcast %get3A_7 : vector<1000x1xf32> to vector<1000x256xf32>
    %mul3A_8 = arith.mulf %mul3A, %concatenate3A : vector<1000x256xf32>
    %get3A_9 = arith.constant 0 : index
    %get3A_10 = vector.load %arg4[%get3A_9] : memref<256xf32, #tpu.memory_space<vmem>>, vector<256xf32>
    %broadcast_in_dim3A = vector.shape_cast %get3A_10 : vector<256xf32> to vector<1x256xf32>
    %add3A = vector.broadcast %broadcast_in_dim3A : vector<1x256xf32> to vector<1000x256xf32>
    %add3A_11 = arith.addf %mul3A_8, %add3A : vector<1000x256xf32>
    %get3A_12 = arith.constant 0 : index
    %get3A_13 = arith.constant 0 : index
    %get3A_14 = vector.load %arg1[%get3A_12, %get3A_13] : memref<1000x256xf32, #tpu.memory_space<vmem>>, vector<1000x256xf32>
    %logistic3A = arith.negf %add3A_11 : vector<1000x256xf32>
    %logistic3A_15 = math.exp %logistic3A : vector<1000x256xf32>
    %logistic3A_16 = arith.constant 1.000000e+00 : f32
    %logistic3A_17 = vector.broadcast %logistic3A_16 : f32 to vector<1000x256xf32>
    %logistic3A_18 = arith.addf %logistic3A_17, %logistic3A_15 : vector<1000x256xf32>
    %logistic3A_19 = arith.divf %logistic3A_17, %logistic3A_18 : vector<1000x256xf32>
    %mul3A_20 = arith.mulf %add3A_11, %logistic3A_19 : vector<1000x256xf32>
    %add3A_21 = arith.addf %get3A_14, %mul3A_20 : vector<1000x256xf32>
    %swap3A = arith.constant 0 : index
    %swap3A_22 = arith.constant 0 : index
    %swap3A_23 = vector.load %arg6[%swap3A, %swap3A_22] : memref<1000x256xf32, #tpu.memory_space<vmem>>, vector<1000x256xf32>
    tpu.vector_store %arg6[%swap3A, %swap3A_22], %add3A_21 {strides = array<i32>} : memref<1000x256xf32, #tpu.memory_space<vmem>>, vector<1000x256xf32>,
    return
  }
  func.func @transform_0(%arg0: i32) -> (i32, i32) {
    %c0_i32 = arith.constant 0 : i32
    %c0_i32_0 = arith.constant 0 : i32
    return %arg0, %c0_i32 : i32, i32
  }
  func.func @transform_1(%arg0: i32) -> (i32, i32) {
    %c0_i32 = arith.constant 0 : i32
    %c0_i32_0 = arith.constant 0 : i32
    return %arg0, %c0_i32 : i32, i32
  }
  func.func @transform_2(%arg0: i32) -> (i32, i32) {
    %c0_i32 = arith.constant 0 : i32
    %c0_i32_0 = arith.constant 0 : i32
    return %arg0, %c0_i32 : i32, i32
  }
  func.func @transform_3(%arg0: i32) -> i32 {
    %c0_i32 = arith.constant 0 : i32
    %c0_i32_0 = arith.constant 0 : i32
    return %c0_i32 : i32
  }
  func.func @transform_4(%arg0: i32) -> (i32, i32) {
    %c0_i32 = arith.constant 0 : i32
    %c0_i32_0 = arith.constant 0 : i32
    return %arg0, %c0_i32 : i32, i32
  }
  func.func @transform_5(%arg0: i32) -> (i32, i32) {
    %c0_i32 = arith.constant 0 : i32
    %c0_i32_0 = arith.constant 0 : i32
    return %arg0, %c0_i32 : i32, i32
  }
}

</mosaic_0001>

<sc_bundles>
// kernel: kernel.11.cloned.1.call-start
scs
__scs_entry_jumppad:
0x0: {  	(pc) =	sbr.rel $0x88, $3  }
0x1: {  	(tag) =	ssettag $0x0;
	lr =	simm.s32 $0x1  }
0x2: {  	[smem:$0x3F98] =	sst lr;
	_ =	strace $0xD0000000  }
0x3: {  	_ = 	snop  }
0x4: {  	_ = 	snop  }
0x5: {  	_ = 	snop  }
0x6: {  	_ = 	snop  }
0x7: {  	_ = 	snop  }
__scs_overlays_trampoline_lowered:
0x8: {  	[smem:$0x3FA7] =	sst s0  }
0x9: {  	[smem:$0x3FA8] =	sst s1  }
0xa: {  	[smem:$0x3FA9] =	sst s2  }
0xb: {  	[smem:$0x3FAA] =	sst s3  }
0xc: {  	[smem:$0x3FAB] =	sst s4  }
0xd: {  	[smem:$0x3FAC] =	sst s5  }
0xe: {  	[smem:$0x3FAD] =	sst s6  }
0xf: {  	[smem:$0x3FAE] =	sst s7  }
0x10: {  	[smem:$0x3FAF] =	sst s8  }
0x11: {  	[smem:$0x3FB0] =	sst s9;
	s0 =	simm.s32 @!p0 $0x0  }
0x12: {  	s1 =	sld [smem:$0x3F96];
	s0 =	simm.s32 @p0 $0x1  }
0x13: {  	[smem:$0x3FB1] =	sst s0;
	s0 =	simm.s32 @!p1 $0x0  }
0x14: {  	s2 =	sld [smem:$0x3F95];
	s0 =	simm.s32 @p1 $0x1  }
0x15: {  	[smem:$0x3FB2] =	sst s0;
	s0 =	simm.s32 @!p2 $0x0  }
0x16: {  	s3 =	sld [smem:$0x3FDB];
	s0 =	simm.s32 @p2 $0x1  }
0x17: {  	s4 =	simm.s32 $0x1BF5;
	[smem:$0x3FB4] =	sst s0  }
0x18: {  	s0 =	sld [smem:$0x3F97];
	_ =	swait.ge [sflag:s4], $0x0  }
0x19: {  	s7 =	sld [smem:$0x3F98]  }
0x1a: {  	s8 =	sadd.s32 $0xFFFFE003, lr  }
0x1b: {  	s9 =	sadd.s32 $0xFFFFFEF7, lr;
	s5 =	simm.s32 $0xFFFFFFFF;
	p2 =	slt.u32 s8, $0xFFFFF086  }
0x1c: {  	p1 =	slt.u32 s9, $0xF7A;
	s5 =	simm.s32 @!p2 $0x0  }
0x1d: {  	s5 =	simm.s32 @p1 $0x1;
	p0 =	seq.s32 s7, s2  }
0x1e: {  	s7 =	smul.u32 @!p0 $0xF7A, s2;
	p2 =	seq.s32 @!p0 s5, $0x0  }
0x1f: {  	s9 =	smul.u32 $0xF7A, s1;
	s8 =	simm.s32 @!p0 $0x1BF5;
	p2 =	por !p2, p0  }
0x20: {  	[sflag:s8] =	ssyncset.s32 @!p0 $0xFFFFF086;
	s6 =	sadd.s32 @!p0 s3, s7;
	s7 =	simm.s32 @!p0 $0x108  }
0x21: {  	s3 =	sadd.s32 s3, s9;
	s6 =	sadd.s32 @!p0 $0x88, s6;
	s7 =	simm.s32 @p2 $0x1082  }
0x22: {  	[simem:s7], [sflag:s8] =	dma.local @!p0 [hbm:s6], $0xF7A  }
0x23: {  	s9 =	sor.u32 $0xD0000000, s2;
	s6 =	simm.s32 $0x108;
	_ =	swait.ge @!p0 [sflag:s8], $0x0  }
0x24: {  	s3 =	sadd.s32 $0x88, s3;
	s6 =	simm.s32 @!p1 $0x1082;
	[sflag:s4] =	ssyncset.s32 $0xFFFFF086  }
0x25: {  	[simem:s6], [sflag:s4] =	dma.local [hbm:s3], $0xF7A  }
0x26: {  	[smem:$0x3F98] =	sst s1;
	(tag) =	ssettag s2;
	_ =	strace s9  }
0x27: {  	s1 =	sld [smem:$0x3FA8]  }
0x28: {  	s2 =	sld [smem:$0x3FA9]  }
0x29: {  	s4 =	sld [smem:$0x3FAB]  }
0x2a: {  	p0 =	seq.s32 s5, $0x0;
	s5 =	sld [smem:$0x3FAC]  }
0x2b: {  	s6 =	sld [smem:$0x3FAD]  }
0x2c: {  	s7 =	sld [smem:$0x3FAE]  }
0x2d: {  	s3 =	simm.s32 $0x108;
	s8 =	sld [smem:$0x3FAF]  }
0x2e: {  	s3 =	simm.s32 @!p0 $0x1082;
	s9 =	sld [smem:$0x3FB0]  }
0x2f: {  	lr =	sadd.s32 s0, s3;
	s0 =	sld [smem:$0x3FA7]  }
0x30: {  	s3 =	sld [smem:$0x3FAA]  }
0x31: {  	[smem:$0x3FB3] =	sst s10  }
0x32: {  	s10 =	sld [smem:$0x3FB1];
	_ =	sdelay $0x3  }
0x33: {  	p0 =	seq.s32 s10, $0x1;
	s10 =	sld [smem:$0x3FB3];
	_ =	sdelay $0x3  }
0x34: {  	[smem:$0x3FB3] =	sst s10  }
0x35: {  	s10 =	sld [smem:$0x3FB2];
	_ =	sdelay $0x3  }
0x36: {  	p1 =	seq.s32 s10, $0x1;
	s10 =	sld [smem:$0x3FB3];
	_ =	sdelay $0x3  }
0x37: {  	[smem:$0x3FB3] =	sst s10  }
0x38: {  	s10 =	sld [smem:$0x3FB4]  }
0x39: {  	_ = 	snop;
	(pc) =	sbr.ind lr, $3  }
0x3a: {  	_ = 	snop  }
0x3b: {  	_ = 	snop  }
0x3c: {  	p2 =	seq.s32 s10, $0x1;
	s10 =	sld [smem:$0x3FB3]  }
0x3d: {  	_ =	shalt  }
0x3e: {  	_ =	shalt  }
0x3f: {  	_ =	shalt  }
0x40: {  	_ =	shalt  }
0x41: {  	_ =	shalt  }
0x42: {  	_ =	shalt  }
0x43: {  	_ =	shalt  }
0x44: {  	_ =	shalt  }
0x45: {  	_ =	shalt  }
0x46: {  	_ =	shalt  }
0x47: {  	_ =	shalt  }
0x48: {  	_ =	shalt  }
0x49: {  	_ =	shalt  }
0x4a: {  	_ =	shalt  }
0x4b: {  	_ =	shalt  }
0x4c: {  	_ =	shalt  }
0x4d: {  	_ =	shalt  }
0x4e: {  	_ =	shalt  }
0x4f: {  	_ =	shalt  }
0x50: {  	_ =	shalt  }
0x51: {  	_ =	shalt  }
0x52: {  	_ =	shalt  }
0x53: {  	_ =	shalt  }
0x54: {  	_ =	shalt  }
0x55: {  	_ =	shalt  }
0x56: {  	_ =	shalt  }
0x57: {  	_ =	shalt  }
0x58: {  	_ =	shalt  }
0x59: {  	_ =	shalt  }
0x5a: {  	_ =	shalt  }
0x5b: {  	_ =	shalt  }
0x5c: {  	_ =	shalt  }
0x5d: {  	_ =	shalt  }
0x5e: {  	_ =	shalt  }
0x5f: {  	_ =	shalt  }
0x60: {  	_ =	shalt  }
0x61: {  	_ =	shalt  }
0x62: {  	_ =	shalt  }
0x63: {  	_ =	shalt  }
0x64: {  	_ =	shalt  }
0x65: {  	_ =	shalt  }
0x66: {  	_ =	shalt  }
0x67: {  	_ =	shalt  }
0x68: {  	_ =	shalt  }
0x69: {  	_ =	shalt  }
0x6a: {  	_ =	shalt  }
0x6b: {  	_ =	shalt  }
0x6c: {  	_ =	shalt  }
0x6d: {  	_ =	shalt  }
0x6e: {  	_ =	shalt  }
0x6f: {  	_ =	shalt  }
0x70: {  	_ =	shalt  }
0x71: {  	_ =	shalt  }
0x72: {  	_ =	shalt  }
0x73: {  	_ =	shalt  }
0x74: {  	_ =	shalt  }
0x75: {  	_ =	shalt  }
0x76: {  	_ =	shalt  }
0x77: {  	_ =	shalt  }
0x78: {  	_ =	shalt  }
0x79: {  	_ =	shalt  }
0x7a: {  	_ =	shalt  }
0x7b: {  	_ =	shalt  }
0x7c: {  	_ =	shalt  }
0x7d: {  	_ =	shalt  }
0x7e: {  	_ =	shalt  }
0x7f: {  	_ =	shalt  }
0x80: {  	_ =	shalt  }
0x81: {  	_ =	shalt  }
0x82: {  	_ =	shalt  }
0x83: {  	_ =	shalt  }
0x84: {  	_ =	shalt  }
0x85: {  	_ =	shalt  }
0x86: {  	_ =	shalt  }
0x87: {  	_ =	shalt  }
.Lfunc_end0:
.L_simem_size_0:
called_computation.1_lowered:
.L_overlay_start_0:
0x88: {  	s2 =	sld [smem:$0x3FD9]  }
0x89: {  	s3 =	sld [smem:$0x3FFE];
	_ =	sdelay $0x1  }
0x8a: {  	s1 =	srdreg.scid  }
0x8b: {  	s0 =	sand.u32 $0x1, s1  }
0x8c: {  	s17 =	sshll.u32 s0, $0xA;
	s2 =	sadd.s32 s3, s2  }
0x8d: {  	s2 =	sadd.s32 s2, s17  }
0x8e: {  	[smem:$0x3FBF] =	sst s2  }
0x8f: {  	_ = 	snop  }
0x90: {  	s2 =	sld [smem:$0x3FD0];
	(tm) =	ssettm $0x1  }
0x91: {  	s18 =	sld [smem:$0x3FFB];
	_ =	sdelay $0x3  }
0x92: {  	_ =	strace s18  }
0x93: {  	s3 =	sld [smem:$0x3FFC];
	_ =	sdelay $0x3  }
0x94: {  	_ =	strace s3  }
0x95: {  	s3 =	sld [smem:$0x3FFD];
	_ =	sdelay $0x3  }
0x96: {  	_ =	strace s3  }
0x97: {  	_ =	strace $0x8FFFFFFF  }
0x98: {  	s19 =	sld [smem:$0x3FDB];
	_ =	sdelay $0x1  }
0x99: {  	s4 =	simm.s32 $_scs_section_size  }
0x9a: {  	s5 =	simm.s32 $_size__tile_overlayer_lowered;
	s6 =	simm.s32 $_tile_overlayer_lowered  }
0x9b: {  	s22 =	simm.s32 $0x1BFF;
	s21 =	sshll.u32 s6, $0x1;
	s3 =	sadd.s32 s4, s19  }
0x9c: {  	s7 =	simm.s32 $0x0;
	s20 =	sshll.u32 s5, $0x1;
	s5 =	sadd.s32 s21, s3  }
0x9d: {  	[timem:s7], [sflag:s22] =	dma.local [hbm:s5], s20  }
0x9e: {  	_ =	swait.ge [sflag:s22], s20  }
0x9f: {  	s4 =	ssub.s32 $0x0, s20;
	[sflag:s22] =	ssyncset.done $0x0  }
0xa0: {  	[sflag:s22] =	ssyncadd.s32 s4;
	_ =	sdelay $0x1  }
0xa1: {  	s23 =	simm.s32 $0x1B8B  }
0xa2: {  	_ =	swait.ge [sflag:s23], $0x1  }
0xa3: {  	[sflag:s23] =	ssyncset.done $0x0  }
0xa4: {  	s25 =	simm.s32 $0x1B8E;
	s24 =	sld [smem:$0x3FFE];
	[sflag:s23] =	ssyncadd.s32 $0xFFFFFFFF  }
0xa5: {  	s26 =	simm.s32 $execute0_lowered;
	[smem:$0x3FD2] =	sst s25  }
0xa6: {  	s5 =	sshll.u32 s26, $0x1;
	_ =	strace $0x80000049;
	[dreg:$0x1] =	wrdreg $0xFFFFFFFF  }
0xa7: {  	s28 =	simm.s32 $_size_execute0_lowered;
	s3 =	sadd.s32 s3, s5;
	[dreg:$0x0] =	wrdreg $0x0  }
0xa8: {  	s5 =	sshll.u32 s28, $0x1;
	[dreg:$0x2] =	wrdreg s3  }
0xa9: {  	[dreg:$0x3] =	wrdreg s5  }
0xaa: {  	[dreg:$0x4] =	wrdreg $0xC0  }
0xab: {  	_ =	task [dreg:s7], $0x5FFFF  }
0xac: {  	[dreg:$0x1] =	wrdreg $0xFFFFFFFF  }
0xad: {  	[dreg:$0x0] =	wrdreg $0x60  }
0xae: {  	[dreg:$0x2] =	wrdreg s2  }
0xaf: {  	[dreg:$0x3] =	wrdreg s24  }
0xb0: {  	[dreg:$0x4] =	wrdreg $0xC0000  }
0xb1: {  	[dreg:$0x5] =	wrdreg $0x9  }
0xb2: {  	_ =	task.clear_ibuf [dreg:s7], $0x6FFFF;
	_ =	strace $0x90000049  }
0xb3: {  	s29 =	simm.s32 $0x9;
	_ =	strace $0x8000004B  }
0xb4: {  	_ =	swait.ge [sflag:s29], $0x1  }
0xb5: {  	[sflag:s29] =	ssyncadd.s32 $0xFFFFFFFF  }
0xb6: {  	_ =	strace $0x9000004B  }
0xb7: {  	_ =	sfence  }
0xb8: {  	s30 =	sld [smem:$0x0];
	_ =	sdelay $0x2  }
0xb9: {  	s31 =	sshll.u32 s1, $0xD;
	s1 =	sshrl.u32 s1, $0x2  }
0xba: {  	s3 =	sand.u32 $0x4000, s31;
	s1 =	sadd.s32 s1, s30  }
0xbb: {  	s0 =	sor.u32 s3, s0;
	s1 =	sshll.u32 s1, $0x11  }
0xbc: {  	s0 =	sor.u32 s1, s0  }
0xbd: {  	s0 =	sadd.s32 $0x8F2B, s0  }
0xbe: {  	[sflag:s0] =	ssyncadd.remote.s32 $0x1  }
0xbf: {  	_ =	sfence.sel $0xFFFF  }
0xc0: {  	[dreg:$0x0] =	wrdreg $0xFFFFFFFF;
	(pc) =	sbr.abs _section_cstart, $3  }
0xc1: {  	[dreg:$0x1] =	wrdreg $0xFFFFFFFF  }
0xc2: {  	_ =	task.clear_ibuf [dreg:s7], $0x2FFFF;
	_ =	strace $0x9FFFFFFF  }
0xc3: {  	(tm) =	ssettm $0x7FFFFFFF  }
tec
execute0_lowered:
.L_overlay_start_1:
0x0: {  	(tag) =	ssettag $0x1  }
0x1: {  	s1 =	rddreg [dreg:$0x0]  }
0x2: {  	s0 =	rddreg [dreg:$0x1]  }
0x3: {  	s2 =	rddreg [dreg:$0x2]  }
0x4: {  	s3 =	simm.s32 $0x0;
	s4 =	srdreg.scid;
	s5 =	stileid.u32  }
0x5: {  	s19 =	simm.s32 $0x9;
	s20 =	simm.s32 $0x1000;
	s28 =	simm.s32 $0x4800  }
0x6: {  	s29 =	simm.s32 $0x5;
	s30 =	simm.s32 $0x7000;
	s31 =	simm.s32 $0x9800  }
0x7: {  	[smem:$0x7FF] =	sst s3;
	s7 =	sand.u32 $0x1, s4;
	s4 =	sadd.s32 $0x19C00, s0  }
0x8: {  	s6 =	sadd.s32 $0x5C00, s0;
	s17 =	sadd.s32 $0x68000, s0;
	s18 =	sadd.s32 $0x8F200, s0  }
0x9: {  	p4 =	sne.s32 s5, $0xF;
	p1 =	seq.s32 s5, $0xF;
	s12 =	smul.u32 $0x4E000, s5  }
0xa: {  	s16 =	smul.u32 $0x2700, s5;
	s11 =	sadd.s32 $0x24900, s1;
	s15 =	sadd.s32 $0x3E500, s0  }
0xb: {  	s26 =	sshll.u32 s5, $0x6;
	_ =	strace $0x8000004A;
	s8 =	ssub.s32 $0x2, s7  }
0xc: {  	p3 =	seq.s32 s7, $0x0;
	p0 =	seq.s32 s7, $0x1;
	[dreg:$0x4] =	wrdreg s17  }
0xd: {  	[dreg:$0x5] =	wrdreg s18;
	p5 =	sne.s32 s7, $0x0;
	s21 =	sor.u32 $0x1C09, s26  }
0xe: {  	s26 =	simm.s32 $0x2000;
	s9 =	sshrl.u32 s8, $0x1;
	p2 =	por !p3, !p4  }
0xf: {  	p3 =	por !p3, !p1;
	s12 =	sshrl.u32 s12, $0x2;
	p4 =	por !p4, !p0  }
0x10: {  	s13 =	sadd.s32 s1, s16;
	s14 =	sadd.s32 s4, s16;
	s23 =	sadd.s32 s17, s16  }
0x11: {  	s24 =	sadd.s32 s18, s16;
	s8 =	ssub.s32 s8, s9;
	s9 =	smul.u32 $0x5000, s5  }
0x12: {  	p2 =	por !p2, !p2;
	p3 =	por !p3, !p3;
	s12 =	sadd.s32 s12, s2  }
.Ltmp0:
0x13: {  	p4 =	por !p4, !p4;
	[dreg:$0x6] =	wrdreg s23;
	(pc) =	sbr.rel .LBB2_1-.Ltmp0, $4  }
0x14: {  	[dreg:$0x7] =	wrdreg s24;
	s10 =	simm.s32 @!p3 $0x0;
	s25 =	smax.u32 s8, $0x1  }
0x15: {  	s22 =	sshrl.u32 s12, $0x3;
	s0 =	sshll.u32 @p4 s5, $0x6;
	s10 =	simm.s32 @p3 $0x1  }
0x16: {  	[dreg:$0x8] =	wrdreg s25;
	s23 =	sor.u32 @p4 $0x1C09, s0;
	s25 =	simm.s32 $0x50  }
0x17: {  	s0 =	simm.s32 $0x0;
	[smem:$0x7FD] =	sst s10;
	s10 =	sadd.s32 $0x124800, s2  }
.LBB2_31:
0x18: {  	s8 =	sshll.u32 s8, $0x6  }
0x19: {  	s7 =	sadd.s32 $0x24900, s7;
	s16 =	sshrl.u32 s10, $0x3;
	s8 =	sor.u32 $0x1C09, s8  }
0x1a: {  	[hbm:s7], [sflag:s8] =	dma.local [spmem:s16], $0x2800  }
0x1b: {  	_ =	swait.ge [sflag:s19], $0x2800  }
0x1c: {  	[sflag:s19] =	ssyncset.done $0x0  }
0x1d: {  	[sflag:s19] =	ssyncadd.s32 $0xFFFFD800  }
.LBB2_32:
0x1e: {  	s0 =	sadd.s32 $0x1, s0;
	s7 =	rddreg [dreg:$0x8]  }
0x1f: {  	p3 =	sne.s32 s0, s7  }
.Ltmp1:
0x20: {  	_ = 	snop;
	(pc) =	sbr.rel @!p3 .LBB2_33-.Ltmp1, $1  }
0x21: {  	_ =	sdelay $0x3  }
.LBB2_1:
.Ltmp2:
0x22: {  	(pc) =	sbr.rel .LBB2_2-.Ltmp2, $2  }
0x23: {  	_ =	sdelay $0x2  }
0x24: {  	s7 =	simm.s32 $0x0  }
.LBB2_26:
0x25: {  	s7 =	sadd.s32 $0x1, s7  }
0x26: {  	p3 =	sne.s32 s7, $0x5  }
.Ltmp3:
0x27: {  	_ = 	snop;
	(pc) =	sbr.rel @!p3 .LBB2_27-.Ltmp3, $4  }
0x28: {  	_ = 	snop  }
0x29: {  	_ =	swait.ge [sflag:s29], $0x2800  }
0x2a: {  	[sflag:s29] =	ssyncset.done $0x0  }
0x2b: {  	[sflag:s29] =	ssyncadd.s32 $0xFFFFD800  }
.LBB2_2:
0x2c: {  	s8 =	sshll.u32 s7, $0xC  }
0x2d: {  	s8 =	sadd.s32 s9, s8  }
0x2e: {  	s8 =	sshrl.u32 s8, $0x3  }
0x2f: {  	s8 =	sadd.s32 s6, s8  }
0x30: {  	[tilespmem:s3], [sflag:$0x9] =	stream.linear.gather [hbm4b:s8+s3], $0xC80, $0x38;
	[tilespmem:$0x1F880] =	vst v63  }
0x31: {  	_ =	swait.ge [sflag:s19], $0xC80  }
0x32: {  	[sflag:s19] =	ssyncset.done $0x0  }
0x33: {  	s8 =	sadd.s32 $0xA000, s8;
	[sflag:s19] =	ssyncadd.s32 $0xFFFFF380  }
0x34: {  	[tilespmem:s20], [sflag:$0x9] =	stream.linear.gather [hbm4b:s8+s3], $0xC80, $0x38;
	[tilespmem:$0x1F880] =	vst v63  }
0x35: {  	_ =	swait.ge [sflag:s19], $0xC80  }
0x36: {  	s16 =	simm.s32 @!p5 $0x0;
	[sflag:s19] =	ssyncset.done $0x0  }
0x37: {  	s17 =	simm.s32 @!p5 $0x2000;
	s8 =	simm.s32 @!p5 $0x50;
	[sflag:s19] =	ssyncadd.s32 $0xFFFFF380  }
0x38: {  	[tilespmem:s17], [sflag:$0x1] =	stream.indirect.gather @!p5 [hbm4b:s1+s8], $0x80, s16, s8, $0xb8;
	[tilespmem:$0x1F880] =	vst v63  }
0x39: {  	s18 =	simm.s32 @p0 $0x2000;
	s16 =	simm.s32 @p0 $0x50;
	s17 =	simm.s32 @p0 $0x0  }
0x3a: {  	[tilespmem:s18], [sflag:$0x1] =	stream.indirect.gather @p0 [hbm4b:s4+s16], $0x80, s17, s16, $0xb8;
	[tilespmem:$0x1F880] =	vst v63  }
0x3b: {  	s17 =	simm.s32 @!p5 $0x80;
	s18 =	simm.s32 @!p5 $0x4800  }
0x3c: {  	[tilespmem:s18], [sflag:$0x2] =	stream.indirect.gather @!p5 [hbm4b:s1+s8], $0x80, s17, s8, $0xb8;
	[tilespmem:$0x1F880] =	vst v63  }
0x3d: {  	p6 =	sne.s32 s7, $0x0;
	s17 =	simm.s32 @p0 $0x80;
	s18 =	simm.s32 @p0 $0x4800  }
0x3e: {  	[tilespmem:s18], [sflag:$0x2] =	stream.indirect.gather @p0 [hbm4b:s4+s16], $0x80, s17, s16, $0xb8;
	[tilespmem:$0x1F880] =	vst v63  }
.Ltmp4:
0x3f: {  	_ = 	snop;
	(pc) =	sbr.rel @p6 .LBB2_9-.Ltmp4, $4  }
0x40: {  	s17 =	simm.s32 @!p5 $0x100;
	s18 =	simm.s32 @!p5 $0x7000  }
0x41: {  	[tilespmem:s18], [sflag:$0x3] =	stream.indirect.gather @!p5 [hbm4b:s1+s8], $0x80, s17, s8, $0xb8;
	[tilespmem:$0x1F880] =	vst v63  }
0x42: {  	s8 =	simm.s32 @p0 $0x100;
	s17 =	simm.s32 @p0 $0x7000  }
0x43: {  	[tilespmem:s17], [sflag:$0x3] =	stream.indirect.gather @p0 [hbm4b:s4+s16], $0x80, s8, s16, $0xb8;
	[tilespmem:$0x1F880] =	vst v63  }
.Ltmp5:
0x44: {  	(pc) =	sbr.rel @!p2 .LBB2_6-.Ltmp5, $1  }
0x45: {  	_ =	sdelay $0x3  }
.Ltmp6:
0x46: {  	(pc) =	sbr.rel .LBB2_5-.Ltmp6, $4  }
0x47: {  	[spmem:s22], [sflag:s21] =	dma.local [hbm:s13], $0x2700  }
0x48: {  	_ =	swait.ge [sflag:s19], $0x2700  }
0x49: {  	[sflag:s19] =	ssyncset.done $0x0  }
0x4a: {  	p6 =	por $0x0, $0x0;
	[sflag:s19] =	ssyncadd.s32 $0xFFFFD900  }
.LBB2_6:
0x4b: {  	s8 =	sld [smem:$0x7FD];
	_ =	sdelay $0x2  }
0x4c: {  	p3 =	seq.s32 s8, $0x1  }
.Ltmp7:
0x4d: {  	_ = 	snop;
	(pc) =	sbr.rel @!p3 .LBB2_5-.Ltmp7, $2  }
0x4e: {  	_ =	sdelay $0x2  }
0x4f: {  	p6 =	por p1, p1  }
.Ltmp8:
0x50: {  	s8 =	sshrl.u32 s10, $0x3;
	s16 =	simm.s32 $0x1FC9;
	(pc) =	sbr.rel .LBB2_8-.Ltmp8, $4  }
0x51: {  	[spmem:s8], [sflag:s16] =	dma.local [hbm:s11], $0x2800  }
0x52: {  	_ =	swait.ge [sflag:s19], $0x2800  }
0x53: {  	[sflag:s19] =	ssyncset.done $0x0  }
0x54: {  	p6 =	por $0x1, $0x1;
	[sflag:s19] =	ssyncadd.s32 $0xFFFFD800  }
.LBB2_5:
0x55: {  	s8 =	sshrl.u32 @p4 s12, $0x3  }
0x56: {  	[spmem:s8], [sflag:s23] =	dma.local @p4 [hbm:s14], $0x2700  }
0x57: {  	s8 =	simm.s32 @p4 $0x9  }
0x58: {  	_ =	swait.ge @p4 [sflag:s8], $0x2700  }
0x59: {  	[sflag:s8] =	ssyncset.done @p4 $0x0  }
0x5a: {  	[sflag:s8] =	ssyncadd.s32 @p4 $0xFFFFD900  }
.LBB2_8:
0x5b: {  	p6 =	por !p6, !p0  }
0x5c: {  	p6 =	por !p6, !p6  }
0x5d: {  	s8 =	sshll.u32 @p6 s5, $0x6  }
0x5e: {  	s16 =	sshrl.u32 @p6 s10, $0x3;
	s8 =	sor.u32 @p6 $0x1C09, s8  }
0x5f: {  	[spmem:s16], [sflag:s8] =	dma.local @p6 [hbm:s15], $0x2800  }
0x60: {  	s8 =	simm.s32 @p6 $0x9  }
0x61: {  	_ =	swait.ge @p6 [sflag:s8], $0x2800  }
0x62: {  	[sflag:s8] =	ssyncset.done @p6 $0x0  }
0x63: {  	[sflag:s8] =	ssyncadd.s32 @p6 $0xFFFFD800  }
0x64: {  	[bflag:$0x0] =	sbarrier.arrive $0xFFFF  }
.LBB2_9:
.Ltmp9:
0x65: {  	(pc) =	sbr.rel .LBB2_10-.Ltmp9, $2  }
0x66: {  	_ =	sdelay $0x2  }
0x67: {  	s16 =	simm.s32 $0x0;
	s8 =	simm.s32 $0x180;
	s17 =	simm.s32 $0x1000  }
.LBB2_24:
0x68: {  	[spmem:s2] =	stream.indirect.scatter.add.f32 [tilespmem:s31], [sflag:$0x8], $0x80, s17, s25, $0xb8;
	[tilespmem:$0x1F880] =	vst v63  }
.LBB2_25:
0x69: {  	s16 =	sadd.s32 $0x1, s16  }
0x6a: {  	p3 =	sne.s32 s16, $0x19  }
.Ltmp10:
0x6b: {  	_ = 	snop;
	(pc) =	sbr.rel @!p3 .LBB2_26-.Ltmp10, $2  }
0x6c: {  	_ =	sdelay $0x2  }
0x6d: {  	s8 =	sadd.s32 $0x80, s8;
	s17 =	sadd.s32 $0x80, s17  }
.LBB2_10:
0x6e: {  	s18 =	sand.u32 $0x3, s16  }
0x6f: {  	p6 =	sgt.s32 s18, $0x1  }
.Ltmp11:
0x70: {  	_ = 	snop;
	(pc) =	sbr.rel @p6 .LBB2_21-.Ltmp11, $1  }
0x71: {  	_ =	sdelay $0x3  }
0x72: {  	p6 =	seq.s32 s18, $0x0  }
.Ltmp12:
0x73: {  	_ = 	snop;
	(pc) =	sbr.rel @!p6 .LBB2_15-.Ltmp12, $1  }
0x74: {  	_ =	sdelay $0x3  }
0x75: {  	s18 =	simm.s32 @!p5 $0x1  }
0x76: {  	_ =	swait.ge @!p5 [sflag:s18], $0x2800  }
0x77: {  	p6 =	seq.s32 s16, $0x0;
	[sflag:s18] =	ssyncset.done @!p5 $0x0  }
0x78: {  	p3 =	sgt.u32 @!p6 s16, $0x15;
	[sflag:s18] =	ssyncadd.s32 @!p5 $0xFFFFD800;
	s18 =	simm.s32 @p0 $0x1  }
0x79: {  	p3 =	por p6, !p3;
	_ =	swait.ge @p0 [sflag:s18], $0x2800  }
.Ltmp13:
0x7a: {  	[sflag:s18] =	ssyncset.done @p0 $0x0;
	(pc) =	sbr.rel @!p3 .LBB2_14-.Ltmp13, $4  }
0x7b: {  	[sflag:s18] =	ssyncadd.s32 @p0 $0xFFFFD800;
	s18 =	simm.s32 @!p6 $0x8  }
0x7c: {  	_ =	swait.ge @!p6 [sflag:s18], $0x2800  }
0x7d: {  	[sflag:s18] =	ssyncset.done @!p6 $0x0  }
0x7e: {  	[sflag:s18] =	ssyncadd.s32 @!p6 $0xFFFFD800  }
0x7f: {  	s18 =	simm.s32 @!p5 $0x50;
	s24 =	simm.s32 @!p5 $0x9800  }
0x80: {  	[tilespmem:s24], [sflag:$0x4] =	stream.indirect.gather @!p5 [hbm4b:s1+s18], $0x80, s8, s18, $0xb8;
	[tilespmem:$0x1F880] =	vst v63  }
0x81: {  	s18 =	simm.s32 @p0 $0x50;
	s24 =	simm.s32 @p0 $0x9800  }
0x82: {  	[tilespmem:s24], [sflag:$0x4] =	stream.indirect.gather @p0 [hbm4b:s4+s18], $0x80, s8, s18, $0xb8;
	[tilespmem:$0x1F880] =	vst v63  }
.LBB2_14:
.Ltmp14:
0x83: {  	(pc) =	sbr.rel .LBB2_25-.Ltmp14, $2  }
0x84: {  	_ =	sdelay $0x2  }
0x85: {  	[spmem:s2] =	stream.indirect.scatter.add.f32 [tilespmem:s26], [sflag:$0x5], $0x80, s17, s25, $0xb8;
	[tilespmem:$0x1F880] =	vst v63  }
.LBB2_21:
0x86: {  	p6 =	seq.s32 s18, $0x2  }
.Ltmp15:
0x87: {  	_ = 	snop;
	(pc) =	sbr.rel @!p6 .LBB2_22-.Ltmp15, $1  }
0x88: {  	_ =	sdelay $0x3  }
0x89: {  	s18 =	simm.s32 @!p5 $0x3  }
0x8a: {  	_ =	swait.ge @!p5 [sflag:s18], $0x2800  }
0x8b: {  	p3 =	seq.s32 s16, $0x0;
	[sflag:s18] =	ssyncset.done @!p5 $0x0  }
0x8c: {  	p6 =	sgt.u32 @!p3 s16, $0x15;
	[sflag:s18] =	ssyncadd.s32 @!p5 $0xFFFFD800;
	s18 =	simm.s32 @p0 $0x3  }
0x8d: {  	p6 =	por p3, !p6;
	_ =	swait.ge @p0 [sflag:s18], $0x2800  }
.Ltmp16:
0x8e: {  	[sflag:s18] =	ssyncset.done @p0 $0x0;
	(pc) =	sbr.rel @!p6 .LBB2_20-.Ltmp16, $4  }
0x8f: {  	[sflag:s18] =	ssyncadd.s32 @p0 $0xFFFFD800;
	s18 =	simm.s32 @!p3 $0x6  }
0x90: {  	_ =	swait.ge @!p3 [sflag:s18], $0x2800  }
0x91: {  	[sflag:s18] =	ssyncset.done @!p3 $0x0  }
0x92: {  	[sflag:s18] =	ssyncadd.s32 @!p3 $0xFFFFD800  }
0x93: {  	s18 =	simm.s32 @!p5 $0x50;
	s24 =	simm.s32 @!p5 $0x4800  }
0x94: {  	[tilespmem:s24], [sflag:$0x2] =	stream.indirect.gather @!p5 [hbm4b:s1+s18], $0x80, s8, s18, $0xb8;
	[tilespmem:$0x1F880] =	vst v63  }
0x95: {  	s18 =	simm.s32 @p0 $0x50;
	s24 =	simm.s32 @p0 $0x4800  }
0x96: {  	[tilespmem:s24], [sflag:$0x2] =	stream.indirect.gather @p0 [hbm4b:s4+s18], $0x80, s8, s18, $0xb8;
	[tilespmem:$0x1F880] =	vst v63  }
.LBB2_20:
.Ltmp17:
0x97: {  	(pc) =	sbr.rel .LBB2_25-.Ltmp17, $2  }
0x98: {  	_ =	sdelay $0x2  }
0x99: {  	[spmem:s2] =	stream.indirect.scatter.add.f32 [tilespmem:s30], [sflag:$0x7], $0x80, s17, s25, $0xb8;
	[tilespmem:$0x1F880] =	vst v63  }
.LBB2_15:
0x9a: {  	s18 =	simm.s32 @!p5 $0x2  }
0x9b: {  	_ =	swait.ge @!p5 [sflag:s18], $0x2800  }
0x9c: {  	p3 =	seq.s32 s16, $0x0;
	[sflag:s18] =	ssyncset.done @!p5 $0x0  }
0x9d: {  	p6 =	slt.u32 @!p3 s16, $0x16;
	[sflag:s18] =	ssyncadd.s32 @!p5 $0xFFFFD800;
	s18 =	simm.s32 @p0 $0x2  }
0x9e: {  	p6 =	por p3, p6;
	_ =	swait.ge @p0 [sflag:s18], $0x2800  }
.Ltmp18:
0x9f: {  	[sflag:s18] =	ssyncset.done @p0 $0x0;
	(pc) =	sbr.rel @!p6 .LBB2_16-.Ltmp18, $4  }
0xa0: {  	[sflag:s18] =	ssyncadd.s32 @p0 $0xFFFFD800;
	s18 =	simm.s32 @!p3 $0x5  }
0xa1: {  	_ =	swait.ge @!p3 [sflag:s18], $0x2800  }
0xa2: {  	[sflag:s18] =	ssyncset.done @!p3 $0x0  }
0xa3: {  	[sflag:s18] =	ssyncadd.s32 @!p3 $0xFFFFD800  }
0xa4: {  	s18 =	simm.s32 @!p5 $0x50;
	s24 =	simm.s32 @!p5 $0x2000  }
0xa5: {  	[tilespmem:s24], [sflag:$0x1] =	stream.indirect.gather @!p5 [hbm4b:s1+s18], $0x80, s8, s18, $0xb8;
	[tilespmem:$0x1F880] =	vst v63  }
.Ltmp19:
0xa6: {  	_ = 	snop;
	(pc) =	sbr.rel .LBB2_25-.Ltmp19, $4  }
0xa7: {  	s18 =	simm.s32 @p0 $0x50;
	s24 =	simm.s32 @p0 $0x2000  }
0xa8: {  	[tilespmem:s24], [sflag:$0x1] =	stream.indirect.gather @p0 [hbm4b:s4+s18], $0x80, s8, s18, $0xb8;
	[tilespmem:$0x1F880] =	vst v63  }
0xa9: {  	_ = 	snop  }
0xaa: {  	[spmem:s2] =	stream.indirect.scatter.add.f32 [tilespmem:s28], [sflag:$0x6], $0x80, s17, s25, $0xb8;
	[tilespmem:$0x1F880] =	vst v63  }
.LBB2_22:
0xab: {  	s18 =	simm.s32 @!p5 $0x4  }
0xac: {  	_ =	swait.ge @!p5 [sflag:s18], $0x2800  }
0xad: {  	p3 =	seq.s32 s16, $0x0;
	[sflag:s18] =	ssyncset.done @!p5 $0x0  }
0xae: {  	p6 =	sgt.u32 @!p3 s16, $0x15;
	[sflag:s18] =	ssyncadd.s32 @!p5 $0xFFFFD800;
	s18 =	simm.s32 @p0 $0x4  }
0xaf: {  	p6 =	por p3, !p6;
	_ =	swait.ge @p0 [sflag:s18], $0x2800  }
.Ltmp20:
0xb0: {  	[sflag:s18] =	ssyncset.done @p0 $0x0;
	(pc) =	sbr.rel @!p6 .LBB2_24-.Ltmp20, $4  }
0xb1: {  	[sflag:s18] =	ssyncadd.s32 @p0 $0xFFFFD800;
	s18 =	simm.s32 @!p3 $0x7  }
0xb2: {  	_ =	swait.ge @!p3 [sflag:s18], $0x2800  }
0xb3: {  	[sflag:s18] =	ssyncset.done @!p3 $0x0  }
0xb4: {  	[sflag:s18] =	ssyncadd.s32 @!p3 $0xFFFFD800  }
.Ltmp21:
0xb5: {  	(pc) =	sbr.rel .LBB2_24-.Ltmp21, $4  }
0xb6: {  	s18 =	simm.s32 @!p5 $0x50;
	s24 =	simm.s32 @!p5 $0x7000  }
0xb7: {  	[tilespmem:s24], [sflag:$0x3] =	stream.indirect.gather @!p5 [hbm4b:s1+s18], $0x80, s8, s18, $0xb8;
	[tilespmem:$0x1F880] =	vst v63  }
0xb8: {  	s18 =	simm.s32 @p0 $0x50;
	s24 =	simm.s32 @p0 $0x7000  }
0xb9: {  	[tilespmem:s24], [sflag:$0x3] =	stream.indirect.gather @p0 [hbm4b:s4+s18], $0x80, s8, s18, $0xb8;
	[tilespmem:$0x1F880] =	vst v63  }
.LBB2_16:
.Ltmp22:
0xba: {  	(pc) =	sbr.rel .LBB2_25-.Ltmp22, $2  }
0xbb: {  	_ =	sdelay $0x2  }
0xbc: {  	[spmem:s2] =	stream.indirect.scatter.add.f32 [tilespmem:s28], [sflag:$0x6], $0x80, s17, s25, $0xb8;
	[tilespmem:$0x1F880] =	vst v63  }
.LBB2_27:
.Ltmp23:
0xbd: {  	(pc) =	sbr.rel @!p2 .LBB2_29-.Ltmp23, $2  }
0xbe: {  	_ =	sdelay $0x1  }
0xbf: {  	[bflag:$0x0] =	sbarrier.arrive $0xFFFF;
	_ =	sdelay $0x1  }
.Ltmp24:
0xc0: {  	s7 =	rddreg [dreg:$0x6];
	(pc) =	sbr.rel .LBB2_30-.Ltmp24, $4  }
0xc1: {  	[hbm:s7], [sflag:s21] =	dma.local [spmem:s22], $0x2700  }
0xc2: {  	_ =	swait.ge [sflag:s19], $0x2700  }
0xc3: {  	[sflag:s19] =	ssyncset.done $0x0  }
0xc4: {  	p6 =	por $0x0, $0x0;
	[sflag:s19] =	ssyncadd.s32 $0xFFFFD900  }
.LBB2_29:
0xc5: {  	s16 =	sld [smem:$0x7FD];
	_ =	sdelay $0x2  }
0xc6: {  	p3 =	seq.s32 s16, $0x1  }
.Ltmp25:
0xc7: {  	_ = 	snop;
	(pc) =	sbr.rel @p3 .LBB2_31-.Ltmp25, $2  }
0xc8: {  	_ =	sdelay $0x2  }
0xc9: {  	s8 =	simm.s32 $0xF;
	p6 =	por p1, p1;
	s7 =	rddreg [dreg:$0x4]  }
.LBB2_30:
0xca: {  	s7 =	sshrl.u32 @p4 s12, $0x3;
	s8 =	rddreg [dreg:$0x7];
	p3 =	por @p4 $0x1, $0x1  }
0xcb: {  	[hbm:s8], [sflag:s23] =	dma.local @p4 [spmem:s7], $0x2700  }
0xcc: {  	p3 =	por @!p4 p0, p0  }
0xcd: {  	p3 =	por !p3, !p6  }
0xce: {  	p3 =	por !p3, !p3  }
.Ltmp26:
0xcf: {  	_ = 	snop;
	(pc) =	sbr.rel @!p3 .LBB2_32-.Ltmp26, $4  }
.Ltmp27:
0xd0: {  	s7 =	simm.s32 @p4 $0x9;
	(pc) =	sbr.rel @p3 .LBB2_31-.Ltmp27, $4  }
0xd1: {  	_ =	swait.ge @p4 [sflag:s7], $0x2700  }
0xd2: {  	[sflag:s7] =	ssyncset.done @p4 $0x0  }
0xd3: {  	s8 =	stileid.u32;
	[sflag:s7] =	ssyncadd.s32 @p4 $0xFFFFD900;
	s7 =	rddreg [dreg:$0x5]  }
0xd4: {  	_ = 	snop  }
.LBB2_33:
0xd5: {  	_ =	sfence.sel $0x180000  }
0xd6: {  	[bflag:$0x0] =	sbarrier.arrive $0xFFFF  }
0xd7: {  	_ =	strace $0x9000004A  }
0xd8: {  	[bflag:$0x2] =	sbarrier.arrive $0xFFFF  }
0xd9: {  	p0 =	sne.s32 s5, $0x0;
	s0 =	rddreg [dreg:$0x3]  }
0xda: {  	s0 =	sadd.s32 @!p0 $0x100000, s0  }
0xdb: {  	[sflag:s0] =	ssyncadd.tile.s32 @!p0 $0x1;
	_ =	shalt  }
.Lfunc_end2:
_tile_overlayer_lowered:
.L_overlay_start_2:
0xdc: {  	(tag) =	ssettag $0x2  }
0xdd: {  	s0 =	rddreg [dreg:$0x0];
	s2 =	stileid.u32  }
0xde: {  	s1 =	rddreg [dreg:$0x1];
	p0 =	sne.s32 s2, $0x0  }
0xdf: {  	s3 =	rddreg [dreg:$0x2];
	[bflag:$0x3] =	sbarrier.arrive $0xFFFF;
	s2 =	simm.s32 @!p0 $0x1C09  }
0xe0: {  	[timem:s3], [sflag:s2] =	dma.local @!p0 [hbm:s0], s1  }
0xe1: {  	s0 =	simm.s32 @!p0 $0x9  }
0xe2: {  	_ =	swait.ge @!p0 [sflag:s0], s1  }
0xe3: {  	s1 =	ssub.s32 @!p0 $0x0, s1;
	[sflag:s0] =	ssyncset.done @!p0 $0x0  }
0xe4: {  	[sflag:s0] =	ssyncadd.s32 @!p0 s1  }
0xe5: {  	[bflag:$0x3] =	sbarrier.arrive $0xFFFF  }
0xe6: {  	_ =	shalt  }

// kernel: kernel.14.cloned.1.call-start
scs
__scs_entry_jumppad:
0x0: {  	(pc) =	sbr.rel $0x88, $3  }
0x1: {  	(tag) =	ssettag $0x0;
	lr =	simm.s32 $0x1  }
0x2: {  	[smem:$0x3F98] =	sst lr;
	_ =	strace $0xD0000000  }
0x3: {  	_ = 	snop  }
0x4: {  	_ = 	snop  }
0x5: {  	_ = 	snop  }
0x6: {  	_ = 	snop  }
0x7: {  	_ = 	snop  }
__scs_overlays_trampoline_lowered:
0x8: {  	[smem:$0x3FA7] =	sst s0  }
0x9: {  	[smem:$0x3FA8] =	sst s1  }
0xa: {  	[smem:$0x3FA9] =	sst s2  }
0xb: {  	[smem:$0x3FAA] =	sst s3  }
0xc: {  	[smem:$0x3FAB] =	sst s4  }
0xd: {  	[smem:$0x3FAC] =	sst s5  }
0xe: {  	[smem:$0x3FAD] =	sst s6  }
0xf: {  	[smem:$0x3FAE] =	sst s7  }
0x10: {  	[smem:$0x3FAF] =	sst s8  }
0x11: {  	[smem:$0x3FB0] =	sst s9;
	s0 =	simm.s32 @!p0 $0x0  }
0x12: {  	s1 =	sld [smem:$0x3F96];
	s0 =	simm.s32 @p0 $0x1  }
0x13: {  	[smem:$0x3FB1] =	sst s0;
	s0 =	simm.s32 @!p1 $0x0  }
0x14: {  	s2 =	sld [smem:$0x3F95];
	s0 =	simm.s32 @p1 $0x1  }
0x15: {  	[smem:$0x3FB2] =	sst s0;
	s0 =	simm.s32 @!p2 $0x0  }
0x16: {  	s3 =	sld [smem:$0x3FDB];
	s0 =	simm.s32 @p2 $0x1  }
0x17: {  	s4 =	simm.s32 $0x1BF5;
	[smem:$0x3FB4] =	sst s0  }
0x18: {  	s0 =	sld [smem:$0x3F97];
	_ =	swait.ge [sflag:s4], $0x0  }
0x19: {  	s7 =	sld [smem:$0x3F98]  }
0x1a: {  	s8 =	sadd.s32 $0xFFFFE003, lr  }
0x1b: {  	s9 =	sadd.s32 $0xFFFFFEF7, lr;
	s5 =	simm.s32 $0xFFFFFFFF;
	p2 =	slt.u32 s8, $0xFFFFF086  }
0x1c: {  	p1 =	slt.u32 s9, $0xF7A;
	s5 =	simm.s32 @!p2 $0x0  }
0x1d: {  	s5 =	simm.s32 @p1 $0x1;
	p0 =	seq.s32 s7, s2  }
0x1e: {  	s7 =	smul.u32 @!p0 $0xF7A, s2;
	p2 =	seq.s32 @!p0 s5, $0x0  }
0x1f: {  	s9 =	smul.u32 $0xF7A, s1;
	s8 =	simm.s32 @!p0 $0x1BF5;
	p2 =	por !p2, p0  }
0x20: {  	[sflag:s8] =	ssyncset.s32 @!p0 $0xFFFFF086;
	s6 =	sadd.s32 @!p0 s3, s7;
	s7 =	simm.s32 @!p0 $0x108  }
0x21: {  	s3 =	sadd.s32 s3, s9;
	s6 =	sadd.s32 @!p0 $0x88, s6;
	s7 =	simm.s32 @p2 $0x1082  }
0x22: {  	[simem:s7], [sflag:s8] =	dma.local @!p0 [hbm:s6], $0xF7A  }
0x23: {  	s9 =	sor.u32 $0xD0000000, s2;
	s6 =	simm.s32 $0x108;
	_ =	swait.ge @!p0 [sflag:s8], $0x0  }
0x24: {  	s3 =	sadd.s32 $0x88, s3;
	s6 =	simm.s32 @!p1 $0x1082;
	[sflag:s4] =	ssyncset.s32 $0xFFFFF086  }
0x25: {  	[simem:s6], [sflag:s4] =	dma.local [hbm:s3], $0xF7A  }
0x26: {  	[smem:$0x3F98] =	sst s1;
	(tag) =	ssettag s2;
	_ =	strace s9  }
0x27: {  	s1 =	sld [smem:$0x3FA8]  }
0x28: {  	s2 =	sld [smem:$0x3FA9]  }
0x29: {  	s4 =	sld [smem:$0x3FAB]  }
0x2a: {  	p0 =	seq.s32 s5, $0x0;
	s5 =	sld [smem:$0x3FAC]  }
0x2b: {  	s6 =	sld [smem:$0x3FAD]  }
0x2c: {  	s7 =	sld [smem:$0x3FAE]  }
0x2d: {  	s3 =	simm.s32 $0x108;
	s8 =	sld [smem:$0x3FAF]  }
0x2e: {  	s3 =	simm.s32 @!p0 $0x1082;
	s9 =	sld [smem:$0x3FB0]  }
0x2f: {  	lr =	sadd.s32 s0, s3;
	s0 =	sld [smem:$0x3FA7]  }
0x30: {  	s3 =	sld [smem:$0x3FAA]  }
0x31: {  	[smem:$0x3FB3] =	sst s10  }
0x32: {  	s10 =	sld [smem:$0x3FB1];
	_ =	sdelay $0x3  }
0x33: {  	p0 =	seq.s32 s10, $0x1;
	s10 =	sld [smem:$0x3FB3];
	_ =	sdelay $0x3  }
0x34: {  	[smem:$0x3FB3] =	sst s10  }
0x35: {  	s10 =	sld [smem:$0x3FB2];
	_ =	sdelay $0x3  }
0x36: {  	p1 =	seq.s32 s10, $0x1;
	s10 =	sld [smem:$0x3FB3];
	_ =	sdelay $0x3  }
0x37: {  	[smem:$0x3FB3] =	sst s10  }
0x38: {  	s10 =	sld [smem:$0x3FB4]  }
0x39: {  	_ = 	snop;
	(pc) =	sbr.ind lr, $3  }
0x3a: {  	_ = 	snop  }
0x3b: {  	_ = 	snop  }
0x3c: {  	p2 =	seq.s32 s10, $0x1;
	s10 =	sld [smem:$0x3FB3]  }
0x3d: {  	_ =	shalt  }
0x3e: {  	_ =	shalt  }
0x3f: {  	_ =	shalt  }
0x40: {  	_ =	shalt  }
0x41: {  	_ =	shalt  }
0x42: {  	_ =	shalt  }
0x43: {  	_ =	shalt  }
0x44: {  	_ =	shalt  }
0x45: {  	_ =	shalt  }
0x46: {  	_ =	shalt  }
0x47: {  	_ =	shalt  }
0x48: {  	_ =	shalt  }
0x49: {  	_ =	shalt  }
0x4a: {  	_ =	shalt  }
0x4b: {  	_ =	shalt  }
0x4c: {  	_ =	shalt  }
0x4d: {  	_ =	shalt  }
0x4e: {  	_ =	shalt  }
0x4f: {  	_ =	shalt  }
0x50: {  	_ =	shalt  }
0x51: {  	_ =	shalt  }
0x52: {  	_ =	shalt  }
0x53: {  	_ =	shalt  }
0x54: {  	_ =	shalt  }
0x55: {  	_ =	shalt  }
0x56: {  	_ =	shalt  }
0x57: {  	_ =	shalt  }
0x58: {  	_ =	shalt  }
0x59: {  	_ =	shalt  }
0x5a: {  	_ =	shalt  }
0x5b: {  	_ =	shalt  }
0x5c: {  	_ =	shalt  }
0x5d: {  	_ =	shalt  }
0x5e: {  	_ =	shalt  }
0x5f: {  	_ =	shalt  }
0x60: {  	_ =	shalt  }
0x61: {  	_ =	shalt  }
0x62: {  	_ =	shalt  }
0x63: {  	_ =	shalt  }
0x64: {  	_ =	shalt  }
0x65: {  	_ =	shalt  }
0x66: {  	_ =	shalt  }
0x67: {  	_ =	shalt  }
0x68: {  	_ =	shalt  }
0x69: {  	_ =	shalt  }
0x6a: {  	_ =	shalt  }
0x6b: {  	_ =	shalt  }
0x6c: {  	_ =	shalt  }
0x6d: {  	_ =	shalt  }
0x6e: {  	_ =	shalt  }
0x6f: {  	_ =	shalt  }
0x70: {  	_ =	shalt  }
0x71: {  	_ =	shalt  }
0x72: {  	_ =	shalt  }
0x73: {  	_ =	shalt  }
0x74: {  	_ =	shalt  }
0x75: {  	_ =	shalt  }
0x76: {  	_ =	shalt  }
0x77: {  	_ =	shalt  }
0x78: {  	_ =	shalt  }
0x79: {  	_ =	shalt  }
0x7a: {  	_ =	shalt  }
0x7b: {  	_ =	shalt  }
0x7c: {  	_ =	shalt  }
0x7d: {  	_ =	shalt  }
0x7e: {  	_ =	shalt  }
0x7f: {  	_ =	shalt  }
0x80: {  	_ =	shalt  }
0x81: {  	_ =	shalt  }
0x82: {  	_ =	shalt  }
0x83: {  	_ =	shalt  }
0x84: {  	_ =	shalt  }
0x85: {  	_ =	shalt  }
0x86: {  	_ =	shalt  }
0x87: {  	_ =	shalt  }
.Lfunc_end0:
.L_simem_size_0:
called_computation.2_lowered:
.L_overlay_start_0:
0x88: {  	s2 =	sld [smem:$0x3FD9]  }
0x89: {  	s3 =	sld [smem:$0x3FFE];
	_ =	sdelay $0x1  }
0x8a: {  	s1 =	srdreg.scid  }
0x8b: {  	s0 =	sand.u32 $0x1, s1  }
0x8c: {  	s17 =	sshll.u32 s0, $0xA;
	s2 =	sadd.s32 s3, s2  }
0x8d: {  	s2 =	sadd.s32 s2, s17  }
0x8e: {  	[smem:$0x3FBF] =	sst s2  }
0x8f: {  	_ = 	snop  }
0x90: {  	s2 =	sld [smem:$0x3FD0];
	(tm) =	ssettm $0x1  }
0x91: {  	s18 =	sld [smem:$0x3FFB];
	_ =	sdelay $0x3  }
0x92: {  	_ =	strace s18  }
0x93: {  	s3 =	sld [smem:$0x3FFC];
	_ =	sdelay $0x3  }
0x94: {  	_ =	strace s3  }
0x95: {  	s3 =	sld [smem:$0x3FFD];
	_ =	sdelay $0x3  }
0x96: {  	_ =	strace s3  }
0x97: {  	_ =	strace $0x8FFFFFFF  }
0x98: {  	s19 =	sld [smem:$0x3FDB];
	_ =	sdelay $0x1  }
0x99: {  	s4 =	simm.s32 $_scs_section_size  }
0x9a: {  	s5 =	simm.s32 $_size__tile_overlayer_lowered;
	s6 =	simm.s32 $_tile_overlayer_lowered  }
0x9b: {  	s22 =	simm.s32 $0x1BFF;
	s21 =	sshll.u32 s6, $0x1;
	s3 =	sadd.s32 s4, s19  }
0x9c: {  	s7 =	simm.s32 $0x0;
	s20 =	sshll.u32 s5, $0x1;
	s5 =	sadd.s32 s21, s3  }
0x9d: {  	[timem:s7], [sflag:s22] =	dma.local [hbm:s5], s20  }
0x9e: {  	_ =	swait.ge [sflag:s22], s20  }
0x9f: {  	s4 =	ssub.s32 $0x0, s20;
	[sflag:s22] =	ssyncset.done $0x0  }
0xa0: {  	[sflag:s22] =	ssyncadd.s32 s4;
	_ =	sdelay $0x1  }
0xa1: {  	s23 =	simm.s32 $0x1B8B  }
0xa2: {  	_ =	swait.ge [sflag:s23], $0x1  }
0xa3: {  	[sflag:s23] =	ssyncset.done $0x0  }
0xa4: {  	s25 =	simm.s32 $0x1B8E;
	s24 =	sld [smem:$0x3FFE];
	[sflag:s23] =	ssyncadd.s32 $0xFFFFFFFF  }
0xa5: {  	s26 =	simm.s32 $execute0_lowered;
	[smem:$0x3FD2] =	sst s25  }
0xa6: {  	s5 =	sshll.u32 s26, $0x1;
	_ =	strace $0x8000004C;
	[dreg:$0x1] =	wrdreg $0xFFFFFFFF  }
0xa7: {  	s28 =	simm.s32 $_size_execute0_lowered;
	s3 =	sadd.s32 s3, s5;
	[dreg:$0x0] =	wrdreg $0x0  }
0xa8: {  	s5 =	sshll.u32 s28, $0x1;
	[dreg:$0x2] =	wrdreg s3  }
0xa9: {  	[dreg:$0x3] =	wrdreg s5  }
0xaa: {  	[dreg:$0x4] =	wrdreg $0xC0  }
0xab: {  	_ =	task [dreg:s7], $0x5FFFF  }
0xac: {  	[dreg:$0x1] =	wrdreg $0xFFFFFFFF  }
0xad: {  	[dreg:$0x0] =	wrdreg $0x60  }
0xae: {  	[dreg:$0x2] =	wrdreg s2  }
0xaf: {  	[dreg:$0x3] =	wrdreg s24  }
0xb0: {  	[dreg:$0x4] =	wrdreg $0xC0000  }
0xb1: {  	[dreg:$0x5] =	wrdreg $0x9  }
0xb2: {  	_ =	task.clear_ibuf [dreg:s7], $0x6FFFF;
	_ =	strace $0x9000004C  }
0xb3: {  	s29 =	simm.s32 $0x9;
	_ =	strace $0x8000004E  }
0xb4: {  	_ =	swait.ge [sflag:s29], $0x1  }
0xb5: {  	[sflag:s29] =	ssyncadd.s32 $0xFFFFFFFF  }
0xb6: {  	_ =	strace $0x9000004E  }
0xb7: {  	_ =	sfence  }
0xb8: {  	s30 =	sld [smem:$0x0];
	_ =	sdelay $0x2  }
0xb9: {  	s31 =	sshll.u32 s1, $0xD;
	s1 =	sshrl.u32 s1, $0x2  }
0xba: {  	s3 =	sand.u32 $0x4000, s31;
	s1 =	sadd.s32 s1, s30  }
0xbb: {  	s0 =	sor.u32 s3, s0;
	s1 =	sshll.u32 s1, $0x11  }
0xbc: {  	s0 =	sor.u32 s1, s0  }
0xbd: {  	s0 =	sadd.s32 $0x8F2B, s0  }
0xbe: {  	[sflag:s0] =	ssyncadd.remote.s32 $0x1  }
0xbf: {  	_ =	sfence.sel $0xFFFF  }
0xc0: {  	[dreg:$0x0] =	wrdreg $0xFFFFFFFF;
	(pc) =	sbr.abs _section_cstart, $3  }
0xc1: {  	[dreg:$0x1] =	wrdreg $0xFFFFFFFF  }
0xc2: {  	_ =	task.clear_ibuf [dreg:s7], $0x2FFFF;
	_ =	strace $0x9FFFFFFF  }
0xc3: {  	(tm) =	ssettm $0x7FFFFFFF  }
tec
execute0_lowered:
.L_overlay_start_1:
0x0: {  	(tag) =	ssettag $0x1  }
0x1: {  	s1 =	rddreg [dreg:$0x0]  }
0x2: {  	s0 =	rddreg [dreg:$0x1]  }
0x3: {  	s2 =	rddreg [dreg:$0x2]  }
0x4: {  	s3 =	simm.s32 $0x0;
	s4 =	srdreg.scid;
	s5 =	stileid.u32  }
0x5: {  	s19 =	simm.s32 $0x9;
	s20 =	simm.s32 $0x1000;
	s28 =	simm.s32 $0x4800  }
0x6: {  	s29 =	simm.s32 $0x5;
	s30 =	simm.s32 $0x7000;
	s31 =	simm.s32 $0x9800  }
0x7: {  	[smem:$0x7FF] =	sst s3;
	s7 =	sand.u32 $0x1, s4;
	s4 =	sadd.s32 $0x19C00, s0  }
0x8: {  	s6 =	sadd.s32 $0x5C00, s0;
	s17 =	sadd.s32 $0x68000, s0;
	s18 =	sadd.s32 $0x8F200, s0  }
0x9: {  	p4 =	sne.s32 s5, $0xF;
	p1 =	seq.s32 s5, $0xF;
	s12 =	smul.u32 $0x4E000, s5  }
0xa: {  	s16 =	smul.u32 $0x2700, s5;
	s11 =	sadd.s32 $0x24900, s1;
	s15 =	sadd.s32 $0x3E500, s0  }
0xb: {  	s26 =	sshll.u32 s5, $0x6;
	_ =	strace $0x8000004D;
	s8 =	ssub.s32 $0x2, s7  }
0xc: {  	p3 =	seq.s32 s7, $0x0;
	p0 =	seq.s32 s7, $0x1;
	[dreg:$0x4] =	wrdreg s17  }
0xd: {  	[dreg:$0x5] =	wrdreg s18;
	p5 =	sne.s32 s7, $0x0;
	s21 =	sor.u32 $0x1C09, s26  }
0xe: {  	s26 =	simm.s32 $0x2000;
	s9 =	sshrl.u32 s8, $0x1;
	p2 =	por !p3, !p4  }
0xf: {  	p3 =	por !p3, !p1;
	s12 =	sshrl.u32 s12, $0x2;
	p4 =	por !p4, !p0  }
0x10: {  	s13 =	sadd.s32 s1, s16;
	s14 =	sadd.s32 s4, s16;
	s23 =	sadd.s32 s17, s16  }
0x11: {  	s24 =	sadd.s32 s18, s16;
	s8 =	ssub.s32 s8, s9;
	s9 =	smul.u32 $0x5000, s5  }
0x12: {  	p2 =	por !p2, !p2;
	p3 =	por !p3, !p3;
	s12 =	sadd.s32 s12, s2  }
.Ltmp0:
0x13: {  	p4 =	por !p4, !p4;
	[dreg:$0x6] =	wrdreg s23;
	(pc) =	sbr.rel .LBB2_1-.Ltmp0, $4  }
0x14: {  	[dreg:$0x7] =	wrdreg s24;
	s10 =	simm.s32 @!p3 $0x0;
	s25 =	smax.u32 s8, $0x1  }
0x15: {  	s22 =	sshrl.u32 s12, $0x3;
	s0 =	sshll.u32 @p4 s5, $0x6;
	s10 =	simm.s32 @p3 $0x1  }
0x16: {  	[dreg:$0x8] =	wrdreg s25;
	s23 =	sor.u32 @p4 $0x1C09, s0;
	s25 =	simm.s32 $0x50  }
0x17: {  	s0 =	simm.s32 $0x0;
	[smem:$0x7FD] =	sst s10;
	s10 =	sadd.s32 $0x124800, s2  }
.LBB2_31:
0x18: {  	s8 =	sshll.u32 s8, $0x6  }
0x19: {  	s7 =	sadd.s32 $0x24900, s7;
	s16 =	sshrl.u32 s10, $0x3;
	s8 =	sor.u32 $0x1C09, s8  }
0x1a: {  	[hbm:s7], [sflag:s8] =	dma.local [spmem:s16], $0x2800  }
0x1b: {  	_ =	swait.ge [sflag:s19], $0x2800  }
0x1c: {  	[sflag:s19] =	ssyncset.done $0x0  }
0x1d: {  	[sflag:s19] =	ssyncadd.s32 $0xFFFFD800  }
.LBB2_32:
0x1e: {  	s0 =	sadd.s32 $0x1, s0;
	s7 =	rddreg [dreg:$0x8]  }
0x1f: {  	p3 =	sne.s32 s0, s7  }
.Ltmp1:
0x20: {  	_ = 	snop;
	(pc) =	sbr.rel @!p3 .LBB2_33-.Ltmp1, $1  }
0x21: {  	_ =	sdelay $0x3  }
.LBB2_1:
.Ltmp2:
0x22: {  	(pc) =	sbr.rel .LBB2_2-.Ltmp2, $2  }
0x23: {  	_ =	sdelay $0x2  }
0x24: {  	s7 =	simm.s32 $0x0  }
.LBB2_26:
0x25: {  	s7 =	sadd.s32 $0x1, s7  }
0x26: {  	p3 =	sne.s32 s7, $0x5  }
.Ltmp3:
0x27: {  	_ = 	snop;
	(pc) =	sbr.rel @!p3 .LBB2_27-.Ltmp3, $4  }
0x28: {  	_ = 	snop  }
0x29: {  	_ =	swait.ge [sflag:s29], $0x2800  }
0x2a: {  	[sflag:s29] =	ssyncset.done $0x0  }
0x2b: {  	[sflag:s29] =	ssyncadd.s32 $0xFFFFD800  }
.LBB2_2:
0x2c: {  	s8 =	sshll.u32 s7, $0xC  }
0x2d: {  	s8 =	sadd.s32 s9, s8  }
0x2e: {  	s8 =	sshrl.u32 s8, $0x3  }
0x2f: {  	s8 =	sadd.s32 s6, s8  }
0x30: {  	[tilespmem:s3], [sflag:$0x9] =	stream.linear.gather [hbm4b:s8+s3], $0xC80, $0x38;
	[tilespmem:$0x1F880] =	vst v63  }
0x31: {  	_ =	swait.ge [sflag:s19], $0xC80  }
0x32: {  	[sflag:s19] =	ssyncset.done $0x0  }
0x33: {  	s8 =	sadd.s32 $0xA000, s8;
	[sflag:s19] =	ssyncadd.s32 $0xFFFFF380  }
0x34: {  	[tilespmem:s20], [sflag:$0x9] =	stream.linear.gather [hbm4b:s8+s3], $0xC80, $0x38;
	[tilespmem:$0x1F880] =	vst v63  }
0x35: {  	_ =	swait.ge [sflag:s19], $0xC80  }
0x36: {  	s16 =	simm.s32 @!p5 $0x0;
	[sflag:s19] =	ssyncset.done $0x0  }
0x37: {  	s17 =	simm.s32 @!p5 $0x2000;
	s8 =	simm.s32 @!p5 $0x50;
	[sflag:s19] =	ssyncadd.s32 $0xFFFFF380  }
0x38: {  	[tilespmem:s17], [sflag:$0x1] =	stream.indirect.gather @!p5 [hbm4b:s1+s8], $0x80, s16, s8, $0xb8;
	[tilespmem:$0x1F880] =	vst v63  }
0x39: {  	s18 =	simm.s32 @p0 $0x2000;
	s16 =	simm.s32 @p0 $0x50;
	s17 =	simm.s32 @p0 $0x0  }
0x3a: {  	[tilespmem:s18], [sflag:$0x1] =	stream.indirect.gather @p0 [hbm4b:s4+s16], $0x80, s17, s16, $0xb8;
	[tilespmem:$0x1F880] =	vst v63  }
0x3b: {  	s17 =	simm.s32 @!p5 $0x80;
	s18 =	simm.s32 @!p5 $0x4800  }
0x3c: {  	[tilespmem:s18], [sflag:$0x2] =	stream.indirect.gather @!p5 [hbm4b:s1+s8], $0x80, s17, s8, $0xb8;
	[tilespmem:$0x1F880] =	vst v63  }
0x3d: {  	p6 =	sne.s32 s7, $0x0;
	s17 =	simm.s32 @p0 $0x80;
	s18 =	simm.s32 @p0 $0x4800  }
0x3e: {  	[tilespmem:s18], [sflag:$0x2] =	stream.indirect.gather @p0 [hbm4b:s4+s16], $0x80, s17, s16, $0xb8;
	[tilespmem:$0x1F880] =	vst v63  }
.Ltmp4:
0x3f: {  	_ = 	snop;
	(pc) =	sbr.rel @p6 .LBB2_9-.Ltmp4, $4  }
0x40: {  	s17 =	simm.s32 @!p5 $0x100;
	s18 =	simm.s32 @!p5 $0x7000  }
0x41: {  	[tilespmem:s18], [sflag:$0x3] =	stream.indirect.gather @!p5 [hbm4b:s1+s8], $0x80, s17, s8, $0xb8;
	[tilespmem:$0x1F880] =	vst v63  }
0x42: {  	s8 =	simm.s32 @p0 $0x100;
	s17 =	simm.s32 @p0 $0x7000  }
0x43: {  	[tilespmem:s17], [sflag:$0x3] =	stream.indirect.gather @p0 [hbm4b:s4+s16], $0x80, s8, s16, $0xb8;
	[tilespmem:$0x1F880] =	vst v63  }
.Ltmp5:
0x44: {  	(pc) =	sbr.rel @!p2 .LBB2_6-.Ltmp5, $1  }
0x45: {  	_ =	sdelay $0x3  }
.Ltmp6:
0x46: {  	(pc) =	sbr.rel .LBB2_5-.Ltmp6, $4  }
0x47: {  	[spmem:s22], [sflag:s21] =	dma.local [hbm:s13], $0x2700  }
0x48: {  	_ =	swait.ge [sflag:s19], $0x2700  }
0x49: {  	[sflag:s19] =	ssyncset.done $0x0  }
0x4a: {  	p6 =	por $0x0, $0x0;
	[sflag:s19] =	ssyncadd.s32 $0xFFFFD900  }
.LBB2_6:
0x4b: {  	s8 =	sld [smem:$0x7FD];
	_ =	sdelay $0x2  }
0x4c: {  	p3 =	seq.s32 s8, $0x1  }
.Ltmp7:
0x4d: {  	_ = 	snop;
	(pc) =	sbr.rel @!p3 .LBB2_5-.Ltmp7, $2  }
0x4e: {  	_ =	sdelay $0x2  }
0x4f: {  	p6 =	por p1, p1  }
.Ltmp8:
0x50: {  	s8 =	sshrl.u32 s10, $0x3;
	s16 =	simm.s32 $0x1FC9;
	(pc) =	sbr.rel .LBB2_8-.Ltmp8, $4  }
0x51: {  	[spmem:s8], [sflag:s16] =	dma.local [hbm:s11], $0x2800  }
0x52: {  	_ =	swait.ge [sflag:s19], $0x2800  }
0x53: {  	[sflag:s19] =	ssyncset.done $0x0  }
0x54: {  	p6 =	por $0x1, $0x1;
	[sflag:s19] =	ssyncadd.s32 $0xFFFFD800  }
.LBB2_5:
0x55: {  	s8 =	sshrl.u32 @p4 s12, $0x3  }
0x56: {  	[spmem:s8], [sflag:s23] =	dma.local @p4 [hbm:s14], $0x2700  }
0x57: {  	s8 =	simm.s32 @p4 $0x9  }
0x58: {  	_ =	swait.ge @p4 [sflag:s8], $0x2700  }
0x59: {  	[sflag:s8] =	ssyncset.done @p4 $0x0  }
0x5a: {  	[sflag:s8] =	ssyncadd.s32 @p4 $0xFFFFD900  }
.LBB2_8:
0x5b: {  	p6 =	por !p6, !p0  }
0x5c: {  	p6 =	por !p6, !p6  }
0x5d: {  	s8 =	sshll.u32 @p6 s5, $0x6  }
0x5e: {  	s16 =	sshrl.u32 @p6 s10, $0x3;
	s8 =	sor.u32 @p6 $0x1C09, s8  }
0x5f: {  	[spmem:s16], [sflag:s8] =	dma.local @p6 [hbm:s15], $0x2800  }
0x60: {  	s8 =	simm.s32 @p6 $0x9  }
0x61: {  	_ =	swait.ge @p6 [sflag:s8], $0x2800  }
0x62: {  	[sflag:s8] =	ssyncset.done @p6 $0x0  }
0x63: {  	[sflag:s8] =	ssyncadd.s32 @p6 $0xFFFFD800  }
0x64: {  	[bflag:$0x0] =	sbarrier.arrive $0xFFFF  }
.LBB2_9:
.Ltmp9:
0x65: {  	(pc) =	sbr.rel .LBB2_10-.Ltmp9, $2  }
0x66: {  	_ =	sdelay $0x2  }
0x67: {  	s16 =	simm.s32 $0x0;
	s8 =	simm.s32 $0x180;
	s17 =	simm.s32 $0x1000  }
.LBB2_24:
0x68: {  	[spmem:s2] =	stream.indirect.scatter.add.f32 [tilespmem:s31], [sflag:$0x8], $0x80, s17, s25, $0xb8;
	[tilespmem:$0x1F880] =	vst v63  }
.LBB2_25:
0x69: {  	s16 =	sadd.s32 $0x1, s16  }
0x6a: {  	p3 =	sne.s32 s16, $0x19  }
.Ltmp10:
0x6b: {  	_ = 	snop;
	(pc) =	sbr.rel @!p3 .LBB2_26-.Ltmp10, $2  }
0x6c: {  	_ =	sdelay $0x2  }
0x6d: {  	s8 =	sadd.s32 $0x80, s8;
	s17 =	sadd.s32 $0x80, s17  }
.LBB2_10:
0x6e: {  	s18 =	sand.u32 $0x3, s16  }
0x6f: {  	p6 =	sgt.s32 s18, $0x1  }
.Ltmp11:
0x70: {  	_ = 	snop;
	(pc) =	sbr.rel @p6 .LBB2_21-.Ltmp11, $1  }
0x71: {  	_ =	sdelay $0x3  }
0x72: {  	p6 =	seq.s32 s18, $0x0  }
.Ltmp12:
0x73: {  	_ = 	snop;
	(pc) =	sbr.rel @!p6 .LBB2_15-.Ltmp12, $1  }
0x74: {  	_ =	sdelay $0x3  }
0x75: {  	s18 =	simm.s32 @!p5 $0x1  }
0x76: {  	_ =	swait.ge @!p5 [sflag:s18], $0x2800  }
0x77: {  	p6 =	seq.s32 s16, $0x0;
	[sflag:s18] =	ssyncset.done @!p5 $0x0  }
0x78: {  	p3 =	sgt.u32 @!p6 s16, $0x15;
	[sflag:s18] =	ssyncadd.s32 @!p5 $0xFFFFD800;
	s18 =	simm.s32 @p0 $0x1  }
0x79: {  	p3 =	por p6, !p3;
	_ =	swait.ge @p0 [sflag:s18], $0x2800  }
.Ltmp13:
0x7a: {  	[sflag:s18] =	ssyncset.done @p0 $0x0;
	(pc) =	sbr.rel @!p3 .LBB2_14-.Ltmp13, $4  }
0x7b: {  	[sflag:s18] =	ssyncadd.s32 @p0 $0xFFFFD800;
	s18 =	simm.s32 @!p6 $0x8  }
0x7c: {  	_ =	swait.ge @!p6 [sflag:s18], $0x2800  }
0x7d: {  	[sflag:s18] =	ssyncset.done @!p6 $0x0  }
0x7e: {  	[sflag:s18] =	ssyncadd.s32 @!p6 $0xFFFFD800  }
0x7f: {  	s18 =	simm.s32 @!p5 $0x50;
	s24 =	simm.s32 @!p5 $0x9800  }
0x80: {  	[tilespmem:s24], [sflag:$0x4] =	stream.indirect.gather @!p5 [hbm4b:s1+s18], $0x80, s8, s18, $0xb8;
	[tilespmem:$0x1F880] =	vst v63  }
0x81: {  	s18 =	simm.s32 @p0 $0x50;
	s24 =	simm.s32 @p0 $0x9800  }
0x82: {  	[tilespmem:s24], [sflag:$0x4] =	stream.indirect.gather @p0 [hbm4b:s4+s18], $0x80, s8, s18, $0xb8;
	[tilespmem:$0x1F880] =	vst v63  }
.LBB2_14:
.Ltmp14:
0x83: {  	(pc) =	sbr.rel .LBB2_25-.Ltmp14, $2  }
0x84: {  	_ =	sdelay $0x2  }
0x85: {  	[spmem:s2] =	stream.indirect.scatter.add.f32 [tilespmem:s26], [sflag:$0x5], $0x80, s17, s25, $0xb8;
	[tilespmem:$0x1F880] =	vst v63  }
.LBB2_21:
0x86: {  	p6 =	seq.s32 s18, $0x2  }
.Ltmp15:
0x87: {  	_ = 	snop;
	(pc) =	sbr.rel @!p6 .LBB2_22-.Ltmp15, $1  }
0x88: {  	_ =	sdelay $0x3  }
0x89: {  	s18 =	simm.s32 @!p5 $0x3  }
0x8a: {  	_ =	swait.ge @!p5 [sflag:s18], $0x2800  }
0x8b: {  	p3 =	seq.s32 s16, $0x0;
	[sflag:s18] =	ssyncset.done @!p5 $0x0  }
0x8c: {  	p6 =	sgt.u32 @!p3 s16, $0x15;
	[sflag:s18] =	ssyncadd.s32 @!p5 $0xFFFFD800;
	s18 =	simm.s32 @p0 $0x3  }
0x8d: {  	p6 =	por p3, !p6;
	_ =	swait.ge @p0 [sflag:s18], $0x2800  }
.Ltmp16:
0x8e: {  	[sflag:s18] =	ssyncset.done @p0 $0x0;
	(pc) =	sbr.rel @!p6 .LBB2_20-.Ltmp16, $4  }
0x8f: {  	[sflag:s18] =	ssyncadd.s32 @p0 $0xFFFFD800;
	s18 =	simm.s32 @!p3 $0x6  }
0x90: {  	_ =	swait.ge @!p3 [sflag:s18], $0x2800  }
0x91: {  	[sflag:s18] =	ssyncset.done @!p3 $0x0  }
0x92: {  	[sflag:s18] =	ssyncadd.s32 @!p3 $0xFFFFD800  }
0x93: {  	s18 =	simm.s32 @!p5 $0x50;
	s24 =	simm.s32 @!p5 $0x4800  }
0x94: {  	[tilespmem:s24], [sflag:$0x2] =	stream.indirect.gather @!p5 [hbm4b:s1+s18], $0x80, s8, s18, $0xb8;
	[tilespmem:$0x1F880] =	vst v63  }
0x95: {  	s18 =	simm.s32 @p0 $0x50;
	s24 =	simm.s32 @p0 $0x4800  }
0x96: {  	[tilespmem:s24], [sflag:$0x2] =	stream.indirect.gather @p0 [hbm4b:s4+s18], $0x80, s8, s18, $0xb8;
	[tilespmem:$0x1F880] =	vst v63  }
.LBB2_20:
.Ltmp17:
0x97: {  	(pc) =	sbr.rel .LBB2_25-.Ltmp17, $2  }
0x98: {  	_ =	sdelay $0x2  }
0x99: {  	[spmem:s2] =	stream.indirect.scatter.add.f32 [tilespmem:s30], [sflag:$0x7], $0x80, s17, s25, $0xb8;
	[tilespmem:$0x1F880] =	vst v63  }
.LBB2_15:
0x9a: {  	s18 =	simm.s32 @!p5 $0x2  }
0x9b: {  	_ =	swait.ge @!p5 [sflag:s18], $0x2800  }
0x9c: {  	p3 =	seq.s32 s16, $0x0;
	[sflag:s18] =	ssyncset.done @!p5 $0x0  }
0x9d: {  	p6 =	slt.u32 @!p3 s16, $0x16;
	[sflag:s18] =	ssyncadd.s32 @!p5 $0xFFFFD800;
	s18 =	simm.s32 @p0 $0x2  }
0x9e: {  	p6 =	por p3, p6;
	_ =	swait.ge @p0 [sflag:s18], $0x2800  }
.Ltmp18:
0x9f: {  	[sflag:s18] =	ssyncset.done @p0 $0x0;
	(pc) =	sbr.rel @!p6 .LBB2_16-.Ltmp18, $4  }
0xa0: {  	[sflag:s18] =	ssyncadd.s32 @p0 $0xFFFFD800;
	s18 =	simm.s32 @!p3 $0x5  }
0xa1: {  	_ =	swait.ge @!p3 [sflag:s18], $0x2800  }
0xa2: {  	[sflag:s18] =	ssyncset.done @!p3 $0x0  }
0xa3: {  	[sflag:s18] =	ssyncadd.s32 @!p3 $0xFFFFD800  }
0xa4: {  	s18 =	simm.s32 @!p5 $0x50;
	s24 =	simm.s32 @!p5 $0x2000  }
0xa5: {  	[tilespmem:s24], [sflag:$0x1] =	stream.indirect.gather @!p5 [hbm4b:s1+s18], $0x80, s8, s18, $0xb8;
	[tilespmem:$0x1F880] =	vst v63  }
.Ltmp19:
0xa6: {  	_ = 	snop;
	(pc) =	sbr.rel .LBB2_25-.Ltmp19, $4  }
0xa7: {  	s18 =	simm.s32 @p0 $0x50;
	s24 =	simm.s32 @p0 $0x2000  }
0xa8: {  	[tilespmem:s24], [sflag:$0x1] =	stream.indirect.gather @p0 [hbm4b:s4+s18], $0x80, s8, s18, $0xb8;
	[tilespmem:$0x1F880] =	vst v63  }
0xa9: {  	_ = 	snop  }
0xaa: {  	[spmem:s2] =	stream.indirect.scatter.add.f32 [tilespmem:s28], [sflag:$0x6], $0x80, s17, s25, $0xb8;
	[tilespmem:$0x1F880] =	vst v63  }
.LBB2_22:
0xab: {  	s18 =	simm.s32 @!p5 $0x4  }
0xac: {  	_ =	swait.ge @!p5 [sflag:s18], $0x2800  }
0xad: {  	p3 =	seq.s32 s16, $0x0;
	[sflag:s18] =	ssyncset.done @!p5 $0x0  }
0xae: {  	p6 =	sgt.u32 @!p3 s16, $0x15;
	[sflag:s18] =	ssyncadd.s32 @!p5 $0xFFFFD800;
	s18 =	simm.s32 @p0 $0x4  }
0xaf: {  	p6 =	por p3, !p6;
	_ =	swait.ge @p0 [sflag:s18], $0x2800  }
.Ltmp20:
0xb0: {  	[sflag:s18] =	ssyncset.done @p0 $0x0;
	(pc) =	sbr.rel @!p6 .LBB2_24-.Ltmp20, $4  }
0xb1: {  	[sflag:s18] =	ssyncadd.s32 @p0 $0xFFFFD800;
	s18 =	simm.s32 @!p3 $0x7  }
0xb2: {  	_ =	swait.ge @!p3 [sflag:s18], $0x2800  }
0xb3: {  	[sflag:s18] =	ssyncset.done @!p3 $0x0  }
0xb4: {  	[sflag:s18] =	ssyncadd.s32 @!p3 $0xFFFFD800  }
.Ltmp21:
0xb5: {  	(pc) =	sbr.rel .LBB2_24-.Ltmp21, $4  }
0xb6: {  	s18 =	simm.s32 @!p5 $0x50;
	s24 =	simm.s32 @!p5 $0x7000  }
0xb7: {  	[tilespmem:s24], [sflag:$0x3] =	stream.indirect.gather @!p5 [hbm4b:s1+s18], $0x80, s8, s18, $0xb8;
	[tilespmem:$0x1F880] =	vst v63  }
0xb8: {  	s18 =	simm.s32 @p0 $0x50;
	s24 =	simm.s32 @p0 $0x7000  }
0xb9: {  	[tilespmem:s24], [sflag:$0x3] =	stream.indirect.gather @p0 [hbm4b:s4+s18], $0x80, s8, s18, $0xb8;
	[tilespmem:$0x1F880] =	vst v63  }
.LBB2_16:
.Ltmp22:
0xba: {  	(pc) =	sbr.rel .LBB2_25-.Ltmp22, $2  }
0xbb: {  	_ =	sdelay $0x2  }
0xbc: {  	[spmem:s2] =	stream.indirect.scatter.add.f32 [tilespmem:s28], [sflag:$0x6], $0x80, s17, s25, $0xb8;
	[tilespmem:$0x1F880] =	vst v63  }
.LBB2_27:
.Ltmp23:
0xbd: {  	(pc) =	sbr.rel @!p2 .LBB2_29-.Ltmp23, $2  }
0xbe: {  	_ =	sdelay $0x1  }
0xbf: {  	[bflag:$0x0] =	sbarrier.arrive $0xFFFF;
	_ =	sdelay $0x1  }
.Ltmp24:
0xc0: {  	s7 =	rddreg [dreg:$0x6];
	(pc) =	sbr.rel .LBB2_30-.Ltmp24, $4  }
0xc1: {  	[hbm:s7], [sflag:s21] =	dma.local [spmem:s22], $0x2700  }
0xc2: {  	_ =	swait.ge [sflag:s19], $0x2700  }
0xc3: {  	[sflag:s19] =	ssyncset.done $0x0  }
0xc4: {  	p6 =	por $0x0, $0x0;
	[sflag:s19] =	ssyncadd.s32 $0xFFFFD900  }
.LBB2_29:
0xc5: {  	s16 =	sld [smem:$0x7FD];
	_ =	sdelay $0x2  }
0xc6: {  	p3 =	seq.s32 s16, $0x1  }
.Ltmp25:
0xc7: {  	_ = 	snop;
	(pc) =	sbr.rel @p3 .LBB2_31-.Ltmp25, $2  }
0xc8: {  	_ =	sdelay $0x2  }
0xc9: {  	s8 =	simm.s32 $0xF;
	p6 =	por p1, p1;
	s7 =	rddreg [dreg:$0x4]  }
.LBB2_30:
0xca: {  	s7 =	sshrl.u32 @p4 s12, $0x3;
	s8 =	rddreg [dreg:$0x7];
	p3 =	por @p4 $0x1, $0x1  }
0xcb: {  	[hbm:s8], [sflag:s23] =	dma.local @p4 [spmem:s7], $0x2700  }
0xcc: {  	p3 =	por @!p4 p0, p0  }
0xcd: {  	p3 =	por !p3, !p6  }
0xce: {  	p3 =	por !p3, !p3  }
.Ltmp26:
0xcf: {  	_ = 	snop;
	(pc) =	sbr.rel @!p3 .LBB2_32-.Ltmp26, $4  }
.Ltmp27:
0xd0: {  	s7 =	simm.s32 @p4 $0x9;
	(pc) =	sbr.rel @p3 .LBB2_31-.Ltmp27, $4  }
0xd1: {  	_ =	swait.ge @p4 [sflag:s7], $0x2700  }
0xd2: {  	[sflag:s7] =	ssyncset.done @p4 $0x0  }
0xd3: {  	s8 =	stileid.u32;
	[sflag:s7] =	ssyncadd.s32 @p4 $0xFFFFD900;
	s7 =	rddreg [dreg:$0x5]  }
0xd4: {  	_ = 	snop  }
.LBB2_33:
0xd5: {  	_ =	sfence.sel $0x180000  }
0xd6: {  	[bflag:$0x0] =	sbarrier.arrive $0xFFFF  }
0xd7: {  	_ =	strace $0x9000004D  }
0xd8: {  	[bflag:$0x2] =	sbarrier.arrive $0xFFFF  }
0xd9: {  	p0 =	sne.s32 s5, $0x0;
	s0 =	rddreg [dreg:$0x3]  }
0xda: {  	s0 =	sadd.s32 @!p0 $0x100000, s0  }
0xdb: {  	[sflag:s0] =	ssyncadd.tile.s32 @!p0 $0x1;
	_ =	shalt  }
.Lfunc_end2:
_tile_overlayer_lowered:
.L_overlay_start_2:
0xdc: {  	(tag) =	ssettag $0x2  }
0xdd: {  	s0 =	rddreg [dreg:$0x0];
	s2 =	stileid.u32  }
0xde: {  	s1 =	rddreg [dreg:$0x1];
	p0 =	sne.s32 s2, $0x0  }
0xdf: {  	s3 =	rddreg [dreg:$0x2];
	[bflag:$0x3] =	sbarrier.arrive $0xFFFF;
	s2 =	simm.s32 @!p0 $0x1C09  }
0xe0: {  	[timem:s3], [sflag:s2] =	dma.local @!p0 [hbm:s0], s1  }
0xe1: {  	s0 =	simm.s32 @!p0 $0x9  }
0xe2: {  	_ =	swait.ge @!p0 [sflag:s0], s1  }
0xe3: {  	s1 =	ssub.s32 @!p0 $0x0, s1;
	[sflag:s0] =	ssyncset.done @!p0 $0x0  }
0xe4: {  	[sflag:s0] =	ssyncadd.s32 @!p0 s1  }
0xe5: {  	[bflag:$0x3] =	sbarrier.arrive $0xFFFF  }
0xe6: {  	_ =	shalt  }

// kernel: kernel.8.cloned.1.call-start
scs
__scs_entry_jumppad:
0x0: {  	(pc) =	sbr.rel $0x88, $3  }
0x1: {  	(tag) =	ssettag $0x0;
	lr =	simm.s32 $0x1  }
0x2: {  	[smem:$0x3F98] =	sst lr;
	_ =	strace $0xD0000000  }
0x3: {  	_ = 	snop  }
0x4: {  	_ = 	snop  }
0x5: {  	_ = 	snop  }
0x6: {  	_ = 	snop  }
0x7: {  	_ = 	snop  }
__scs_overlays_trampoline_lowered:
0x8: {  	[smem:$0x3FA7] =	sst s0  }
0x9: {  	[smem:$0x3FA8] =	sst s1  }
0xa: {  	[smem:$0x3FA9] =	sst s2  }
0xb: {  	[smem:$0x3FAA] =	sst s3  }
0xc: {  	[smem:$0x3FAB] =	sst s4  }
0xd: {  	[smem:$0x3FAC] =	sst s5  }
0xe: {  	[smem:$0x3FAD] =	sst s6  }
0xf: {  	[smem:$0x3FAE] =	sst s7  }
0x10: {  	[smem:$0x3FAF] =	sst s8  }
0x11: {  	[smem:$0x3FB0] =	sst s9;
	s0 =	simm.s32 @!p0 $0x0  }
0x12: {  	s1 =	sld [smem:$0x3F96];
	s0 =	simm.s32 @p0 $0x1  }
0x13: {  	[smem:$0x3FB1] =	sst s0;
	s0 =	simm.s32 @!p1 $0x0  }
0x14: {  	s2 =	sld [smem:$0x3F95];
	s0 =	simm.s32 @p1 $0x1  }
0x15: {  	[smem:$0x3FB2] =	sst s0;
	s0 =	simm.s32 @!p2 $0x0  }
0x16: {  	s3 =	sld [smem:$0x3FDB];
	s0 =	simm.s32 @p2 $0x1  }
0x17: {  	s4 =	simm.s32 $0x1BF5;
	[smem:$0x3FB4] =	sst s0  }
0x18: {  	s0 =	sld [smem:$0x3F97];
	_ =	swait.ge [sflag:s4], $0x0  }
0x19: {  	s7 =	sld [smem:$0x3F98]  }
0x1a: {  	s8 =	sadd.s32 $0xFFFFE003, lr  }
0x1b: {  	s9 =	sadd.s32 $0xFFFFFEF7, lr;
	s5 =	simm.s32 $0xFFFFFFFF;
	p2 =	slt.u32 s8, $0xFFFFF086  }
0x1c: {  	p1 =	slt.u32 s9, $0xF7A;
	s5 =	simm.s32 @!p2 $0x0  }
0x1d: {  	s5 =	simm.s32 @p1 $0x1;
	p0 =	seq.s32 s7, s2  }
0x1e: {  	s7 =	smul.u32 @!p0 $0xF7A, s2;
	p2 =	seq.s32 @!p0 s5, $0x0  }
0x1f: {  	s9 =	smul.u32 $0xF7A, s1;
	s8 =	simm.s32 @!p0 $0x1BF5;
	p2 =	por !p2, p0  }
0x20: {  	[sflag:s8] =	ssyncset.s32 @!p0 $0xFFFFF086;
	s6 =	sadd.s32 @!p0 s3, s7;
	s7 =	simm.s32 @!p0 $0x108  }
0x21: {  	s3 =	sadd.s32 s3, s9;
	s6 =	sadd.s32 @!p0 $0x88, s6;
	s7 =	simm.s32 @p2 $0x1082  }
0x22: {  	[simem:s7], [sflag:s8] =	dma.local @!p0 [hbm:s6], $0xF7A  }
0x23: {  	s9 =	sor.u32 $0xD0000000, s2;
	s6 =	simm.s32 $0x108;
	_ =	swait.ge @!p0 [sflag:s8], $0x0  }
0x24: {  	s3 =	sadd.s32 $0x88, s3;
	s6 =	simm.s32 @!p1 $0x1082;
	[sflag:s4] =	ssyncset.s32 $0xFFFFF086  }
0x25: {  	[simem:s6], [sflag:s4] =	dma.local [hbm:s3], $0xF7A  }
0x26: {  	[smem:$0x3F98] =	sst s1;
	(tag) =	ssettag s2;
	_ =	strace s9  }
0x27: {  	s1 =	sld [smem:$0x3FA8]  }
0x28: {  	s2 =	sld [smem:$0x3FA9]  }
0x29: {  	s4 =	sld [smem:$0x3FAB]  }
0x2a: {  	p0 =	seq.s32 s5, $0x0;
	s5 =	sld [smem:$0x3FAC]  }
0x2b: {  	s6 =	sld [smem:$0x3FAD]  }
0x2c: {  	s7 =	sld [smem:$0x3FAE]  }
0x2d: {  	s3 =	simm.s32 $0x108;
	s8 =	sld [smem:$0x3FAF]  }
0x2e: {  	s3 =	simm.s32 @!p0 $0x1082;
	s9 =	sld [smem:$0x3FB0]  }
0x2f: {  	lr =	sadd.s32 s0, s3;
	s0 =	sld [smem:$0x3FA7]  }
0x30: {  	s3 =	sld [smem:$0x3FAA]  }
0x31: {  	[smem:$0x3FB3] =	sst s10  }
0x32: {  	s10 =	sld [smem:$0x3FB1];
	_ =	sdelay $0x3  }
0x33: {  	p0 =	seq.s32 s10, $0x1;
	s10 =	sld [smem:$0x3FB3];
	_ =	sdelay $0x3  }
0x34: {  	[smem:$0x3FB3] =	sst s10  }
0x35: {  	s10 =	sld [smem:$0x3FB2];
	_ =	sdelay $0x3  }
0x36: {  	p1 =	seq.s32 s10, $0x1;
	s10 =	sld [smem:$0x3FB3];
	_ =	sdelay $0x3  }
0x37: {  	[smem:$0x3FB3] =	sst s10  }
0x38: {  	s10 =	sld [smem:$0x3FB4]  }
0x39: {  	_ = 	snop;
	(pc) =	sbr.ind lr, $3  }
0x3a: {  	_ = 	snop  }
0x3b: {  	_ = 	snop  }
0x3c: {  	p2 =	seq.s32 s10, $0x1;
	s10 =	sld [smem:$0x3FB3]  }
0x3d: {  	_ =	shalt  }
0x3e: {  	_ =	shalt  }
0x3f: {  	_ =	shalt  }
0x40: {  	_ =	shalt  }
0x41: {  	_ =	shalt  }
0x42: {  	_ =	shalt  }
0x43: {  	_ =	shalt  }
0x44: {  	_ =	shalt  }
0x45: {  	_ =	shalt  }
0x46: {  	_ =	shalt  }
0x47: {  	_ =	shalt  }
0x48: {  	_ =	shalt  }
0x49: {  	_ =	shalt  }
0x4a: {  	_ =	shalt  }
0x4b: {  	_ =	shalt  }
0x4c: {  	_ =	shalt  }
0x4d: {  	_ =	shalt  }
0x4e: {  	_ =	shalt  }
0x4f: {  	_ =	shalt  }
0x50: {  	_ =	shalt  }
0x51: {  	_ =	shalt  }
0x52: {  	_ =	shalt  }
0x53: {  	_ =	shalt  }
0x54: {  	_ =	shalt  }
0x55: {  	_ =	shalt  }
0x56: {  	_ =	shalt  }
0x57: {  	_ =	shalt  }
0x58: {  	_ =	shalt  }
0x59: {  	_ =	shalt  }
0x5a: {  	_ =	shalt  }
0x5b: {  	_ =	shalt  }
0x5c: {  	_ =	shalt  }
0x5d: {  	_ =	shalt  }
0x5e: {  	_ =	shalt  }
0x5f: {  	_ =	shalt  }
0x60: {  	_ =	shalt  }
0x61: {  	_ =	shalt  }
0x62: {  	_ =	shalt  }
0x63: {  	_ =	shalt  }
0x64: {  	_ =	shalt  }
0x65: {  	_ =	shalt  }
0x66: {  	_ =	shalt  }
0x67: {  	_ =	shalt  }
0x68: {  	_ =	shalt  }
0x69: {  	_ =	shalt  }
0x6a: {  	_ =	shalt  }
0x6b: {  	_ =	shalt  }
0x6c: {  	_ =	shalt  }
0x6d: {  	_ =	shalt  }
0x6e: {  	_ =	shalt  }
0x6f: {  	_ =	shalt  }
0x70: {  	_ =	shalt  }
0x71: {  	_ =	shalt  }
0x72: {  	_ =	shalt  }
0x73: {  	_ =	shalt  }
0x74: {  	_ =	shalt  }
0x75: {  	_ =	shalt  }
0x76: {  	_ =	shalt  }
0x77: {  	_ =	shalt  }
0x78: {  	_ =	shalt  }
0x79: {  	_ =	shalt  }
0x7a: {  	_ =	shalt  }
0x7b: {  	_ =	shalt  }
0x7c: {  	_ =	shalt  }
0x7d: {  	_ =	shalt  }
0x7e: {  	_ =	shalt  }
0x7f: {  	_ =	shalt  }
0x80: {  	_ =	shalt  }
0x81: {  	_ =	shalt  }
0x82: {  	_ =	shalt  }
0x83: {  	_ =	shalt  }
0x84: {  	_ =	shalt  }
0x85: {  	_ =	shalt  }
0x86: {  	_ =	shalt  }
0x87: {  	_ =	shalt  }
.Lfunc_end0:
.L_simem_size_0:
called_computation_lowered:
.L_overlay_start_0:
0x88: {  	s2 =	sld [smem:$0x3FD9]  }
0x89: {  	s3 =	sld [smem:$0x3FFE];
	_ =	sdelay $0x1  }
0x8a: {  	s1 =	srdreg.scid  }
0x8b: {  	s0 =	sand.u32 $0x1, s1  }
0x8c: {  	s17 =	sshll.u32 s0, $0xA;
	s2 =	sadd.s32 s3, s2  }
0x8d: {  	s2 =	sadd.s32 s2, s17  }
0x8e: {  	[smem:$0x3FBF] =	sst s2  }
0x8f: {  	_ = 	snop  }
0x90: {  	s2 =	sld [smem:$0x3FD0];
	(tm) =	ssettm $0x1  }
0x91: {  	s18 =	sld [smem:$0x3FFB];
	_ =	sdelay $0x3  }
0x92: {  	_ =	strace s18  }
0x93: {  	s3 =	sld [smem:$0x3FFC];
	_ =	sdelay $0x3  }
0x94: {  	_ =	strace s3  }
0x95: {  	s3 =	sld [smem:$0x3FFD];
	_ =	sdelay $0x3  }
0x96: {  	_ =	strace s3  }
0x97: {  	_ =	strace $0x8FFFFFFF  }
0x98: {  	s19 =	sld [smem:$0x3FDB];
	_ =	sdelay $0x1  }
0x99: {  	s4 =	simm.s32 $_scs_section_size  }
0x9a: {  	s5 =	simm.s32 $_size__tile_overlayer_lowered;
	s6 =	simm.s32 $_tile_overlayer_lowered  }
0x9b: {  	s22 =	simm.s32 $0x1BFF;
	s21 =	sshll.u32 s6, $0x1;
	s3 =	sadd.s32 s4, s19  }
0x9c: {  	s7 =	simm.s32 $0x0;
	s20 =	sshll.u32 s5, $0x1;
	s5 =	sadd.s32 s21, s3  }
0x9d: {  	[timem:s7], [sflag:s22] =	dma.local [hbm:s5], s20  }
0x9e: {  	_ =	swait.ge [sflag:s22], s20  }
0x9f: {  	s4 =	ssub.s32 $0x0, s20;
	[sflag:s22] =	ssyncset.done $0x0  }
0xa0: {  	[sflag:s22] =	ssyncadd.s32 s4;
	_ =	sdelay $0x1  }
0xa1: {  	s23 =	simm.s32 $0x1B8B  }
0xa2: {  	_ =	swait.ge [sflag:s23], $0x1  }
0xa3: {  	[sflag:s23] =	ssyncset.done $0x0  }
0xa4: {  	s25 =	simm.s32 $0x1B8E;
	s24 =	sld [smem:$0x3FFE];
	[sflag:s23] =	ssyncadd.s32 $0xFFFFFFFF  }
0xa5: {  	s26 =	simm.s32 $execute0_lowered;
	[smem:$0x3FD2] =	sst s25  }
0xa6: {  	s5 =	sshll.u32 s26, $0x1;
	_ =	strace $0x80000046;
	[dreg:$0x1] =	wrdreg $0xFFFFFFFF  }
0xa7: {  	s28 =	simm.s32 $_size_execute0_lowered;
	s3 =	sadd.s32 s3, s5;
	[dreg:$0x0] =	wrdreg $0x0  }
0xa8: {  	s5 =	sshll.u32 s28, $0x1;
	[dreg:$0x2] =	wrdreg s3  }
0xa9: {  	[dreg:$0x3] =	wrdreg s5  }
0xaa: {  	[dreg:$0x4] =	wrdreg $0xC0  }
0xab: {  	_ =	task [dreg:s7], $0x5FFFF  }
0xac: {  	[dreg:$0x1] =	wrdreg $0xFFFFFFFF  }
0xad: {  	[dreg:$0x0] =	wrdreg $0x60  }
0xae: {  	[dreg:$0x2] =	wrdreg s2  }
0xaf: {  	[dreg:$0x3] =	wrdreg s24  }
0xb0: {  	[dreg:$0x4] =	wrdreg $0x40800  }
0xb1: {  	[dreg:$0x5] =	wrdreg $0x9  }
0xb2: {  	_ =	task.clear_ibuf [dreg:s7], $0x6FFFF;
	_ =	strace $0x90000046  }
0xb3: {  	s29 =	simm.s32 $0x9;
	_ =	strace $0x80000048  }
0xb4: {  	_ =	swait.ge [sflag:s29], $0x1  }
0xb5: {  	[sflag:s29] =	ssyncadd.s32 $0xFFFFFFFF  }
0xb6: {  	_ =	strace $0x90000048  }
0xb7: {  	_ =	sfence  }
0xb8: {  	s30 =	sld [smem:$0x0];
	_ =	sdelay $0x2  }
0xb9: {  	s31 =	sshll.u32 s1, $0xD;
	s1 =	sshrl.u32 s1, $0x2  }
0xba: {  	s3 =	sand.u32 $0x4000, s31;
	s1 =	sadd.s32 s1, s30  }
0xbb: {  	s0 =	sor.u32 s3, s0;
	s1 =	sshll.u32 s1, $0x11  }
0xbc: {  	s0 =	sor.u32 s1, s0  }
0xbd: {  	s0 =	sadd.s32 $0x8F2B, s0  }
0xbe: {  	[sflag:s0] =	ssyncadd.remote.s32 $0x1  }
0xbf: {  	_ =	sfence.sel $0xFFFF  }
0xc0: {  	[dreg:$0x0] =	wrdreg $0xFFFFFFFF;
	(pc) =	sbr.abs _section_cstart, $3  }
0xc1: {  	[dreg:$0x1] =	wrdreg $0xFFFFFFFF  }
0xc2: {  	_ =	task.clear_ibuf [dreg:s7], $0x2FFFF;
	_ =	strace $0x9FFFFFFF  }
0xc3: {  	(tm) =	ssettm $0x7FFFFFFF  }
tec
execute0_lowered:
.L_overlay_start_1:
0x0: {  	(tag) =	ssettag $0x1  }
0x1: {  	s7 =	rddreg [dreg:$0x0]  }
0x2: {  	s6 =	rddreg [dreg:$0x1]  }
0x3: {  	s1 =	rddreg [dreg:$0x2]  }
0x4: {  	s0 =	rddreg [dreg:$0x3]  }
0x5: {  	s2 =	simm.s32 $0x0;
	s8 =	srdreg.scid;
	s12 =	stileid.u32  }
0x6: {  	s17 =	simm.s32 $0x0;
	[smem:$0x7FF] =	sst s2;
	s3 =	sadd.s32 $0x4800, s6  }
0x7: {  	s4 =	sadd.s32 $0x4A00, s6;
	s5 =	sadd.s32 $0x5000, s6;
	s8 =	sand.u32 $0x1, s8  }
0x8: {  	s6 =	sadd.s32 $0x5600, s6;
	s10 =	sshll.u32 s12, $0xB;
	p0 =	seq.s32 s12, $0x0  }
0x9: {  	_ =	strace $0x80000047;
	s9 =	ssub.s32 $0x2, s8;
	s13 =	sshll.u32 s8, $0xF  }
0xa: {  	s7 =	sadd.s32 s10, s7;
	p1 =	seq.s32 s8, $0x1;
	s31 =	sor.u32 s8, s12  }
0xb: {  	s10 =	simm.s32 $0x4000;
	s11 =	sshrl.u32 s9, $0x1;
	s7 =	sadd.s32 s13, s7  }
0xc: {  	p0 =	por !p0, !p1;
	p2 =	sne.s32 s31, $0x0;
	s13 =	simm.s32 $0x1  }
0xd: {  	s9 =	ssub.s32 s9, s11;
	s7 =	sadd.s32 $0x10000, s7;
	p1 =	por !p0, !p0  }
0xe: {  	p0 =	sne.s32 s12, $0x0;
	s14 =	sshll.u32 @!p2 s12, $0x6;
	s12 =	simm.s32 $0x28  }
0xf: {  	s15 =	sshrl.u32 @!p2 s1, $0x3;
	s8 =	smax.u32 s9, $0x1;
	s9 =	simm.s32 $0x2  }
0x10: {  	s11 =	sshrl.u32 @!p0 s1, $0x3;
	s14 =	sor.u32 @!p2 $0x1C02, s14;
	s16 =	sshrl.u32 @p1 s1, $0x3  }
.LBB2_1:
0x11: {  	[tilespmem:s2], [sflag:$0x2] =	stream.linear.gather [hbm4b:s7+s2], $0x3E80, $0x38;
	[tilespmem:$0x42F8] =	vst v63  }
0x12: {  	_ =	swait.ge [sflag:s9], $0x3E80  }
0x13: {  	[sflag:s9] =	ssyncset.done $0x0  }
0x14: {  	[sflag:s9] =	ssyncadd.s32 $0xFFFFC180  }
0x15: {  	[tilespmem:s10], [sflag:$0x2] =	stream.linear.gather [hbm4b:s3+s2], $0x80, $0x38;
	[tilespmem:$0x42F8] =	vst v63  }
0x16: {  	_ =	swait.ge [sflag:s9], $0x80  }
0x17: {  	[sflag:s9] =	ssyncset.done $0x0  }
0x18: {  	s18 =	simm.s32 @!p0 $0x1C02;
	[sflag:s9] =	ssyncadd.s32 $0xFFFFFF80  }
0x19: {  	[spmem:s11], [sflag:s18] =	dma.local @!p0 [hbm:s4], $0x4F0  }
0x1a: {  	s18 =	simm.s32 @!p0 $0x2  }
0x1b: {  	_ =	swait.ge @!p0 [sflag:s18], $0x4F0  }
0x1c: {  	[sflag:s18] =	ssyncset.done @!p0 $0x0  }
0x1d: {  	[sflag:s18] =	ssyncadd.s32 @!p0 $0xFFFFFB10  }
0x1e: {  	s18 =	simm.s32 $0x0;
	[bflag:$0x0] =	sbarrier.arrive $0xFFFF  }
.LBB2_2:
0x1f: {  	p3 =	sne.s32 s18, $0xF800  }
.Ltmp0:
0x20: {  	_ = 	snop;
	(pc) =	sbr.rel @p3 .LBB2_2-.Ltmp0, $3  }
0x21: {  	_ =	sdelay $0x1  }
0x22: {  	s19 =	sshra.s32 s18, $0x2;
	s18 =	sadd.s32 $0x200, s18  }
0x23: {  	[spmem:s1] =	stream.indirect.scatter.add.f32 [tilespmem:s10], [sflag:$0x1], $0x1, s19, s12, $0xb8;
	[tilespmem:$0x42F8] =	vst v63  }
0x24: {  	_ =	swait.ge [sflag:s13], $0x28  }
0x25: {  	s18 =	simm.s32 $0x7C;
	[sflag:s13] =	ssyncset.done $0x0  }
.LBB2_4:
0x26: {  	p3 =	sne.s32 s18, $0x1;
	s18 =	sadd.s32 $0xFFFFFFFF, s18;
	[sflag:s13] =	ssyncadd.s32 $0xFFFFFFD8  }
.Ltmp1:
0x27: {  	(pc) =	sbr.rel @p3 .LBB2_4-.Ltmp1, $3  }
0x28: {  	_ =	sdelay $0x1  }
0x29: {  	_ =	swait.ge [sflag:s13], $0x28  }
0x2a: {  	[sflag:s13] =	ssyncset.done $0x0  }
0x2b: {  	[sflag:s13] =	ssyncadd.s32 $0xFFFFFFD8  }
0x2c: {  	s18 =	simm.s32 @!p2 $0x2;
	[bflag:$0x0] =	sbarrier.arrive $0xFFFF  }
0x2d: {  	[hbm:s5], [sflag:s14] =	dma.local @!p2 [spmem:s15], $0x4F0  }
0x2e: {  	_ =	swait.ge @!p2 [sflag:s18], $0x4F0  }
0x2f: {  	s17 =	sadd.s32 $0x1, s17;
	[sflag:s18] =	ssyncset.done @!p2 $0x0  }
0x30: {  	p3 =	sne.s32 s17, s8;
	[sflag:s18] =	ssyncadd.s32 @!p2 $0xFFFFFB10;
	s18 =	simm.s32 @p1 $0x1C02  }
0x31: {  	[hbm:s6], [sflag:s18] =	dma.local @p1 [spmem:s16], $0x4F0  }
.Ltmp2:
0x32: {  	_ = 	snop;
	(pc) =	sbr.rel @p3 .LBB2_1-.Ltmp2, $4  }
0x33: {  	s18 =	simm.s32 @p1 $0x2  }
0x34: {  	_ =	swait.ge @p1 [sflag:s18], $0x4F0  }
0x35: {  	[sflag:s18] =	ssyncset.done @p1 $0x0  }
0x36: {  	[sflag:s18] =	ssyncadd.s32 @p1 $0xFFFFFB10  }
0x37: {  	_ =	sfence.sel $0x180000  }
0x38: {  	[bflag:$0x0] =	sbarrier.arrive $0xFFFF  }
0x39: {  	_ =	strace $0x90000047  }
0x3a: {  	s0 =	sadd.s32 @!p0 $0x100000, s0;
	[bflag:$0x2] =	sbarrier.arrive $0xFFFF  }
0x3b: {  	[sflag:s0] =	ssyncadd.tile.s32 @!p0 $0x1;
	_ =	shalt  }
.Lfunc_end2:
_tile_overlayer_lowered:
.L_overlay_start_2:
0x3c: {  	(tag) =	ssettag $0x2  }
0x3d: {  	s0 =	rddreg [dreg:$0x0];
	s2 =	stileid.u32  }
0x3e: {  	s1 =	rddreg [dreg:$0x1];
	p0 =	sne.s32 s2, $0x0  }
0x3f: {  	s3 =	rddreg [dreg:$0x2];
	[bflag:$0x3] =	sbarrier.arrive $0xFFFF;
	s2 =	simm.s32 @!p0 $0x1C02  }
0x40: {  	[timem:s3], [sflag:s2] =	dma.local @!p0 [hbm:s0], s1  }
0x41: {  	s0 =	simm.s32 @!p0 $0x2  }
0x42: {  	_ =	swait.ge @!p0 [sflag:s0], s1  }
0x43: {  	s1 =	ssub.s32 @!p0 $0x0, s1;
	[sflag:s0] =	ssyncset.done @!p0 $0x0  }
0x44: {  	[sflag:s0] =	ssyncadd.s32 @!p0 s1  }
0x45: {  	[bflag:$0x3] =	sbarrier.arrive $0xFFFF  }
0x46: {  	_ =	shalt  }

</sc_bundles>
